<compile_context>
chip_gen: v7x
topology: tpu7x:2x2x1
jax: 0.10.2.dev20260603
libtpu: 0.0.44.dev20260713+nightly
codegen_flags: <defaults>
</compile_context>

<pallas_src>
import functools

import jax
import jax.numpy as jnp
from jax import lax
from jax.experimental import pallas as pl
from jax.experimental.pallas import tpu as pltpu
from jax.experimental.pallas import tpu_sc as plsc

N_NODES = 10000
N_EDGES = 320000
D_IN = 128
D_HID = 128
D_OUT = 40
D_NRW = 48

NC, NS = 2, 16
NW = NC * NS
EPW = N_EDGES // NW
EB = 80
NB = EPW // EB
EB2 = 80
EPW_P = 10000
NBP = EPW_P // EB2
RPW = 640
RPW_LAST = N_NODES - (NS - 1) * RPW
DWPW = 1000

_MESH = plsc.VectorSubcoreMesh(
    core_axis_name="c", subcore_axis_name="s", num_cores=NC, num_subcores=NS)



@functools.partial(
    pl.kernel,
    out_type=[jax.ShapeDtypeStruct((NC, 1, N_NODES), jnp.float32),
              jax.ShapeDtypeStruct((NC, 1, N_NODES), jnp.float32)],
    mesh=_MESH,
    scratch_types=[
        pltpu.VMEM((NB, EB), jnp.int32),
        pltpu.VMEM((NB, EB), jnp.int32),
        pltpu.VMEM((1024,), jnp.float32),
        pltpu.VMEM((EB,), jnp.float32),
        pltpu.VMEM_SHARED((N_NODES,), jnp.float32),
        pltpu.VMEM_SHARED((N_NODES,), jnp.float32),
        pltpu.SemaphoreType.DMA,
        pltpu.SemaphoreType.DMA,
    ],
)
def _degrees(src_hbm, dst_hbm, dgo_out, dgi_out,
             src_v, dst_v, zeros_v, ones_v, dgo_acc, dgi_acc, sem_o, sem_i):
    c = lax.axis_index("c")
    s = lax.axis_index("s")
    w = c * NS + s

    def fill_zeros(i, carry):
        zeros_v[pl.ds(i * 16, 16)] = jnp.zeros((16,), jnp.float32)
        return carry
    lax.fori_loop(0, 1024 // 16, fill_zeros, 0)

    def fill_ones(i, carry):
        ones_v[pl.ds(i * 16, 16)] = jnp.ones((16,), jnp.float32)
        return carry
    lax.fori_loop(0, EB // 16, fill_ones, 0)

    @pl.when(s < N_NODES // DWPW)
    def _():
        pltpu.sync_copy(zeros_v.at[pl.ds(0, DWPW)],
                        dgo_acc.at[pl.ds(s * DWPW, DWPW)])
        pltpu.sync_copy(zeros_v.at[pl.ds(0, DWPW)],
                        dgi_acc.at[pl.ds(s * DWPW, DWPW)])
    plsc.subcore_barrier()

    pltpu.sync_copy(src_hbm.at[w], src_v)
    pltpu.sync_copy(dst_hbm.at[w], dst_v)

    chunk = 25

    def body(cc, carry):
        def fire(t, carry2):
            j = cc * chunk + t
            pltpu.async_copy(ones_v, dgo_acc.at[src_v.at[j]], sem_o, add=True)
            pltpu.async_copy(ones_v, dgi_acc.at[dst_v.at[j]], sem_i, add=True)
            return carry2
        lax.fori_loop(0, chunk, fire, 0)

        def drain(t, carry2):
            j = cc * chunk + t
            pltpu.make_async_copy(ones_v, dgo_acc.at[src_v.at[j]], sem_o).wait()
            pltpu.make_async_copy(ones_v, dgi_acc.at[dst_v.at[j]], sem_i).wait()
            return carry2
        lax.fori_loop(0, chunk, drain, 0)
        return carry
    lax.fori_loop(0, NB // chunk, body, 0)
    plsc.subcore_barrier()

    @pl.when(s == 0)
    def _():
        pltpu.sync_copy(dgo_acc, dgo_out.at[c, 0])
        pltpu.sync_copy(dgi_acc, dgi_out.at[c, 0])


def _make_spmm(width, stage_table=False):
  scratch = [
      pltpu.VMEM((EPW_P,), jnp.int32),
      pltpu.VMEM((NBP, EB2), jnp.int32),
      pltpu.VMEM((EB2, width), jnp.float32),
      pltpu.VMEM((EB2, width), jnp.float32),
      pltpu.VMEM_SHARED((N_NODES + 8 * NS, width), jnp.float32),
      pltpu.SemaphoreType.DMA,
      pltpu.SemaphoreType.DMA,
  ]
  if stage_table:
      scratch.append(pltpu.VMEM_SHARED((N_NODES, width), jnp.float32))

  @functools.partial(
      pl.kernel,
      out_type=jax.ShapeDtypeStruct((NC, N_NODES, width), jnp.float32),
      mesh=_MESH,
      scratch_types=scratch,
      compiler_params=pltpu.CompilerParams(use_tc_tiling_on_sc=(width == D_IN)),
  )
  def _spmm(table_hbm, src_hbm, dst_hbm, out_hbm,
            src_v, dst_v, rows_a, rows_b, acc, sem_a, sem_b, *rest):
    c = lax.axis_index("c")
    s = lax.axis_index("s")
    w = c * NS + s
    vpr = width // 16

    def fill_zeros(i, carry):
        rows_a[i // vpr, pl.ds((i % vpr) * 16, 16)] = jnp.zeros((16,), jnp.float32)
        return carry
    lax.fori_loop(0, EB2 * vpr, fill_zeros, 0)

    base = s * RPW

    if stage_table:
        table_ref = rest[0]

        @pl.when(s < NS - 1)
        def _():
            pltpu.sync_copy(table_hbm.at[pl.ds(base, RPW)],
                            table_ref.at[pl.ds(base, RPW)])

        @pl.when(s == NS - 1)
        def _():
            pltpu.sync_copy(table_hbm.at[pl.ds(base, RPW_LAST)],
                            table_ref.at[pl.ds(base, RPW_LAST)])
    else:
        table_ref = table_hbm

    def _zero_rows(nrows):
        for t in range(nrows // EB2):
            pltpu.sync_copy(rows_a, acc.at[pl.ds(base + t * EB2, EB2)])
        rem = nrows % EB2
        pltpu.sync_copy(rows_a.at[pl.ds(0, rem)],
                        acc.at[pl.ds(base + nrows - rem, rem)])

    @pl.when(s < NS - 1)
    def _():
        _zero_rows(RPW)

    @pl.when(s == NS - 1)
    def _():
        _zero_rows(RPW_LAST)
    plsc.subcore_barrier()

    pltpu.sync_copy(src_hbm.at[pl.ds(w * EPW_P, EPW_P)], src_v)
    pltpu.sync_copy(dst_hbm.at[w], dst_v)

    def _gather(j, buf, sem):
        return pltpu.async_copy(
            table_ref.at[src_v.at[pl.ds(j * EB2, EB2)]], buf, sem)

    def _gather_wait(j, buf, sem):
        pltpu.make_async_copy(
            table_ref.at[src_v.at[pl.ds(j * EB2, EB2)]], buf, sem).wait()

    _gather(0, rows_a, sem_a)

    def body(jj, carry):
        j = 2 * jj
        cp_b = _gather(j + 1, rows_b, sem_b)
        _gather_wait(j, rows_a, sem_a)
        pltpu.sync_copy(rows_a, acc.at[dst_v.at[j]], add=True)
        _gather(j + 2, rows_a, sem_a)
        cp_b.wait()
        pltpu.sync_copy(rows_b, acc.at[dst_v.at[j + 1]], add=True)
        return carry
    lax.fori_loop(0, (NBP - 1) // 2, body, 0)
    _gather_wait(NBP - 1, rows_a, sem_a)
    pltpu.sync_copy(rows_a, acc.at[dst_v.at[NBP - 1]], add=True)
    plsc.subcore_barrier()

    @pl.when(s < NS - 1)
    def _():
        pltpu.sync_copy(acc.at[pl.ds(base, RPW)],
                        out_hbm.at[c, pl.ds(base, RPW)])

    @pl.when(s == NS - 1)
    def _():
        pltpu.sync_copy(acc.at[pl.ds(base, RPW_LAST)],
                        out_hbm.at[c, pl.ds(base, RPW_LAST)])
  return _spmm


_spmm = _make_spmm(D_IN)
_spmm_nrw = _make_spmm(D_NRW, stage_table=True)



def _prep_body(dgo_ref, dgi_ref, feat_ref, hs_ref, inn_ref, onn_ref):
    deg_o = dgo_ref[0] + dgo_ref[1]
    deg_i = dgi_ref[0] + dgi_ref[1]
    onn = lax.rsqrt(jnp.maximum(deg_o, 1.0))
    inn = lax.rsqrt(jnp.maximum(deg_i, 1.0))
    onn_ref[...] = onn
    inn_ref[...] = inn
    hs_ref[...] = feat_ref[...] * onn[:, None]


_prep = pl.pallas_call(
    _prep_body,
    out_shape=[jax.ShapeDtypeStruct((N_NODES, D_IN), jnp.float32),
               jax.ShapeDtypeStruct((N_NODES,), jnp.float32),
               jax.ShapeDtypeStruct((N_NODES,), jnp.float32)],
)


def _mid_body(p_ref, inn_ref, onn_ref, w_ref, b_ref, o_ref):
    agg = (p_ref[0] + p_ref[1]) * inn_ref[...][:, None]
    y = jnp.dot(agg, w_ref[...], preferred_element_type=jnp.float32)
    o_ref[...] = jnp.maximum(y + b_ref[...][None, :], 0.0) * onn_ref[...][:, None]


_mid = pl.pallas_call(
    _mid_body,
    out_shape=jax.ShapeDtypeStruct((N_NODES, D_HID), jnp.float32),
)


def _mid2_body(p_ref, inn_ref, onn_ref, w_ref, b_ref, w3_ref, o_ref):
    agg = (p_ref[0] + p_ref[1]) * inn_ref[...][:, None]
    y = jnp.dot(agg, w_ref[...], preferred_element_type=jnp.float32)
    h = jnp.maximum(y + b_ref[...][None, :], 0.0) * onn_ref[...][:, None]
    o_ref[...] = jnp.dot(h, w3_ref[...], preferred_element_type=jnp.float32)


_mid2 = pl.pallas_call(
    _mid2_body,
    out_shape=jax.ShapeDtypeStruct((N_NODES, D_NRW), jnp.float32),
)


def _final_body(p_ref, inn_ref, b_ref, o_ref):
    agg = (p_ref[0] + p_ref[1]) * inn_ref[...][:, None]
    o_ref[...] = agg[:, :D_OUT] + b_ref[...][None, :]


_final = pl.pallas_call(
    _final_body,
    out_shape=jax.ShapeDtypeStruct((N_NODES, D_OUT), jnp.float32),
)


def kernel(features, edge_index, W1, b1, W2, b2, W3, b3):
    src_r = edge_index[0].reshape(NW, EPW)
    dst_r = edge_index[1].reshape(NW, EPW)
    src_flat = jnp.pad(src_r, ((0, 0), (0, EPW_P - EPW))).reshape(-1)
    pad_idx = (N_NODES + (jnp.arange(NW)[:, None] % NS) * 8
               + (jnp.arange(EPW_P - EPW)[None, :] % 8)).astype(jnp.int32)
    dst_p = jnp.concatenate([dst_r, pad_idx], axis=1).reshape(NW, NBP, EB2)
    src = edge_index[0].reshape(NW, NB, EB)
    dst = edge_index[1].reshape(NW, NB, EB)

    dgo_p, dgi_p = _degrees(src, dst)
    hs, inn, onn = _prep(dgo_p[:, 0, :], dgi_p[:, 0, :], features)

    W3p = jnp.pad(W3, ((0, 0), (0, D_NRW - D_OUT)))

    p1 = _spmm(hs, src_flat, dst_p)
    h1 = _mid(p1, inn, onn, W1, b1)
    p2 = _spmm(h1, src_flat, dst_p)
    h2w = _mid2(p2, inn, onn, W2, b2, W3p)
    p3 = _spmm_nrw(h2w, src_flat, dst_p)
    return _final(p3, inn, b3)

# --- scband reference (transcript-rebuilt; emitter-appended) ---
"""Pipeline reference for scband-toy-gnn-54838142435546 (READ-ONLY COPY).

The authoritative reference and input builder live on the scoring server;
editing this copy changes nothing except your own understanding.
"""

import jax, jax.numpy as jnp
import numpy as np

N, E, D, H, C = 10000, 320000, 128, 128, 40


def setup_inputs(seed: int = 0) -> dict:
    key = jax.random.key(seed)
    ks = jax.random.split(key, 9)
    features = jax.random.normal(ks[0], (N, D), dtype=jnp.float32)
    edge_index = jax.random.randint(ks[1], (2, E), 0, N, dtype=jnp.int32)
    # GraphConv weights (DGL-style glorot-ish scale)
    W1 = jax.random.normal(ks[2], (D, H), dtype=jnp.float32) * (1.0 / np.sqrt(D))
    b1 = jnp.zeros((H,), dtype=jnp.float32)
    W2 = jax.random.normal(ks[3], (H, H), dtype=jnp.float32) * (1.0 / np.sqrt(H))
    b2 = jnp.zeros((H,), dtype=jnp.float32)
    W3 = jax.random.normal(ks[4], (H, C), dtype=jnp.float32) * (1.0 / np.sqrt(H))
    b3 = jnp.zeros((C,), dtype=jnp.float32)
    return {"features": features, "edge_index": edge_index,
            "W1": W1, "b1": b1, "W2": W2, "b2": b2, "W3": W3, "b3": b3}


def reference(features, edge_index, W1, b1, W2, b2, W3, b3):
    # DGL GraphConv with norm='both' (default), no self-loops added:
    #   h' = D_in^{-1/2} A D_out^{-1/2} h W + b
    src = edge_index[0]
    dst = edge_index[1]
    ones = jnp.ones((E,), dtype=jnp.float32)
    deg_out = jax.ops.segment_sum(ones, src, num_segments=N)
    deg_in = jax.ops.segment_sum(ones, dst, num_segments=N)
    out_norm = jnp.clip(deg_out, 1.0, None) ** (-0.5)
    in_norm = jnp.clip(deg_in, 1.0, None) ** (-0.5)

    def graph_conv(h, W, b):
        h = h * out_norm[:, None]
        msg = h[src]  # gather over edges
        agg = jax.ops.segment_sum(msg, dst, num_segments=N)  # scatter-add
        agg = agg * in_norm[:, None]
        return agg @ W + b

    # layers[:-1] with activation (dropout p is eval / no-op)
    h = jax.nn.relu(graph_conv(features, W1, b1))
    h = jax.nn.relu(graph_conv(h, W2, b2))
    # final layer, no activation
    out = graph_conv(h, W3, b3)
    return out

if __name__ == "__main__":
    import jax
    _d = setup_inputs()
    print(jax.jit(kernel)(*tuple(_d.values())))

</pallas_src>

<mosaic_0001>
#map = affine_map<(d0, d1) -> (0, 0, 0)>
module attributes {stable_mosaic.version = 14 : i64} {
  func.func @_degrees(%arg0: i32, %arg1: i32, %arg2: memref<32x125x80xi32, #tpu.memory_space<hbm>>, %arg3: memref<32x125x80xi32, #tpu.memory_space<hbm>>, %arg4: memref<2x1x10000xf32, #tpu.memory_space<hbm>>, %arg5: memref<2x1x10000xf32, #tpu.memory_space<hbm>>, %arg6: memref<125x80xi32, #tpu.memory_space<vmem>>, %arg7: memref<125x80xi32, #tpu.memory_space<vmem>>, %arg8: memref<1024xf32, #tpu.memory_space<vmem>>, %arg9: memref<80xf32, #tpu.memory_space<vmem>>, %arg10: memref<10000xf32, #tpu.memory_space<vmem_shared>>, %arg11: memref<10000xf32, #tpu.memory_space<vmem_shared>>, %arg12: memref<!tpu.dma_semaphore, #tpu.memory_space<semaphore_mem>>, %arg13: memref<!tpu.dma_semaphore, #tpu.memory_space<semaphore_mem>>) attributes {dimension_semantics = [#tpu.dimension_semantics<core_parallel>, #tpu.dimension_semantics<subcore_parallel>], iteration_bounds = array<i64: 2, 16>, scalar_prefetch = 0 : i64, scratch_operands = 8 : i64, tpu.core_type = #tpu.core_type<sc_vector_subcore>, window_params = [{transform_indices = #map}, {transform_indices = #map}, {transform_indices = #map}, {transform_indices = #map}]} {
    %mul3A = arith.constant 16 : i32
    %mul3A_0 = arith.muli %arg0, %mul3A : i32
    %add3A = arith.addi %mul3A_0, %arg1 : i32
    %scan3A = arith.constant 0 : i32
    %scan3A_1 = arith.constant 0 : i32
    %scan3A_2 = arith.constant 64 : i32
    %scan3A_3 = arith.addi %scan3A_1, %scan3A_2 : i32
    %scan3A_4 = arith.constant 1 : i32
    scf.for %scan3A_25 = %scan3A_1 to %scan3A_3 step %scan3A_4  : i32 {
      %broadcast_in_dim3A = arith.constant 0.000000e+00 : f32
      %broadcast_in_dim3A_26 = vector.broadcast %broadcast_in_dim3A : f32 to vector<16xf32>
      %mul3A_27 = arith.constant 16 : i32
      %mul3A_28 = arith.muli %scan3A_25, %mul3A_27 : i32
      %swap3A = arith.index_cast %mul3A_28 : i32 to index
      %swap3A_29 = tpu.vector_load %arg8[%swap3A] {strides = array<i32>} : memref<1024xf32, #tpu.memory_space<vmem>>, vector<16xf32>,
      %swap3A_30 = vector.shape_cast %swap3A_29 : vector<16xf32> to vector<16xf32>
      %swap3A_31 = vector.shape_cast %broadcast_in_dim3A_26 : vector<16xf32> to vector<16xf32>
      tpu.vector_store %arg8[%swap3A], %swap3A_31 {strides = array<i32>} : memref<1024xf32, #tpu.memory_space<vmem>>, vector<16xf32>,
    }
    %scan3A_5 = arith.constant 64 : i32
    %scan3A_6 = arith.constant 0 : i32
    %scan3A_7 = arith.constant 0 : i32
    %scan3A_8 = arith.constant 5 : i32
    %scan3A_9 = arith.addi %scan3A_7, %scan3A_8 : i32
    %scan3A_10 = arith.constant 1 : i32
    scf.for %scan3A_25 = %scan3A_7 to %scan3A_9 step %scan3A_10  : i32 {
      %broadcast_in_dim3A = arith.constant 1.000000e+00 : f32
      %broadcast_in_dim3A_26 = vector.broadcast %broadcast_in_dim3A : f32 to vector<16xf32>
      %mul3A_27 = arith.constant 16 : i32
      %mul3A_28 = arith.muli %scan3A_25, %mul3A_27 : i32
      %swap3A = arith.index_cast %mul3A_28 : i32 to index
      %swap3A_29 = tpu.vector_load %arg9[%swap3A] {strides = array<i32>} : memref<80xf32, #tpu.memory_space<vmem>>, vector<16xf32>,
      %swap3A_30 = vector.shape_cast %swap3A_29 : vector<16xf32> to vector<16xf32>
      %swap3A_31 = vector.shape_cast %broadcast_in_dim3A_26 : vector<16xf32> to vector<16xf32>
      tpu.vector_store %arg9[%swap3A], %swap3A_31 {strides = array<i32>} : memref<80xf32, #tpu.memory_space<vmem>>, vector<16xf32>,
    }
    %scan3A_11 = arith.constant 5 : i32
    %lt3A = arith.constant 10 : i32
    %lt3A_12 = arith.cmpi slt, %arg1, %lt3A : i32
    %convert_element_type3A = arith.extui %lt3A_12 : i1 to i32
    %cond3A = arith.constant 0 : i32
    %cond3A_13 = arith.cmpi ne, %convert_element_type3A, %cond3A : i32
    scf.if %cond3A_13 {
      %mul3A_25 = arith.constant 1000 : i32
      %mul3A_26 = arith.muli %arg1, %mul3A_25 : i32
      "tpu.region"() ({
        %run_scoped3A = tpu.sem_alloc : memref<!tpu.dma_semaphore, #tpu.memory_space<semaphore_mem>>
        %dma_start3A = arith.constant 0 : i32
        %dma_start3A_29 = tpu.memref_slice %arg8[%dma_start3A] : memref<1024xf32, #tpu.memory_space<vmem>> -> memref<1000xf32, #tpu.memory_space<vmem>>
        %dma_start3A_30 = tpu.memref_slice %arg10[%mul3A_26] : memref<10000xf32, #tpu.memory_space<vmem_shared>> -> memref<1000xf32, #tpu.memory_space<vmem_shared>>
        %dma_start3A_31 = tpu.memref_slice %arg10[%mul3A_26] : memref<10000xf32, #tpu.memory_space<vmem_shared>> -> memref<1000xf32, #tpu.memory_space<vmem_shared>>
        %dma_start3A_32 = arith.constant 0 : i32
        %dma_start3A_33 = tpu.memref_slice %arg8[%dma_start3A_32] : memref<1024xf32, #tpu.memory_space<vmem>> -> memref<1000xf32, #tpu.memory_space<vmem>>
        tpu.enqueue_dma source(%dma_start3A_33 : memref<1000xf32, #tpu.memory_space<vmem>>) target(%dma_start3A_31 : memref<1000xf32, #tpu.memory_space<vmem_shared>>) target_semaphore(%run_scoped3A : memref<!tpu.dma_semaphore, #tpu.memory_space<semaphore_mem>>)
        %dma_wait3A = arith.constant 0 : i32
        %dma_wait3A_34 = tpu.memref_slice %arg8[%dma_wait3A] : memref<1024xf32, #tpu.memory_space<vmem>> -> memref<1000xf32, #tpu.memory_space<vmem>>
        %dma_wait3A_35 = tpu.memref_slice %arg10[%mul3A_26] : memref<10000xf32, #tpu.memory_space<vmem_shared>> -> memref<1000xf32, #tpu.memory_space<vmem_shared>>
        %dma_wait3A_36 = tpu.memref_slice %arg10[%mul3A_26] : memref<10000xf32, #tpu.memory_space<vmem_shared>> -> memref<1000xf32, #tpu.memory_space<vmem_shared>>
        %dma_wait3A_37 = arith.constant 0 : i32
        %dma_wait3A_38 = tpu.memref_slice %arg8[%dma_wait3A_37] : memref<1024xf32, #tpu.memory_space<vmem>> -> memref<1000xf32, #tpu.memory_space<vmem>>
        tpu.wait_dma2 semaphore(%run_scoped3A : memref<!tpu.dma_semaphore, #tpu.memory_space<semaphore_mem>>) src(%dma_wait3A_38 : memref<1000xf32, #tpu.memory_space<vmem>>) dst(%dma_wait3A_36 : memref<1000xf32, #tpu.memory_space<vmem_shared>>)
        tpu.yield
      }) : () -> ()
      %mul3A_27 = arith.constant 1000 : i32
      %mul3A_28 = arith.muli %arg1, %mul3A_27 : i32
      "tpu.region"() ({
        %run_scoped3A = tpu.sem_alloc : memref<!tpu.dma_semaphore, #tpu.memory_space<semaphore_mem>>
        %dma_start3A = arith.constant 0 : i32
        %dma_start3A_29 = tpu.memref_slice %arg8[%dma_start3A] : memref<1024xf32, #tpu.memory_space<vmem>> -> memref<1000xf32, #tpu.memory_space<vmem>>
        %dma_start3A_30 = tpu.memref_slice %arg11[%mul3A_28] : memref<10000xf32, #tpu.memory_space<vmem_shared>> -> memref<1000xf32, #tpu.memory_space<vmem_shared>>
        %dma_start3A_31 = tpu.memref_slice %arg11[%mul3A_28] : memref<10000xf32, #tpu.memory_space<vmem_shared>> -> memref<1000xf32, #tpu.memory_space<vmem_shared>>
        %dma_start3A_32 = arith.constant 0 : i32
        %dma_start3A_33 = tpu.memref_slice %arg8[%dma_start3A_32] : memref<1024xf32, #tpu.memory_space<vmem>> -> memref<1000xf32, #tpu.memory_space<vmem>>
        tpu.enqueue_dma source(%dma_start3A_33 : memref<1000xf32, #tpu.memory_space<vmem>>) target(%dma_start3A_31 : memref<1000xf32, #tpu.memory_space<vmem_shared>>) target_semaphore(%run_scoped3A : memref<!tpu.dma_semaphore, #tpu.memory_space<semaphore_mem>>)
        %dma_wait3A = arith.constant 0 : i32
        %dma_wait3A_34 = tpu.memref_slice %arg8[%dma_wait3A] : memref<1024xf32, #tpu.memory_space<vmem>> -> memref<1000xf32, #tpu.memory_space<vmem>>
        %dma_wait3A_35 = tpu.memref_slice %arg11[%mul3A_28] : memref<10000xf32, #tpu.memory_space<vmem_shared>> -> memref<1000xf32, #tpu.memory_space<vmem_shared>>
        %dma_wait3A_36 = tpu.memref_slice %arg11[%mul3A_28] : memref<10000xf32, #tpu.memory_space<vmem_shared>> -> memref<1000xf32, #tpu.memory_space<vmem_shared>>
        %dma_wait3A_37 = arith.constant 0 : i32
        %dma_wait3A_38 = tpu.memref_slice %arg8[%dma_wait3A_37] : memref<1024xf32, #tpu.memory_space<vmem>> -> memref<1000xf32, #tpu.memory_space<vmem>>
        tpu.wait_dma2 semaphore(%run_scoped3A : memref<!tpu.dma_semaphore, #tpu.memory_space<semaphore_mem>>) src(%dma_wait3A_38 : memref<1000xf32, #tpu.memory_space<vmem>>) dst(%dma_wait3A_36 : memref<1000xf32, #tpu.memory_space<vmem_shared>>)
        tpu.yield
      }) : () -> ()
    } else {
    }
    %barrier3A = arith.constant 0 : index
    tpu.barrier barrier_id(%barrier3A)
    "tpu.region"() ({
      %run_scoped3A = tpu.sem_alloc : memref<!tpu.dma_semaphore, #tpu.memory_space<semaphore_mem>>
      %dma_start3A = arith.constant 0 : i32
      %dma_start3A_25 = arith.constant 0 : i32
      %dma_start3A_26 = tpu.memref_slice %arg2[%add3A, %dma_start3A, %dma_start3A_25] : memref<32x125x80xi32, #tpu.memory_space<hbm>> -> memref<1x125x80xi32, #tpu.memory_space<hbm>>
      %dma_start3A_27 = tpu.memref_squeeze %dma_start3A_26 : memref<1x125x80xi32, #tpu.memory_space<hbm>> -> memref<125x80xi32, #tpu.memory_space<hbm>>
      %dma_start3A_28 = arith.constant 0 : i32
      %dma_start3A_29 = arith.constant 0 : i32
      %dma_start3A_30 = tpu.memref_slice %arg2[%add3A, %dma_start3A_28, %dma_start3A_29] : memref<32x125x80xi32, #tpu.memory_space<hbm>> -> memref<1x125x80xi32, #tpu.memory_space<hbm>>
      %dma_start3A_31 = tpu.memref_squeeze %dma_start3A_30 : memref<1x125x80xi32, #tpu.memory_space<hbm>> -> memref<125x80xi32, #tpu.memory_space<hbm>>
      tpu.enqueue_dma source(%dma_start3A_31 : memref<125x80xi32, #tpu.memory_space<hbm>>) target(%arg6 : memref<125x80xi32, #tpu.memory_space<vmem>>) target_semaphore(%run_scoped3A : memref<!tpu.dma_semaphore, #tpu.memory_space<semaphore_mem>>)
      %dma_wait3A = arith.constant 0 : i32
      %dma_wait3A_32 = arith.constant 0 : i32
      %dma_wait3A_33 = tpu.memref_slice %arg2[%add3A, %dma_wait3A, %dma_wait3A_32] : memref<32x125x80xi32, #tpu.memory_space<hbm>> -> memref<1x125x80xi32, #tpu.memory_space<hbm>>
      %dma_wait3A_34 = tpu.memref_squeeze %dma_wait3A_33 : memref<1x125x80xi32, #tpu.memory_space<hbm>> -> memref<125x80xi32, #tpu.memory_space<hbm>>
      %dma_wait3A_35 = arith.constant 0 : i32
      %dma_wait3A_36 = arith.constant 0 : i32
      %dma_wait3A_37 = tpu.memref_slice %arg2[%add3A, %dma_wait3A_35, %dma_wait3A_36] : memref<32x125x80xi32, #tpu.memory_space<hbm>> -> memref<1x125x80xi32, #tpu.memory_space<hbm>>
      %dma_wait3A_38 = tpu.memref_squeeze %dma_wait3A_37 : memref<1x125x80xi32, #tpu.memory_space<hbm>> -> memref<125x80xi32, #tpu.memory_space<hbm>>
      tpu.wait_dma2 semaphore(%run_scoped3A : memref<!tpu.dma_semaphore, #tpu.memory_space<semaphore_mem>>) src(%dma_wait3A_38 : memref<125x80xi32, #tpu.memory_space<hbm>>) dst(%arg6 : memref<125x80xi32, #tpu.memory_space<vmem>>)
      tpu.yield
    }) : () -> ()
    "tpu.region"() ({
      %run_scoped3A = tpu.sem_alloc : memref<!tpu.dma_semaphore, #tpu.memory_space<semaphore_mem>>
      %dma_start3A = arith.constant 0 : i32
      %dma_start3A_25 = arith.constant 0 : i32
      %dma_start3A_26 = tpu.memref_slice %arg3[%add3A, %dma_start3A, %dma_start3A_25] : memref<32x125x80xi32, #tpu.memory_space<hbm>> -> memref<1x125x80xi32, #tpu.memory_space<hbm>>
      %dma_start3A_27 = tpu.memref_squeeze %dma_start3A_26 : memref<1x125x80xi32, #tpu.memory_space<hbm>> -> memref<125x80xi32, #tpu.memory_space<hbm>>
      %dma_start3A_28 = arith.constant 0 : i32
      %dma_start3A_29 = arith.constant 0 : i32
      %dma_start3A_30 = tpu.memref_slice %arg3[%add3A, %dma_start3A_28, %dma_start3A_29] : memref<32x125x80xi32, #tpu.memory_space<hbm>> -> memref<1x125x80xi32, #tpu.memory_space<hbm>>
      %dma_start3A_31 = tpu.memref_squeeze %dma_start3A_30 : memref<1x125x80xi32, #tpu.memory_space<hbm>> -> memref<125x80xi32, #tpu.memory_space<hbm>>
      tpu.enqueue_dma source(%dma_start3A_31 : memref<125x80xi32, #tpu.memory_space<hbm>>) target(%arg7 : memref<125x80xi32, #tpu.memory_space<vmem>>) target_semaphore(%run_scoped3A : memref<!tpu.dma_semaphore, #tpu.memory_space<semaphore_mem>>)
      %dma_wait3A = arith.constant 0 : i32
      %dma_wait3A_32 = arith.constant 0 : i32
      %dma_wait3A_33 = tpu.memref_slice %arg3[%add3A, %dma_wait3A, %dma_wait3A_32] : memref<32x125x80xi32, #tpu.memory_space<hbm>> -> memref<1x125x80xi32, #tpu.memory_space<hbm>>
      %dma_wait3A_34 = tpu.memref_squeeze %dma_wait3A_33 : memref<1x125x80xi32, #tpu.memory_space<hbm>> -> memref<125x80xi32, #tpu.memory_space<hbm>>
      %dma_wait3A_35 = arith.constant 0 : i32
      %dma_wait3A_36 = arith.constant 0 : i32
      %dma_wait3A_37 = tpu.memref_slice %arg3[%add3A, %dma_wait3A_35, %dma_wait3A_36] : memref<32x125x80xi32, #tpu.memory_space<hbm>> -> memref<1x125x80xi32, #tpu.memory_space<hbm>>
      %dma_wait3A_38 = tpu.memref_squeeze %dma_wait3A_37 : memref<1x125x80xi32, #tpu.memory_space<hbm>> -> memref<125x80xi32, #tpu.memory_space<hbm>>
      tpu.wait_dma2 semaphore(%run_scoped3A : memref<!tpu.dma_semaphore, #tpu.memory_space<semaphore_mem>>) src(%dma_wait3A_38 : memref<125x80xi32, #tpu.memory_space<hbm>>) dst(%arg7 : memref<125x80xi32, #tpu.memory_space<vmem>>)
      tpu.yield
    }) : () -> ()
    %scan3A_14 = arith.constant 0 : i32
    %scan3A_15 = arith.constant 0 : i32
    %scan3A_16 = arith.constant 5 : i32
    %scan3A_17 = arith.addi %scan3A_15, %scan3A_16 : i32
    %scan3A_18 = arith.constant 1 : i32
    scf.for %scan3A_25 = %scan3A_15 to %scan3A_17 step %scan3A_18  : i32 {
      %scan3A_26 = arith.constant 0 : i32
      %scan3A_27 = arith.constant 0 : i32
      %scan3A_28 = arith.constant 25 : i32
      %scan3A_29 = arith.addi %scan3A_27, %scan3A_28 : i32
      %scan3A_30 = arith.constant 1 : i32
      scf.for %scan3A_38 = %scan3A_27 to %scan3A_29 step %scan3A_30  : i32 {
        %mul3A_39 = arith.constant 25 : i32
        %mul3A_40 = arith.muli %scan3A_25, %mul3A_39 : i32
        %add3A_41 = arith.addi %mul3A_40, %scan3A_38 : i32
        %dma_start3A = arith.constant 0 : i32
        %dma_start3A_42 = tpu.memref_slice %arg6[%add3A_41, %dma_start3A] : memref<125x80xi32, #tpu.memory_space<vmem>> -> memref<1x80xi32, #tpu.memory_space<vmem>>
        %dma_start3A_43 = tpu.memref_squeeze %dma_start3A_42 : memref<1x80xi32, #tpu.memory_space<vmem>> -> memref<80xi32, #tpu.memory_space<vmem>>
        %dma_start3A_44 = arith.constant 0 : i32
        %dma_start3A_45 = tpu.memref_slice %arg10[%dma_start3A_44] : memref<10000xf32, #tpu.memory_space<vmem_shared>> -> memref<10000xf32, #tpu.memory_space<vmem_shared>>
        tpu.enqueue_indirect_dma source(%arg9 : memref<80xf32, #tpu.memory_space<vmem>>) target(%dma_start3A_45 : memref<10000xf32, #tpu.memory_space<vmem_shared>>) offsets(%dma_start3A_43 : memref<80xi32, #tpu.memory_space<vmem>>) semaphore(%arg12 : memref<!tpu.dma_semaphore, #tpu.memory_space<semaphore_mem>>) {add = true}
        %dma_start3A_46 = arith.constant 0 : i32
        %dma_start3A_47 = tpu.memref_slice %arg7[%add3A_41, %dma_start3A_46] : memref<125x80xi32, #tpu.memory_space<vmem>> -> memref<1x80xi32, #tpu.memory_space<vmem>>
        %dma_start3A_48 = tpu.memref_squeeze %dma_start3A_47 : memref<1x80xi32, #tpu.memory_space<vmem>> -> memref<80xi32, #tpu.memory_space<vmem>>
        %dma_start3A_49 = arith.constant 0 : i32
        %dma_start3A_50 = tpu.memref_slice %arg11[%dma_start3A_49] : memref<10000xf32, #tpu.memory_space<vmem_shared>> -> memref<10000xf32, #tpu.memory_space<vmem_shared>>
        tpu.enqueue_indirect_dma source(%arg9 : memref<80xf32, #tpu.memory_space<vmem>>) target(%dma_start3A_50 : memref<10000xf32, #tpu.memory_space<vmem_shared>>) offsets(%dma_start3A_48 : memref<80xi32, #tpu.memory_space<vmem>>) semaphore(%arg13 : memref<!tpu.dma_semaphore, #tpu.memory_space<semaphore_mem>>) {add = true}
      }
      %scan3A_31 = arith.constant 25 : i32
      %scan3A_32 = arith.constant 0 : i32
      %scan3A_33 = arith.constant 0 : i32
      %scan3A_34 = arith.constant 25 : i32
      %scan3A_35 = arith.addi %scan3A_33, %scan3A_34 : i32
      %scan3A_36 = arith.constant 1 : i32
      scf.for %scan3A_38 = %scan3A_33 to %scan3A_35 step %scan3A_36  : i32 {
        %mul3A_39 = arith.constant 25 : i32
        %mul3A_40 = arith.muli %scan3A_25, %mul3A_39 : i32
        %add3A_41 = arith.addi %mul3A_40, %scan3A_38 : i32
        %dma_wait3A = arith.constant 0 : i32
        %dma_wait3A_42 = tpu.memref_slice %arg6[%add3A_41, %dma_wait3A] : memref<125x80xi32, #tpu.memory_space<vmem>> -> memref<1x80xi32, #tpu.memory_space<vmem>>
        %dma_wait3A_43 = tpu.memref_squeeze %dma_wait3A_42 : memref<1x80xi32, #tpu.memory_space<vmem>> -> memref<80xi32, #tpu.memory_space<vmem>>
        %dma_wait3A_44 = arith.constant 0 : i32
        %dma_wait3A_45 = tpu.memref_slice %arg10[%dma_wait3A_44] : memref<10000xf32, #tpu.memory_space<vmem_shared>> -> memref<10000xf32, #tpu.memory_space<vmem_shared>>
        tpu.wait_indirect_dma semaphore(%arg12 : memref<!tpu.dma_semaphore, #tpu.memory_space<semaphore_mem>>) src(%arg9 : memref<80xf32, #tpu.memory_space<vmem>>) dst(%dma_wait3A_45 : memref<10000xf32, #tpu.memory_space<vmem_shared>>)
        %dma_wait3A_46 = arith.constant 0 : i32
        %dma_wait3A_47 = tpu.memref_slice %arg7[%add3A_41, %dma_wait3A_46] : memref<125x80xi32, #tpu.memory_space<vmem>> -> memref<1x80xi32, #tpu.memory_space<vmem>>
        %dma_wait3A_48 = tpu.memref_squeeze %dma_wait3A_47 : memref<1x80xi32, #tpu.memory_space<vmem>> -> memref<80xi32, #tpu.memory_space<vmem>>
        %dma_wait3A_49 = arith.constant 0 : i32
        %dma_wait3A_50 = tpu.memref_slice %arg11[%dma_wait3A_49] : memref<10000xf32, #tpu.memory_space<vmem_shared>> -> memref<10000xf32, #tpu.memory_space<vmem_shared>>
        tpu.wait_indirect_dma semaphore(%arg13 : memref<!tpu.dma_semaphore, #tpu.memory_space<semaphore_mem>>) src(%arg9 : memref<80xf32, #tpu.memory_space<vmem>>) dst(%dma_wait3A_50 : memref<10000xf32, #tpu.memory_space<vmem_shared>>)
      }
      %scan3A_37 = arith.constant 25 : i32
    }
    %scan3A_19 = arith.constant 5 : i32
    %barrier3A_20 = arith.constant 0 : index
    tpu.barrier barrier_id(%barrier3A_20)
    %eq3A = arith.constant 0 : i32
    %eq3A_21 = arith.cmpi eq, %arg1, %eq3A : i32
    %convert_element_type3A_22 = arith.extui %eq3A_21 : i1 to i32
    %cond3A_23 = arith.constant 0 : i32
    %cond3A_24 = arith.cmpi ne, %convert_element_type3A_22, %cond3A_23 : i32
    scf.if %cond3A_24 {
      %run_scoped3A = arith.constant 0 : i32
      "tpu.region"() ({
        %run_scoped3A_26 = tpu.sem_alloc : memref<!tpu.dma_semaphore, #tpu.memory_space<semaphore_mem>>
        %dma_start3A = arith.constant 0 : i32
        %dma_start3A_27 = tpu.memref_slice %arg4[%arg0, %run_scoped3A, %dma_start3A] : memref<2x1x10000xf32, #tpu.memory_space<hbm>> -> memref<1x1x10000xf32, #tpu.memory_space<hbm>>
        %dma_start3A_28 = tpu.memref_squeeze %dma_start3A_27 : memref<1x1x10000xf32, #tpu.memory_space<hbm>> -> memref<10000xf32, #tpu.memory_space<hbm>>
        tpu.enqueue_dma source(%arg10 : memref<10000xf32, #tpu.memory_space<vmem_shared>>) target(%dma_start3A_28 : memref<10000xf32, #tpu.memory_space<hbm>>) target_semaphore(%run_scoped3A_26 : memref<!tpu.dma_semaphore, #tpu.memory_space<semaphore_mem>>)
        %dma_wait3A = arith.constant 0 : i32
        %dma_wait3A_29 = tpu.memref_slice %arg4[%arg0, %run_scoped3A, %dma_wait3A] : memref<2x1x10000xf32, #tpu.memory_space<hbm>> -> memref<1x1x10000xf32, #tpu.memory_space<hbm>>
        %dma_wait3A_30 = tpu.memref_squeeze %dma_wait3A_29 : memref<1x1x10000xf32, #tpu.memory_space<hbm>> -> memref<10000xf32, #tpu.memory_space<hbm>>
        tpu.wait_dma2 semaphore(%run_scoped3A_26 : memref<!tpu.dma_semaphore, #tpu.memory_space<semaphore_mem>>) src(%arg10 : memref<10000xf32, #tpu.memory_space<vmem_shared>>) dst(%dma_wait3A_30 : memref<10000xf32, #tpu.memory_space<hbm>>)
        tpu.yield
      }) : () -> ()
      %run_scoped3A_25 = arith.constant 0 : i32
      "tpu.region"() ({
        %run_scoped3A_26 = tpu.sem_alloc : memref<!tpu.dma_semaphore, #tpu.memory_space<semaphore_mem>>
        %dma_start3A = arith.constant 0 : i32
        %dma_start3A_27 = tpu.memref_slice %arg5[%arg0, %run_scoped3A_25, %dma_start3A] : memref<2x1x10000xf32, #tpu.memory_space<hbm>> -> memref<1x1x10000xf32, #tpu.memory_space<hbm>>
        %dma_start3A_28 = tpu.memref_squeeze %dma_start3A_27 : memref<1x1x10000xf32, #tpu.memory_space<hbm>> -> memref<10000xf32, #tpu.memory_space<hbm>>
        tpu.enqueue_dma source(%arg11 : memref<10000xf32, #tpu.memory_space<vmem_shared>>) target(%dma_start3A_28 : memref<10000xf32, #tpu.memory_space<hbm>>) target_semaphore(%run_scoped3A_26 : memref<!tpu.dma_semaphore, #tpu.memory_space<semaphore_mem>>)
        %dma_wait3A = arith.constant 0 : i32
        %dma_wait3A_29 = tpu.memref_slice %arg5[%arg0, %run_scoped3A_25, %dma_wait3A] : memref<2x1x10000xf32, #tpu.memory_space<hbm>> -> memref<1x1x10000xf32, #tpu.memory_space<hbm>>
        %dma_wait3A_30 = tpu.memref_squeeze %dma_wait3A_29 : memref<1x1x10000xf32, #tpu.memory_space<hbm>> -> memref<10000xf32, #tpu.memory_space<hbm>>
        tpu.wait_dma2 semaphore(%run_scoped3A_26 : memref<!tpu.dma_semaphore, #tpu.memory_space<semaphore_mem>>) src(%arg11 : memref<10000xf32, #tpu.memory_space<vmem_shared>>) dst(%dma_wait3A_30 : memref<10000xf32, #tpu.memory_space<hbm>>)
        tpu.yield
      }) : () -> ()
    } else {
    }
    return
  }
}

#map = affine_map<(d0, d1) -> (0, 0)>
#map1 = affine_map<(d0, d1) -> (0)>
#map2 = affine_map<(d0, d1) -> (0, 0, 0)>
module attributes {stable_mosaic.version = 14 : i64} {
  func.func @_spmm(%arg0: i32, %arg1: i32, %arg2: memref<10000x128xf32, #tpu.memory_space<hbm>>, %arg3: memref<320000xi32, #tpu.memory_space<hbm>>, %arg4: memref<32x125x80xi32, #tpu.memory_space<hbm>>, %arg5: memref<2x10000x128xf32, #tpu.memory_space<hbm>>, %arg6: memref<10000xi32, #tpu.memory_space<vmem>>, %arg7: memref<125x80xi32, #tpu.memory_space<vmem>>, %arg8: memref<80x128xf32, #tpu.memory_space<vmem>>, %arg9: memref<80x128xf32, #tpu.memory_space<vmem>>, %arg10: memref<10128x128xf32, #tpu.memory_space<vmem_shared>>, %arg11: memref<!tpu.dma_semaphore, #tpu.memory_space<semaphore_mem>>, %arg12: memref<!tpu.dma_semaphore, #tpu.memory_space<semaphore_mem>>) attributes {dimension_semantics = [#tpu.dimension_semantics<core_parallel>, #tpu.dimension_semantics<subcore_parallel>], iteration_bounds = array<i64: 2, 16>, scalar_prefetch = 0 : i64, scratch_operands = 7 : i64, tpu.core_type = #tpu.core_type<sc_vector_subcore>, window_params = [{transform_indices = #map}, {transform_indices = #map1}, {transform_indices = #map2}, {transform_indices = #map2}]} {
    %mul3A = arith.constant 16 : i32
    %mul3A_0 = arith.muli %arg0, %mul3A : i32
    %add3A = arith.addi %mul3A_0, %arg1 : i32
    %scan3A = arith.constant 0 : i32
    %scan3A_1 = arith.constant 0 : i32
    %scan3A_2 = arith.constant 640 : i32
    %scan3A_3 = arith.addi %scan3A_1, %scan3A_2 : i32
    %scan3A_4 = arith.constant 1 : i32
    scf.for %scan3A_41 = %scan3A_1 to %scan3A_3 step %scan3A_4  : i32 {
      %broadcast_in_dim3A = arith.constant 0.000000e+00 : f32
      %broadcast_in_dim3A_42 = vector.broadcast %broadcast_in_dim3A : f32 to vector<16xf32>
      %jit3A = arith.constant 8 : i32
      %div3A = arith.divsi %scan3A_41, %jit3A : i32
      %sign3A = arith.constant 0 : i32
      %sign3A_43 = arith.cmpi sgt, %scan3A_41, %sign3A : i32
      %sign3A_44 = arith.extui %sign3A_43 : i1 to i32
      %sign3A_45 = arith.constant 0 : i32
      %sign3A_46 = arith.cmpi slt, %scan3A_41, %sign3A_45 : i32
      %sign3A_47 = arith.extui %sign3A_46 : i1 to i32
      %sign3A_48 = arith.subi %sign3A_44, %sign3A_47 : i32
      %sign3A_49 = arith.constant 0 : i32
      %sign3A_50 = arith.cmpi sgt, %jit3A, %sign3A_49 : i32
      %sign3A_51 = arith.extui %sign3A_50 : i1 to i32
      %sign3A_52 = arith.constant 0 : i32
      %sign3A_53 = arith.cmpi slt, %jit3A, %sign3A_52 : i32
      %sign3A_54 = arith.extui %sign3A_53 : i1 to i32
      %sign3A_55 = arith.subi %sign3A_51, %sign3A_54 : i32
      %ne3A = arith.cmpi ne, %sign3A_48, %sign3A_55 : i32
      %rem3A = arith.remsi %scan3A_41, %jit3A : i32
      %ne3A_56 = arith.constant 0 : i32
      %ne3A_57 = arith.cmpi ne, %rem3A, %ne3A_56 : i32
      %and3A = arith.andi %ne3A, %ne3A_57 : i1
      %sub3A = arith.constant 1 : i32
      %sub3A_58 = arith.subi %div3A, %sub3A : i32
      %select_n3A = arith.select %and3A, %sub3A_58, %div3A : i32
      %jit3A_59 = arith.constant 8 : i32
      %eq3A_60 = arith.constant 0 : i32
      %eq3A_61 = arith.cmpi eq, %jit3A_59, %eq3A_60 : i32
      %jit3A_62 = arith.constant 1 : i32
      %select_n3A_63 = arith.select %eq3A_61, %jit3A_62, %jit3A_59 : i32
      %rem3A_64 = arith.remsi %scan3A_41, %select_n3A_63 : i32
      %ne3A_65 = arith.constant 0 : i32
      %ne3A_66 = arith.cmpi ne, %rem3A_64, %ne3A_65 : i32
      %lt3A_67 = arith.constant 0 : i32
      %lt3A_68 = arith.cmpi slt, %rem3A_64, %lt3A_67 : i32
      %lt3A_69 = arith.constant 0 : i32
      %lt3A_70 = arith.cmpi slt, %select_n3A_63, %lt3A_69 : i32
      %ne3A_71 = arith.xori %lt3A_68, %lt3A_70 : i1
      %and3A_72 = arith.andi %ne3A_71, %ne3A_66 : i1
      %add3A_73 = arith.addi %rem3A_64, %select_n3A_63 : i32
      %select_n3A_74 = arith.select %and3A_72, %add3A_73, %rem3A_64 : i32
      %mul3A_75 = arith.constant 16 : i32
      %mul3A_76 = arith.muli %select_n3A_74, %mul3A_75 : i32
      %swap3A = arith.index_cast %select_n3A : i32 to index
      %swap3A_77 = arith.index_cast %mul3A_76 : i32 to index
      %swap3A_78 = tpu.vector_load %arg8[%swap3A, %swap3A_77] {strides = array<i32>} : memref<80x128xf32, #tpu.memory_space<vmem>>, vector<1x16xf32>,
      %swap3A_79 = vector.shape_cast %swap3A_78 : vector<1x16xf32> to vector<16xf32>
      %swap3A_80 = vector.shape_cast %broadcast_in_dim3A_42 : vector<16xf32> to vector<1x16xf32>
      tpu.vector_store %arg8[%swap3A, %swap3A_77], %swap3A_80 {strides = array<i32>} : memref<80x128xf32, #tpu.memory_space<vmem>>, vector<1x16xf32>,
    }
    %scan3A_5 = arith.constant 640 : i32
    %mul3A_6 = arith.constant 640 : i32
    %mul3A_7 = arith.muli %arg1, %mul3A_6 : i32
    %lt3A = arith.constant 15 : i32
    %lt3A_8 = arith.cmpi slt, %arg1, %lt3A : i32
    %convert_element_type3A = arith.extui %lt3A_8 : i1 to i32
    %cond3A = arith.constant 0 : i32
    %cond3A_9 = arith.cmpi ne, %convert_element_type3A, %cond3A : i32
    scf.if %cond3A_9 {
      %add3A_41 = arith.constant 0 : i32
      %add3A_42 = arith.addi %mul3A_7, %add3A_41 : i32
      "tpu.region"() ({
        %run_scoped3A_60 = tpu.sem_alloc : memref<!tpu.dma_semaphore, #tpu.memory_space<semaphore_mem>>
        %dma_start3A_61 = arith.constant 0 : i32
        %dma_start3A_62 = tpu.memref_slice %arg10[%add3A_42, %dma_start3A_61] : memref<10128x128xf32, #tpu.memory_space<vmem_shared>> -> memref<80x128xf32, #tpu.memory_space<vmem_shared>>
        %dma_start3A_63 = arith.constant 0 : i32
        %dma_start3A_64 = tpu.memref_slice %arg10[%add3A_42, %dma_start3A_63] : memref<10128x128xf32, #tpu.memory_space<vmem_shared>> -> memref<80x128xf32, #tpu.memory_space<vmem_shared>>
        tpu.enqueue_dma source(%arg8 : memref<80x128xf32, #tpu.memory_space<vmem>>) target(%dma_start3A_64 : memref<80x128xf32, #tpu.memory_space<vmem_shared>>) target_semaphore(%run_scoped3A_60 : memref<!tpu.dma_semaphore, #tpu.memory_space<semaphore_mem>>)
        %dma_wait3A_65 = arith.constant 0 : i32
        %dma_wait3A_66 = tpu.memref_slice %arg10[%add3A_42, %dma_wait3A_65] : memref<10128x128xf32, #tpu.memory_space<vmem_shared>> -> memref<80x128xf32, #tpu.memory_space<vmem_shared>>
        %dma_wait3A_67 = arith.constant 0 : i32
        %dma_wait3A_68 = tpu.memref_slice %arg10[%add3A_42, %dma_wait3A_67] : memref<10128x128xf32, #tpu.memory_space<vmem_shared>> -> memref<80x128xf32, #tpu.memory_space<vmem_shared>>
        tpu.wait_dma2 semaphore(%run_scoped3A_60 : memref<!tpu.dma_semaphore, #tpu.memory_space<semaphore_mem>>) src(%arg8 : memref<80x128xf32, #tpu.memory_space<vmem>>) dst(%dma_wait3A_68 : memref<80x128xf32, #tpu.memory_space<vmem_shared>>)
        tpu.yield
      }) : () -> ()
      %add3A_43 = arith.constant 80 : i32
      %add3A_44 = arith.addi %mul3A_7, %add3A_43 : i32
      "tpu.region"() ({
        %run_scoped3A_60 = tpu.sem_alloc : memref<!tpu.dma_semaphore, #tpu.memory_space<semaphore_mem>>
        %dma_start3A_61 = arith.constant 0 : i32
        %dma_start3A_62 = tpu.memref_slice %arg10[%add3A_44, %dma_start3A_61] : memref<10128x128xf32, #tpu.memory_space<vmem_shared>> -> memref<80x128xf32, #tpu.memory_space<vmem_shared>>
        %dma_start3A_63 = arith.constant 0 : i32
        %dma_start3A_64 = tpu.memref_slice %arg10[%add3A_44, %dma_start3A_63] : memref<10128x128xf32, #tpu.memory_space<vmem_shared>> -> memref<80x128xf32, #tpu.memory_space<vmem_shared>>
        tpu.enqueue_dma source(%arg8 : memref<80x128xf32, #tpu.memory_space<vmem>>) target(%dma_start3A_64 : memref<80x128xf32, #tpu.memory_space<vmem_shared>>) target_semaphore(%run_scoped3A_60 : memref<!tpu.dma_semaphore, #tpu.memory_space<semaphore_mem>>)
        %dma_wait3A_65 = arith.constant 0 : i32
        %dma_wait3A_66 = tpu.memref_slice %arg10[%add3A_44, %dma_wait3A_65] : memref<10128x128xf32, #tpu.memory_space<vmem_shared>> -> memref<80x128xf32, #tpu.memory_space<vmem_shared>>
        %dma_wait3A_67 = arith.constant 0 : i32
        %dma_wait3A_68 = tpu.memref_slice %arg10[%add3A_44, %dma_wait3A_67] : memref<10128x128xf32, #tpu.memory_space<vmem_shared>> -> memref<80x128xf32, #tpu.memory_space<vmem_shared>>
        tpu.wait_dma2 semaphore(%run_scoped3A_60 : memref<!tpu.dma_semaphore, #tpu.memory_space<semaphore_mem>>) src(%arg8 : memref<80x128xf32, #tpu.memory_space<vmem>>) dst(%dma_wait3A_68 : memref<80x128xf32, #tpu.memory_space<vmem_shared>>)
        tpu.yield
      }) : () -> ()
      %add3A_45 = arith.constant 160 : i32
      %add3A_46 = arith.addi %mul3A_7, %add3A_45 : i32
      "tpu.region"() ({
        %run_scoped3A_60 = tpu.sem_alloc : memref<!tpu.dma_semaphore, #tpu.memory_space<semaphore_mem>>
        %dma_start3A_61 = arith.constant 0 : i32
        %dma_start3A_62 = tpu.memref_slice %arg10[%add3A_46, %dma_start3A_61] : memref<10128x128xf32, #tpu.memory_space<vmem_shared>> -> memref<80x128xf32, #tpu.memory_space<vmem_shared>>
        %dma_start3A_63 = arith.constant 0 : i32
        %dma_start3A_64 = tpu.memref_slice %arg10[%add3A_46, %dma_start3A_63] : memref<10128x128xf32, #tpu.memory_space<vmem_shared>> -> memref<80x128xf32, #tpu.memory_space<vmem_shared>>
        tpu.enqueue_dma source(%arg8 : memref<80x128xf32, #tpu.memory_space<vmem>>) target(%dma_start3A_64 : memref<80x128xf32, #tpu.memory_space<vmem_shared>>) target_semaphore(%run_scoped3A_60 : memref<!tpu.dma_semaphore, #tpu.memory_space<semaphore_mem>>)
        %dma_wait3A_65 = arith.constant 0 : i32
        %dma_wait3A_66 = tpu.memref_slice %arg10[%add3A_46, %dma_wait3A_65] : memref<10128x128xf32, #tpu.memory_space<vmem_shared>> -> memref<80x128xf32, #tpu.memory_space<vmem_shared>>
        %dma_wait3A_67 = arith.constant 0 : i32
        %dma_wait3A_68 = tpu.memref_slice %arg10[%add3A_46, %dma_wait3A_67] : memref<10128x128xf32, #tpu.memory_space<vmem_shared>> -> memref<80x128xf32, #tpu.memory_space<vmem_shared>>
        tpu.wait_dma2 semaphore(%run_scoped3A_60 : memref<!tpu.dma_semaphore, #tpu.memory_space<semaphore_mem>>) src(%arg8 : memref<80x128xf32, #tpu.memory_space<vmem>>) dst(%dma_wait3A_68 : memref<80x128xf32, #tpu.memory_space<vmem_shared>>)
        tpu.yield
      }) : () -> ()
      %add3A_47 = arith.constant 240 : i32
      %add3A_48 = arith.addi %mul3A_7, %add3A_47 : i32
      "tpu.region"() ({
        %run_scoped3A_60 = tpu.sem_alloc : memref<!tpu.dma_semaphore, #tpu.memory_space<semaphore_mem>>
        %dma_start3A_61 = arith.constant 0 : i32
        %dma_start3A_62 = tpu.memref_slice %arg10[%add3A_48, %dma_start3A_61] : memref<10128x128xf32, #tpu.memory_space<vmem_shared>> -> memref<80x128xf32, #tpu.memory_space<vmem_shared>>
        %dma_start3A_63 = arith.constant 0 : i32
        %dma_start3A_64 = tpu.memref_slice %arg10[%add3A_48, %dma_start3A_63] : memref<10128x128xf32, #tpu.memory_space<vmem_shared>> -> memref<80x128xf32, #tpu.memory_space<vmem_shared>>
        tpu.enqueue_dma source(%arg8 : memref<80x128xf32, #tpu.memory_space<vmem>>) target(%dma_start3A_64 : memref<80x128xf32, #tpu.memory_space<vmem_shared>>) target_semaphore(%run_scoped3A_60 : memref<!tpu.dma_semaphore, #tpu.memory_space<semaphore_mem>>)
        %dma_wait3A_65 = arith.constant 0 : i32
        %dma_wait3A_66 = tpu.memref_slice %arg10[%add3A_48, %dma_wait3A_65] : memref<10128x128xf32, #tpu.memory_space<vmem_shared>> -> memref<80x128xf32, #tpu.memory_space<vmem_shared>>
        %dma_wait3A_67 = arith.constant 0 : i32
        %dma_wait3A_68 = tpu.memref_slice %arg10[%add3A_48, %dma_wait3A_67] : memref<10128x128xf32, #tpu.memory_space<vmem_shared>> -> memref<80x128xf32, #tpu.memory_space<vmem_shared>>
        tpu.wait_dma2 semaphore(%run_scoped3A_60 : memref<!tpu.dma_semaphore, #tpu.memory_space<semaphore_mem>>) src(%arg8 : memref<80x128xf32, #tpu.memory_space<vmem>>) dst(%dma_wait3A_68 : memref<80x128xf32, #tpu.memory_space<vmem_shared>>)
        tpu.yield
      }) : () -> ()
      %add3A_49 = arith.constant 320 : i32
      %add3A_50 = arith.addi %mul3A_7, %add3A_49 : i32
      "tpu.region"() ({
        %run_scoped3A_60 = tpu.sem_alloc : memref<!tpu.dma_semaphore, #tpu.memory_space<semaphore_mem>>
        %dma_start3A_61 = arith.constant 0 : i32
        %dma_start3A_62 = tpu.memref_slice %arg10[%add3A_50, %dma_start3A_61] : memref<10128x128xf32, #tpu.memory_space<vmem_shared>> -> memref<80x128xf32, #tpu.memory_space<vmem_shared>>
        %dma_start3A_63 = arith.constant 0 : i32
        %dma_start3A_64 = tpu.memref_slice %arg10[%add3A_50, %dma_start3A_63] : memref<10128x128xf32, #tpu.memory_space<vmem_shared>> -> memref<80x128xf32, #tpu.memory_space<vmem_shared>>
        tpu.enqueue_dma source(%arg8 : memref<80x128xf32, #tpu.memory_space<vmem>>) target(%dma_start3A_64 : memref<80x128xf32, #tpu.memory_space<vmem_shared>>) target_semaphore(%run_scoped3A_60 : memref<!tpu.dma_semaphore, #tpu.memory_space<semaphore_mem>>)
        %dma_wait3A_65 = arith.constant 0 : i32
        %dma_wait3A_66 = tpu.memref_slice %arg10[%add3A_50, %dma_wait3A_65] : memref<10128x128xf32, #tpu.memory_space<vmem_shared>> -> memref<80x128xf32, #tpu.memory_space<vmem_shared>>
        %dma_wait3A_67 = arith.constant 0 : i32
        %dma_wait3A_68 = tpu.memref_slice %arg10[%add3A_50, %dma_wait3A_67] : memref<10128x128xf32, #tpu.memory_space<vmem_shared>> -> memref<80x128xf32, #tpu.memory_space<vmem_shared>>
        tpu.wait_dma2 semaphore(%run_scoped3A_60 : memref<!tpu.dma_semaphore, #tpu.memory_space<semaphore_mem>>) src(%arg8 : memref<80x128xf32, #tpu.memory_space<vmem>>) dst(%dma_wait3A_68 : memref<80x128xf32, #tpu.memory_space<vmem_shared>>)
        tpu.yield
      }) : () -> ()
      %add3A_51 = arith.constant 400 : i32
      %add3A_52 = arith.addi %mul3A_7, %add3A_51 : i32
      "tpu.region"() ({
        %run_scoped3A_60 = tpu.sem_alloc : memref<!tpu.dma_semaphore, #tpu.memory_space<semaphore_mem>>
        %dma_start3A_61 = arith.constant 0 : i32
        %dma_start3A_62 = tpu.memref_slice %arg10[%add3A_52, %dma_start3A_61] : memref<10128x128xf32, #tpu.memory_space<vmem_shared>> -> memref<80x128xf32, #tpu.memory_space<vmem_shared>>
        %dma_start3A_63 = arith.constant 0 : i32
        %dma_start3A_64 = tpu.memref_slice %arg10[%add3A_52, %dma_start3A_63] : memref<10128x128xf32, #tpu.memory_space<vmem_shared>> -> memref<80x128xf32, #tpu.memory_space<vmem_shared>>
        tpu.enqueue_dma source(%arg8 : memref<80x128xf32, #tpu.memory_space<vmem>>) target(%dma_start3A_64 : memref<80x128xf32, #tpu.memory_space<vmem_shared>>) target_semaphore(%run_scoped3A_60 : memref<!tpu.dma_semaphore, #tpu.memory_space<semaphore_mem>>)
        %dma_wait3A_65 = arith.constant 0 : i32
        %dma_wait3A_66 = tpu.memref_slice %arg10[%add3A_52, %dma_wait3A_65] : memref<10128x128xf32, #tpu.memory_space<vmem_shared>> -> memref<80x128xf32, #tpu.memory_space<vmem_shared>>
        %dma_wait3A_67 = arith.constant 0 : i32
        %dma_wait3A_68 = tpu.memref_slice %arg10[%add3A_52, %dma_wait3A_67] : memref<10128x128xf32, #tpu.memory_space<vmem_shared>> -> memref<80x128xf32, #tpu.memory_space<vmem_shared>>
        tpu.wait_dma2 semaphore(%run_scoped3A_60 : memref<!tpu.dma_semaphore, #tpu.memory_space<semaphore_mem>>) src(%arg8 : memref<80x128xf32, #tpu.memory_space<vmem>>) dst(%dma_wait3A_68 : memref<80x128xf32, #tpu.memory_space<vmem_shared>>)
        tpu.yield
      }) : () -> ()
      %add3A_53 = arith.constant 480 : i32
      %add3A_54 = arith.addi %mul3A_7, %add3A_53 : i32
      "tpu.region"() ({
        %run_scoped3A_60 = tpu.sem_alloc : memref<!tpu.dma_semaphore, #tpu.memory_space<semaphore_mem>>
        %dma_start3A_61 = arith.constant 0 : i32
        %dma_start3A_62 = tpu.memref_slice %arg10[%add3A_54, %dma_start3A_61] : memref<10128x128xf32, #tpu.memory_space<vmem_shared>> -> memref<80x128xf32, #tpu.memory_space<vmem_shared>>
        %dma_start3A_63 = arith.constant 0 : i32
        %dma_start3A_64 = tpu.memref_slice %arg10[%add3A_54, %dma_start3A_63] : memref<10128x128xf32, #tpu.memory_space<vmem_shared>> -> memref<80x128xf32, #tpu.memory_space<vmem_shared>>
        tpu.enqueue_dma source(%arg8 : memref<80x128xf32, #tpu.memory_space<vmem>>) target(%dma_start3A_64 : memref<80x128xf32, #tpu.memory_space<vmem_shared>>) target_semaphore(%run_scoped3A_60 : memref<!tpu.dma_semaphore, #tpu.memory_space<semaphore_mem>>)
        %dma_wait3A_65 = arith.constant 0 : i32
        %dma_wait3A_66 = tpu.memref_slice %arg10[%add3A_54, %dma_wait3A_65] : memref<10128x128xf32, #tpu.memory_space<vmem_shared>> -> memref<80x128xf32, #tpu.memory_space<vmem_shared>>
        %dma_wait3A_67 = arith.constant 0 : i32
        %dma_wait3A_68 = tpu.memref_slice %arg10[%add3A_54, %dma_wait3A_67] : memref<10128x128xf32, #tpu.memory_space<vmem_shared>> -> memref<80x128xf32, #tpu.memory_space<vmem_shared>>
        tpu.wait_dma2 semaphore(%run_scoped3A_60 : memref<!tpu.dma_semaphore, #tpu.memory_space<semaphore_mem>>) src(%arg8 : memref<80x128xf32, #tpu.memory_space<vmem>>) dst(%dma_wait3A_68 : memref<80x128xf32, #tpu.memory_space<vmem_shared>>)
        tpu.yield
      }) : () -> ()
      %add3A_55 = arith.constant 560 : i32
      %add3A_56 = arith.addi %mul3A_7, %add3A_55 : i32
      "tpu.region"() ({
        %run_scoped3A_60 = tpu.sem_alloc : memref<!tpu.dma_semaphore, #tpu.memory_space<semaphore_mem>>
        %dma_start3A_61 = arith.constant 0 : i32
        %dma_start3A_62 = tpu.memref_slice %arg10[%add3A_56, %dma_start3A_61] : memref<10128x128xf32, #tpu.memory_space<vmem_shared>> -> memref<80x128xf32, #tpu.memory_space<vmem_shared>>
        %dma_start3A_63 = arith.constant 0 : i32
        %dma_start3A_64 = tpu.memref_slice %arg10[%add3A_56, %dma_start3A_63] : memref<10128x128xf32, #tpu.memory_space<vmem_shared>> -> memref<80x128xf32, #tpu.memory_space<vmem_shared>>
        tpu.enqueue_dma source(%arg8 : memref<80x128xf32, #tpu.memory_space<vmem>>) target(%dma_start3A_64 : memref<80x128xf32, #tpu.memory_space<vmem_shared>>) target_semaphore(%run_scoped3A_60 : memref<!tpu.dma_semaphore, #tpu.memory_space<semaphore_mem>>)
        %dma_wait3A_65 = arith.constant 0 : i32
        %dma_wait3A_66 = tpu.memref_slice %arg10[%add3A_56, %dma_wait3A_65] : memref<10128x128xf32, #tpu.memory_space<vmem_shared>> -> memref<80x128xf32, #tpu.memory_space<vmem_shared>>
        %dma_wait3A_67 = arith.constant 0 : i32
        %dma_wait3A_68 = tpu.memref_slice %arg10[%add3A_56, %dma_wait3A_67] : memref<10128x128xf32, #tpu.memory_space<vmem_shared>> -> memref<80x128xf32, #tpu.memory_space<vmem_shared>>
        tpu.wait_dma2 semaphore(%run_scoped3A_60 : memref<!tpu.dma_semaphore, #tpu.memory_space<semaphore_mem>>) src(%arg8 : memref<80x128xf32, #tpu.memory_space<vmem>>) dst(%dma_wait3A_68 : memref<80x128xf32, #tpu.memory_space<vmem_shared>>)
        tpu.yield
      }) : () -> ()
      %add3A_57 = arith.constant 640 : i32
      %add3A_58 = arith.addi %mul3A_7, %add3A_57 : i32
      %sub3A = arith.constant 0 : i32
      %sub3A_59 = arith.subi %add3A_58, %sub3A : i32
      "tpu.region"() ({
        %run_scoped3A_60 = tpu.sem_alloc : memref<!tpu.dma_semaphore, #tpu.memory_space<semaphore_mem>>
        %dma_start3A_61 = arith.constant 0 : i32
        %dma_start3A_62 = arith.constant 0 : i32
        %dma_start3A_63 = tpu.memref_slice %arg8[%dma_start3A_61, %dma_start3A_62] : memref<80x128xf32, #tpu.memory_space<vmem>> -> memref<0x128xf32, #tpu.memory_space<vmem>>
        %dma_start3A_64 = arith.constant 0 : i32
        %dma_start3A_65 = tpu.memref_slice %arg10[%sub3A_59, %dma_start3A_64] : memref<10128x128xf32, #tpu.memory_space<vmem_shared>> -> memref<0x128xf32, #tpu.memory_space<vmem_shared>>
        %dma_start3A_66 = arith.constant 0 : i32
        %dma_start3A_67 = tpu.memref_slice %arg10[%sub3A_59, %dma_start3A_66] : memref<10128x128xf32, #tpu.memory_space<vmem_shared>> -> memref<0x128xf32, #tpu.memory_space<vmem_shared>>
        %dma_start3A_68 = arith.constant 0 : i32
        %dma_start3A_69 = arith.constant 0 : i32
        %dma_start3A_70 = tpu.memref_slice %arg8[%dma_start3A_68, %dma_start3A_69] : memref<80x128xf32, #tpu.memory_space<vmem>> -> memref<0x128xf32, #tpu.memory_space<vmem>>
        tpu.enqueue_dma source(%dma_start3A_70 : memref<0x128xf32, #tpu.memory_space<vmem>>) target(%dma_start3A_67 : memref<0x128xf32, #tpu.memory_space<vmem_shared>>) target_semaphore(%run_scoped3A_60 : memref<!tpu.dma_semaphore, #tpu.memory_space<semaphore_mem>>)
        %dma_wait3A_71 = arith.constant 0 : i32
        %dma_wait3A_72 = arith.constant 0 : i32
        %dma_wait3A_73 = tpu.memref_slice %arg8[%dma_wait3A_71, %dma_wait3A_72] : memref<80x128xf32, #tpu.memory_space<vmem>> -> memref<0x128xf32, #tpu.memory_space<vmem>>
        %dma_wait3A_74 = arith.constant 0 : i32
        %dma_wait3A_75 = tpu.memref_slice %arg10[%sub3A_59, %dma_wait3A_74] : memref<10128x128xf32, #tpu.memory_space<vmem_shared>> -> memref<0x128xf32, #tpu.memory_space<vmem_shared>>
        %dma_wait3A_76 = arith.constant 0 : i32
        %dma_wait3A_77 = tpu.memref_slice %arg10[%sub3A_59, %dma_wait3A_76] : memref<10128x128xf32, #tpu.memory_space<vmem_shared>> -> memref<0x128xf32, #tpu.memory_space<vmem_shared>>
        %dma_wait3A_78 = arith.constant 0 : i32
        %dma_wait3A_79 = arith.constant 0 : i32
        %dma_wait3A_80 = tpu.memref_slice %arg8[%dma_wait3A_78, %dma_wait3A_79] : memref<80x128xf32, #tpu.memory_space<vmem>> -> memref<0x128xf32, #tpu.memory_space<vmem>>
        tpu.wait_dma2 semaphore(%run_scoped3A_60 : memref<!tpu.dma_semaphore, #tpu.memory_space<semaphore_mem>>) src(%dma_wait3A_80 : memref<0x128xf32, #tpu.memory_space<vmem>>) dst(%dma_wait3A_77 : memref<0x128xf32, #tpu.memory_space<vmem_shared>>)
        tpu.yield
      }) : () -> ()
    } else {
    }
    %eq3A = arith.constant 15 : i32
    %eq3A_10 = arith.cmpi eq, %arg1, %eq3A : i32
    %convert_element_type3A_11 = arith.extui %eq3A_10 : i1 to i32
    %cond3A_12 = arith.constant 0 : i32
    %cond3A_13 = arith.cmpi ne, %convert_element_type3A_11, %cond3A_12 : i32
    scf.if %cond3A_13 {
      %add3A_41 = arith.constant 0 : i32
      %add3A_42 = arith.addi %mul3A_7, %add3A_41 : i32
      "tpu.region"() ({
        %run_scoped3A_54 = tpu.sem_alloc : memref<!tpu.dma_semaphore, #tpu.memory_space<semaphore_mem>>
        %dma_start3A_55 = arith.constant 0 : i32
        %dma_start3A_56 = tpu.memref_slice %arg10[%add3A_42, %dma_start3A_55] : memref<10128x128xf32, #tpu.memory_space<vmem_shared>> -> memref<80x128xf32, #tpu.memory_space<vmem_shared>>
        %dma_start3A_57 = arith.constant 0 : i32
        %dma_start3A_58 = tpu.memref_slice %arg10[%add3A_42, %dma_start3A_57] : memref<10128x128xf32, #tpu.memory_space<vmem_shared>> -> memref<80x128xf32, #tpu.memory_space<vmem_shared>>
        tpu.enqueue_dma source(%arg8 : memref<80x128xf32, #tpu.memory_space<vmem>>) target(%dma_start3A_58 : memref<80x128xf32, #tpu.memory_space<vmem_shared>>) target_semaphore(%run_scoped3A_54 : memref<!tpu.dma_semaphore, #tpu.memory_space<semaphore_mem>>)
        %dma_wait3A_59 = arith.constant 0 : i32
        %dma_wait3A_60 = tpu.memref_slice %arg10[%add3A_42, %dma_wait3A_59] : memref<10128x128xf32, #tpu.memory_space<vmem_shared>> -> memref<80x128xf32, #tpu.memory_space<vmem_shared>>
        %dma_wait3A_61 = arith.constant 0 : i32
        %dma_wait3A_62 = tpu.memref_slice %arg10[%add3A_42, %dma_wait3A_61] : memref<10128x128xf32, #tpu.memory_space<vmem_shared>> -> memref<80x128xf32, #tpu.memory_space<vmem_shared>>
        tpu.wait_dma2 semaphore(%run_scoped3A_54 : memref<!tpu.dma_semaphore, #tpu.memory_space<semaphore_mem>>) src(%arg8 : memref<80x128xf32, #tpu.memory_space<vmem>>) dst(%dma_wait3A_62 : memref<80x128xf32, #tpu.memory_space<vmem_shared>>)
        tpu.yield
      }) : () -> ()
      %add3A_43 = arith.constant 80 : i32
      %add3A_44 = arith.addi %mul3A_7, %add3A_43 : i32
      "tpu.region"() ({
        %run_scoped3A_54 = tpu.sem_alloc : memref<!tpu.dma_semaphore, #tpu.memory_space<semaphore_mem>>
        %dma_start3A_55 = arith.constant 0 : i32
        %dma_start3A_56 = tpu.memref_slice %arg10[%add3A_44, %dma_start3A_55] : memref<10128x128xf32, #tpu.memory_space<vmem_shared>> -> memref<80x128xf32, #tpu.memory_space<vmem_shared>>
        %dma_start3A_57 = arith.constant 0 : i32
        %dma_start3A_58 = tpu.memref_slice %arg10[%add3A_44, %dma_start3A_57] : memref<10128x128xf32, #tpu.memory_space<vmem_shared>> -> memref<80x128xf32, #tpu.memory_space<vmem_shared>>
        tpu.enqueue_dma source(%arg8 : memref<80x128xf32, #tpu.memory_space<vmem>>) target(%dma_start3A_58 : memref<80x128xf32, #tpu.memory_space<vmem_shared>>) target_semaphore(%run_scoped3A_54 : memref<!tpu.dma_semaphore, #tpu.memory_space<semaphore_mem>>)
        %dma_wait3A_59 = arith.constant 0 : i32
        %dma_wait3A_60 = tpu.memref_slice %arg10[%add3A_44, %dma_wait3A_59] : memref<10128x128xf32, #tpu.memory_space<vmem_shared>> -> memref<80x128xf32, #tpu.memory_space<vmem_shared>>
        %dma_wait3A_61 = arith.constant 0 : i32
        %dma_wait3A_62 = tpu.memref_slice %arg10[%add3A_44, %dma_wait3A_61] : memref<10128x128xf32, #tpu.memory_space<vmem_shared>> -> memref<80x128xf32, #tpu.memory_space<vmem_shared>>
        tpu.wait_dma2 semaphore(%run_scoped3A_54 : memref<!tpu.dma_semaphore, #tpu.memory_space<semaphore_mem>>) src(%arg8 : memref<80x128xf32, #tpu.memory_space<vmem>>) dst(%dma_wait3A_62 : memref<80x128xf32, #tpu.memory_space<vmem_shared>>)
        tpu.yield
      }) : () -> ()
      %add3A_45 = arith.constant 160 : i32
      %add3A_46 = arith.addi %mul3A_7, %add3A_45 : i32
      "tpu.region"() ({
        %run_scoped3A_54 = tpu.sem_alloc : memref<!tpu.dma_semaphore, #tpu.memory_space<semaphore_mem>>
        %dma_start3A_55 = arith.constant 0 : i32
        %dma_start3A_56 = tpu.memref_slice %arg10[%add3A_46, %dma_start3A_55] : memref<10128x128xf32, #tpu.memory_space<vmem_shared>> -> memref<80x128xf32, #tpu.memory_space<vmem_shared>>
        %dma_start3A_57 = arith.constant 0 : i32
        %dma_start3A_58 = tpu.memref_slice %arg10[%add3A_46, %dma_start3A_57] : memref<10128x128xf32, #tpu.memory_space<vmem_shared>> -> memref<80x128xf32, #tpu.memory_space<vmem_shared>>
        tpu.enqueue_dma source(%arg8 : memref<80x128xf32, #tpu.memory_space<vmem>>) target(%dma_start3A_58 : memref<80x128xf32, #tpu.memory_space<vmem_shared>>) target_semaphore(%run_scoped3A_54 : memref<!tpu.dma_semaphore, #tpu.memory_space<semaphore_mem>>)
        %dma_wait3A_59 = arith.constant 0 : i32
        %dma_wait3A_60 = tpu.memref_slice %arg10[%add3A_46, %dma_wait3A_59] : memref<10128x128xf32, #tpu.memory_space<vmem_shared>> -> memref<80x128xf32, #tpu.memory_space<vmem_shared>>
        %dma_wait3A_61 = arith.constant 0 : i32
        %dma_wait3A_62 = tpu.memref_slice %arg10[%add3A_46, %dma_wait3A_61] : memref<10128x128xf32, #tpu.memory_space<vmem_shared>> -> memref<80x128xf32, #tpu.memory_space<vmem_shared>>
        tpu.wait_dma2 semaphore(%run_scoped3A_54 : memref<!tpu.dma_semaphore, #tpu.memory_space<semaphore_mem>>) src(%arg8 : memref<80x128xf32, #tpu.memory_space<vmem>>) dst(%dma_wait3A_62 : memref<80x128xf32, #tpu.memory_space<vmem_shared>>)
        tpu.yield
      }) : () -> ()
      %add3A_47 = arith.constant 240 : i32
      %add3A_48 = arith.addi %mul3A_7, %add3A_47 : i32
      "tpu.region"() ({
        %run_scoped3A_54 = tpu.sem_alloc : memref<!tpu.dma_semaphore, #tpu.memory_space<semaphore_mem>>
        %dma_start3A_55 = arith.constant 0 : i32
        %dma_start3A_56 = tpu.memref_slice %arg10[%add3A_48, %dma_start3A_55] : memref<10128x128xf32, #tpu.memory_space<vmem_shared>> -> memref<80x128xf32, #tpu.memory_space<vmem_shared>>
        %dma_start3A_57 = arith.constant 0 : i32
        %dma_start3A_58 = tpu.memref_slice %arg10[%add3A_48, %dma_start3A_57] : memref<10128x128xf32, #tpu.memory_space<vmem_shared>> -> memref<80x128xf32, #tpu.memory_space<vmem_shared>>
        tpu.enqueue_dma source(%arg8 : memref<80x128xf32, #tpu.memory_space<vmem>>) target(%dma_start3A_58 : memref<80x128xf32, #tpu.memory_space<vmem_shared>>) target_semaphore(%run_scoped3A_54 : memref<!tpu.dma_semaphore, #tpu.memory_space<semaphore_mem>>)
        %dma_wait3A_59 = arith.constant 0 : i32
        %dma_wait3A_60 = tpu.memref_slice %arg10[%add3A_48, %dma_wait3A_59] : memref<10128x128xf32, #tpu.memory_space<vmem_shared>> -> memref<80x128xf32, #tpu.memory_space<vmem_shared>>
        %dma_wait3A_61 = arith.constant 0 : i32
        %dma_wait3A_62 = tpu.memref_slice %arg10[%add3A_48, %dma_wait3A_61] : memref<10128x128xf32, #tpu.memory_space<vmem_shared>> -> memref<80x128xf32, #tpu.memory_space<vmem_shared>>
        tpu.wait_dma2 semaphore(%run_scoped3A_54 : memref<!tpu.dma_semaphore, #tpu.memory_space<semaphore_mem>>) src(%arg8 : memref<80x128xf32, #tpu.memory_space<vmem>>) dst(%dma_wait3A_62 : memref<80x128xf32, #tpu.memory_space<vmem_shared>>)
        tpu.yield
      }) : () -> ()
      %add3A_49 = arith.constant 320 : i32
      %add3A_50 = arith.addi %mul3A_7, %add3A_49 : i32
      "tpu.region"() ({
        %run_scoped3A_54 = tpu.sem_alloc : memref<!tpu.dma_semaphore, #tpu.memory_space<semaphore_mem>>
        %dma_start3A_55 = arith.constant 0 : i32
        %dma_start3A_56 = tpu.memref_slice %arg10[%add3A_50, %dma_start3A_55] : memref<10128x128xf32, #tpu.memory_space<vmem_shared>> -> memref<80x128xf32, #tpu.memory_space<vmem_shared>>
        %dma_start3A_57 = arith.constant 0 : i32
        %dma_start3A_58 = tpu.memref_slice %arg10[%add3A_50, %dma_start3A_57] : memref<10128x128xf32, #tpu.memory_space<vmem_shared>> -> memref<80x128xf32, #tpu.memory_space<vmem_shared>>
        tpu.enqueue_dma source(%arg8 : memref<80x128xf32, #tpu.memory_space<vmem>>) target(%dma_start3A_58 : memref<80x128xf32, #tpu.memory_space<vmem_shared>>) target_semaphore(%run_scoped3A_54 : memref<!tpu.dma_semaphore, #tpu.memory_space<semaphore_mem>>)
        %dma_wait3A_59 = arith.constant 0 : i32
        %dma_wait3A_60 = tpu.memref_slice %arg10[%add3A_50, %dma_wait3A_59] : memref<10128x128xf32, #tpu.memory_space<vmem_shared>> -> memref<80x128xf32, #tpu.memory_space<vmem_shared>>
        %dma_wait3A_61 = arith.constant 0 : i32
        %dma_wait3A_62 = tpu.memref_slice %arg10[%add3A_50, %dma_wait3A_61] : memref<10128x128xf32, #tpu.memory_space<vmem_shared>> -> memref<80x128xf32, #tpu.memory_space<vmem_shared>>
        tpu.wait_dma2 semaphore(%run_scoped3A_54 : memref<!tpu.dma_semaphore, #tpu.memory_space<semaphore_mem>>) src(%arg8 : memref<80x128xf32, #tpu.memory_space<vmem>>) dst(%dma_wait3A_62 : memref<80x128xf32, #tpu.memory_space<vmem_shared>>)
        tpu.yield
      }) : () -> ()
      %add3A_51 = arith.constant 400 : i32
      %add3A_52 = arith.addi %mul3A_7, %add3A_51 : i32
      %sub3A = arith.constant 0 : i32
      %sub3A_53 = arith.subi %add3A_52, %sub3A : i32
      "tpu.region"() ({
        %run_scoped3A_54 = tpu.sem_alloc : memref<!tpu.dma_semaphore, #tpu.memory_space<semaphore_mem>>
        %dma_start3A_55 = arith.constant 0 : i32
        %dma_start3A_56 = arith.constant 0 : i32
        %dma_start3A_57 = tpu.memref_slice %arg8[%dma_start3A_55, %dma_start3A_56] : memref<80x128xf32, #tpu.memory_space<vmem>> -> memref<0x128xf32, #tpu.memory_space<vmem>>
        %dma_start3A_58 = arith.constant 0 : i32
        %dma_start3A_59 = tpu.memref_slice %arg10[%sub3A_53, %dma_start3A_58] : memref<10128x128xf32, #tpu.memory_space<vmem_shared>> -> memref<0x128xf32, #tpu.memory_space<vmem_shared>>
        %dma_start3A_60 = arith.constant 0 : i32
        %dma_start3A_61 = tpu.memref_slice %arg10[%sub3A_53, %dma_start3A_60] : memref<10128x128xf32, #tpu.memory_space<vmem_shared>> -> memref<0x128xf32, #tpu.memory_space<vmem_shared>>
        %dma_start3A_62 = arith.constant 0 : i32
        %dma_start3A_63 = arith.constant 0 : i32
        %dma_start3A_64 = tpu.memref_slice %arg8[%dma_start3A_62, %dma_start3A_63] : memref<80x128xf32, #tpu.memory_space<vmem>> -> memref<0x128xf32, #tpu.memory_space<vmem>>
        tpu.enqueue_dma source(%dma_start3A_64 : memref<0x128xf32, #tpu.memory_space<vmem>>) target(%dma_start3A_61 : memref<0x128xf32, #tpu.memory_space<vmem_shared>>) target_semaphore(%run_scoped3A_54 : memref<!tpu.dma_semaphore, #tpu.memory_space<semaphore_mem>>)
        %dma_wait3A_65 = arith.constant 0 : i32
        %dma_wait3A_66 = arith.constant 0 : i32
        %dma_wait3A_67 = tpu.memref_slice %arg8[%dma_wait3A_65, %dma_wait3A_66] : memref<80x128xf32, #tpu.memory_space<vmem>> -> memref<0x128xf32, #tpu.memory_space<vmem>>
        %dma_wait3A_68 = arith.constant 0 : i32
        %dma_wait3A_69 = tpu.memref_slice %arg10[%sub3A_53, %dma_wait3A_68] : memref<10128x128xf32, #tpu.memory_space<vmem_shared>> -> memref<0x128xf32, #tpu.memory_space<vmem_shared>>
        %dma_wait3A_70 = arith.constant 0 : i32
        %dma_wait3A_71 = tpu.memref_slice %arg10[%sub3A_53, %dma_wait3A_70] : memref<10128x128xf32, #tpu.memory_space<vmem_shared>> -> memref<0x128xf32, #tpu.memory_space<vmem_shared>>
        %dma_wait3A_72 = arith.constant 0 : i32
        %dma_wait3A_73 = arith.constant 0 : i32
        %dma_wait3A_74 = tpu.memref_slice %arg8[%dma_wait3A_72, %dma_wait3A_73] : memref<80x128xf32, #tpu.memory_space<vmem>> -> memref<0x128xf32, #tpu.memory_space<vmem>>
        tpu.wait_dma2 semaphore(%run_scoped3A_54 : memref<!tpu.dma_semaphore, #tpu.memory_space<semaphore_mem>>) src(%dma_wait3A_74 : memref<0x128xf32, #tpu.memory_space<vmem>>) dst(%dma_wait3A_71 : memref<0x128xf32, #tpu.memory_space<vmem_shared>>)
        tpu.yield
      }) : () -> ()
    } else {
    }
    %barrier3A = arith.constant 0 : index
    tpu.barrier barrier_id(%barrier3A)
    %mul3A_14 = arith.constant 10000 : i32
    %mul3A_15 = arith.muli %add3A, %mul3A_14 : i32
    "tpu.region"() ({
      %run_scoped3A_41 = tpu.sem_alloc : memref<!tpu.dma_semaphore, #tpu.memory_space<semaphore_mem>>
      %dma_start3A_42 = tpu.memref_slice %arg3[%mul3A_15] : memref<320000xi32, #tpu.memory_space<hbm>> -> memref<10000xi32, #tpu.memory_space<hbm>>
      %dma_start3A_43 = tpu.memref_slice %arg3[%mul3A_15] : memref<320000xi32, #tpu.memory_space<hbm>> -> memref<10000xi32, #tpu.memory_space<hbm>>
      tpu.enqueue_dma source(%dma_start3A_43 : memref<10000xi32, #tpu.memory_space<hbm>>) target(%arg6 : memref<10000xi32, #tpu.memory_space<vmem>>) target_semaphore(%run_scoped3A_41 : memref<!tpu.dma_semaphore, #tpu.memory_space<semaphore_mem>>)
      %dma_wait3A_44 = tpu.memref_slice %arg3[%mul3A_15] : memref<320000xi32, #tpu.memory_space<hbm>> -> memref<10000xi32, #tpu.memory_space<hbm>>
      %dma_wait3A_45 = tpu.memref_slice %arg3[%mul3A_15] : memref<320000xi32, #tpu.memory_space<hbm>> -> memref<10000xi32, #tpu.memory_space<hbm>>
      tpu.wait_dma2 semaphore(%run_scoped3A_41 : memref<!tpu.dma_semaphore, #tpu.memory_space<semaphore_mem>>) src(%dma_wait3A_45 : memref<10000xi32, #tpu.memory_space<hbm>>) dst(%arg6 : memref<10000xi32, #tpu.memory_space<vmem>>)
      tpu.yield
    }) : () -> ()
    "tpu.region"() ({
      %run_scoped3A_41 = tpu.sem_alloc : memref<!tpu.dma_semaphore, #tpu.memory_space<semaphore_mem>>
      %dma_start3A_42 = arith.constant 0 : i32
      %dma_start3A_43 = arith.constant 0 : i32
      %dma_start3A_44 = tpu.memref_slice %arg4[%add3A, %dma_start3A_42, %dma_start3A_43] : memref<32x125x80xi32, #tpu.memory_space<hbm>> -> memref<1x125x80xi32, #tpu.memory_space<hbm>>
      %dma_start3A_45 = tpu.memref_squeeze %dma_start3A_44 : memref<1x125x80xi32, #tpu.memory_space<hbm>> -> memref<125x80xi32, #tpu.memory_space<hbm>>
      %dma_start3A_46 = arith.constant 0 : i32
      %dma_start3A_47 = arith.constant 0 : i32
      %dma_start3A_48 = tpu.memref_slice %arg4[%add3A, %dma_start3A_46, %dma_start3A_47] : memref<32x125x80xi32, #tpu.memory_space<hbm>> -> memref<1x125x80xi32, #tpu.memory_space<hbm>>
      %dma_start3A_49 = tpu.memref_squeeze %dma_start3A_48 : memref<1x125x80xi32, #tpu.memory_space<hbm>> -> memref<125x80xi32, #tpu.memory_space<hbm>>
      tpu.enqueue_dma source(%dma_start3A_49 : memref<125x80xi32, #tpu.memory_space<hbm>>) target(%arg7 : memref<125x80xi32, #tpu.memory_space<vmem>>) target_semaphore(%run_scoped3A_41 : memref<!tpu.dma_semaphore, #tpu.memory_space<semaphore_mem>>)
      %dma_wait3A_50 = arith.constant 0 : i32
      %dma_wait3A_51 = arith.constant 0 : i32
      %dma_wait3A_52 = tpu.memref_slice %arg4[%add3A, %dma_wait3A_50, %dma_wait3A_51] : memref<32x125x80xi32, #tpu.memory_space<hbm>> -> memref<1x125x80xi32, #tpu.memory_space<hbm>>
      %dma_wait3A_53 = tpu.memref_squeeze %dma_wait3A_52 : memref<1x125x80xi32, #tpu.memory_space<hbm>> -> memref<125x80xi32, #tpu.memory_space<hbm>>
      %dma_wait3A_54 = arith.constant 0 : i32
      %dma_wait3A_55 = arith.constant 0 : i32
      %dma_wait3A_56 = tpu.memref_slice %arg4[%add3A, %dma_wait3A_54, %dma_wait3A_55] : memref<32x125x80xi32, #tpu.memory_space<hbm>> -> memref<1x125x80xi32, #tpu.memory_space<hbm>>
      %dma_wait3A_57 = tpu.memref_squeeze %dma_wait3A_56 : memref<1x125x80xi32, #tpu.memory_space<hbm>> -> memref<125x80xi32, #tpu.memory_space<hbm>>
      tpu.wait_dma2 semaphore(%run_scoped3A_41 : memref<!tpu.dma_semaphore, #tpu.memory_space<semaphore_mem>>) src(%dma_wait3A_57 : memref<125x80xi32, #tpu.memory_space<hbm>>) dst(%arg7 : memref<125x80xi32, #tpu.memory_space<vmem>>)
      tpu.yield
    }) : () -> ()
    %dma_start3A = arith.constant 0 : i32
    %dma_start3A_16 = tpu.memref_slice %arg6[%dma_start3A] : memref<10000xi32, #tpu.memory_space<vmem>> -> memref<80xi32, #tpu.memory_space<vmem>>
    %dma_start3A_17 = arith.constant 0 : i32
    %dma_start3A_18 = arith.constant 0 : i32
    %dma_start3A_19 = tpu.memref_slice %arg2[%dma_start3A_17, %dma_start3A_18] : memref<10000x128xf32, #tpu.memory_space<hbm>> -> memref<10000x128xf32, #tpu.memory_space<hbm>>
    tpu.enqueue_indirect_dma source(%dma_start3A_19 : memref<10000x128xf32, #tpu.memory_space<hbm>>) target(%arg8 : memref<80x128xf32, #tpu.memory_space<vmem>>) offsets(%dma_start3A_16 : memref<80xi32, #tpu.memory_space<vmem>>) semaphore(%arg11 : memref<!tpu.dma_semaphore, #tpu.memory_space<semaphore_mem>>)
    %scan3A_20 = arith.constant 0 : i32
    %scan3A_21 = arith.constant 0 : i32
    %scan3A_22 = arith.constant 62 : i32
    %scan3A_23 = arith.addi %scan3A_21, %scan3A_22 : i32
    %scan3A_24 = arith.constant 1 : i32
    scf.for %scan3A_41 = %scan3A_21 to %scan3A_23 step %scan3A_24  : i32 {
      %mul3A_42 = arith.constant 2 : i32
      %mul3A_43 = arith.muli %mul3A_42, %scan3A_41 : i32
      %add3A_44 = arith.constant 1 : i32
      %add3A_45 = arith.addi %mul3A_43, %add3A_44 : i32
      %mul3A_46 = arith.constant 80 : i32
      %mul3A_47 = arith.muli %add3A_45, %mul3A_46 : i32
      %dma_start3A_48 = tpu.memref_slice %arg6[%mul3A_47] : memref<10000xi32, #tpu.memory_space<vmem>> -> memref<80xi32, #tpu.memory_space<vmem>>
      %dma_start3A_49 = arith.constant 0 : i32
      %dma_start3A_50 = arith.constant 0 : i32
      %dma_start3A_51 = tpu.memref_slice %arg2[%dma_start3A_49, %dma_start3A_50] : memref<10000x128xf32, #tpu.memory_space<hbm>> -> memref<10000x128xf32, #tpu.memory_space<hbm>>
      tpu.enqueue_indirect_dma source(%dma_start3A_51 : memref<10000x128xf32, #tpu.memory_space<hbm>>) target(%arg9 : memref<80x128xf32, #tpu.memory_space<vmem>>) offsets(%dma_start3A_48 : memref<80xi32, #tpu.memory_space<vmem>>) semaphore(%arg12 : memref<!tpu.dma_semaphore, #tpu.memory_space<semaphore_mem>>)
      %mul3A_52 = arith.constant 80 : i32
      %mul3A_53 = arith.muli %mul3A_43, %mul3A_52 : i32
      %dma_wait3A_54 = tpu.memref_slice %arg6[%mul3A_53] : memref<10000xi32, #tpu.memory_space<vmem>> -> memref<80xi32, #tpu.memory_space<vmem>>
      %dma_wait3A_55 = arith.constant 0 : i32
      %dma_wait3A_56 = arith.constant 0 : i32
      %dma_wait3A_57 = tpu.memref_slice %arg2[%dma_wait3A_55, %dma_wait3A_56] : memref<10000x128xf32, #tpu.memory_space<hbm>> -> memref<10000x128xf32, #tpu.memory_space<hbm>>
      tpu.wait_indirect_dma semaphore(%arg11 : memref<!tpu.dma_semaphore, #tpu.memory_space<semaphore_mem>>) src(%dma_wait3A_57 : memref<10000x128xf32, #tpu.memory_space<hbm>>) dst(%arg8 : memref<80x128xf32, #tpu.memory_space<vmem>>)
      "tpu.region"() ({
        %run_scoped3A_72 = tpu.sem_alloc : memref<!tpu.dma_semaphore, #tpu.memory_space<semaphore_mem>>
        %dma_start3A_73 = arith.constant 0 : i32
        %dma_start3A_74 = tpu.memref_slice %arg7[%mul3A_43, %dma_start3A_73] : memref<125x80xi32, #tpu.memory_space<vmem>> -> memref<1x80xi32, #tpu.memory_space<vmem>>
        %dma_start3A_75 = tpu.memref_squeeze %dma_start3A_74 : memref<1x80xi32, #tpu.memory_space<vmem>> -> memref<80xi32, #tpu.memory_space<vmem>>
        %dma_start3A_76 = arith.constant 0 : i32
        %dma_start3A_77 = arith.constant 0 : i32
        %dma_start3A_78 = tpu.memref_slice %arg10[%dma_start3A_76, %dma_start3A_77] : memref<10128x128xf32, #tpu.memory_space<vmem_shared>> -> memref<10128x128xf32, #tpu.memory_space<vmem_shared>>
        tpu.enqueue_indirect_dma source(%arg8 : memref<80x128xf32, #tpu.memory_space<vmem>>) target(%dma_start3A_78 : memref<10128x128xf32, #tpu.memory_space<vmem_shared>>) offsets(%dma_start3A_75 : memref<80xi32, #tpu.memory_space<vmem>>) semaphore(%run_scoped3A_72 : memref<!tpu.dma_semaphore, #tpu.memory_space<semaphore_mem>>) {add = true}
        %dma_wait3A_79 = arith.constant 0 : i32
        %dma_wait3A_80 = tpu.memref_slice %arg7[%mul3A_43, %dma_wait3A_79] : memref<125x80xi32, #tpu.memory_space<vmem>> -> memref<1x80xi32, #tpu.memory_space<vmem>>
        %dma_wait3A_81 = tpu.memref_squeeze %dma_wait3A_80 : memref<1x80xi32, #tpu.memory_space<vmem>> -> memref<80xi32, #tpu.memory_space<vmem>>
        %dma_wait3A_82 = arith.constant 0 : i32
        %dma_wait3A_83 = arith.constant 0 : i32
        %dma_wait3A_84 = tpu.memref_slice %arg10[%dma_wait3A_82, %dma_wait3A_83] : memref<10128x128xf32, #tpu.memory_space<vmem_shared>> -> memref<10128x128xf32, #tpu.memory_space<vmem_shared>>
        tpu.wait_indirect_dma semaphore(%run_scoped3A_72 : memref<!tpu.dma_semaphore, #tpu.memory_space<semaphore_mem>>) src(%arg8 : memref<80x128xf32, #tpu.memory_space<vmem>>) dst(%dma_wait3A_84 : memref<10128x128xf32, #tpu.memory_space<vmem_shared>>)
        tpu.yield
      }) : () -> ()
      %add3A_58 = arith.constant 2 : i32
      %add3A_59 = arith.addi %mul3A_43, %add3A_58 : i32
      %mul3A_60 = arith.constant 80 : i32
      %mul3A_61 = arith.muli %add3A_59, %mul3A_60 : i32
      %dma_start3A_62 = tpu.memref_slice %arg6[%mul3A_61] : memref<10000xi32, #tpu.memory_space<vmem>> -> memref<80xi32, #tpu.memory_space<vmem>>
      %dma_start3A_63 = arith.constant 0 : i32
      %dma_start3A_64 = arith.constant 0 : i32
      %dma_start3A_65 = tpu.memref_slice %arg2[%dma_start3A_63, %dma_start3A_64] : memref<10000x128xf32, #tpu.memory_space<hbm>> -> memref<10000x128xf32, #tpu.memory_space<hbm>>
      tpu.enqueue_indirect_dma source(%dma_start3A_65 : memref<10000x128xf32, #tpu.memory_space<hbm>>) target(%arg8 : memref<80x128xf32, #tpu.memory_space<vmem>>) offsets(%dma_start3A_62 : memref<80xi32, #tpu.memory_space<vmem>>) semaphore(%arg11 : memref<!tpu.dma_semaphore, #tpu.memory_space<semaphore_mem>>)
      %dma_wait3A_66 = tpu.memref_slice %arg6[%mul3A_47] : memref<10000xi32, #tpu.memory_space<vmem>> -> memref<80xi32, #tpu.memory_space<vmem>>
      %dma_wait3A_67 = arith.constant 0 : i32
      %dma_wait3A_68 = arith.constant 0 : i32
      %dma_wait3A_69 = tpu.memref_slice %arg2[%dma_wait3A_67, %dma_wait3A_68] : memref<10000x128xf32, #tpu.memory_space<hbm>> -> memref<10000x128xf32, #tpu.memory_space<hbm>>
      tpu.wait_indirect_dma semaphore(%arg12 : memref<!tpu.dma_semaphore, #tpu.memory_space<semaphore_mem>>) src(%dma_wait3A_69 : memref<10000x128xf32, #tpu.memory_space<hbm>>) dst(%arg9 : memref<80x128xf32, #tpu.memory_space<vmem>>)
      %add3A_70 = arith.constant 1 : i32
      %add3A_71 = arith.addi %mul3A_43, %add3A_70 : i32
      "tpu.region"() ({
        %run_scoped3A_72 = tpu.sem_alloc : memref<!tpu.dma_semaphore, #tpu.memory_space<semaphore_mem>>
        %dma_start3A_73 = arith.constant 0 : i32
        %dma_start3A_74 = tpu.memref_slice %arg7[%add3A_71, %dma_start3A_73] : memref<125x80xi32, #tpu.memory_space<vmem>> -> memref<1x80xi32, #tpu.memory_space<vmem>>
        %dma_start3A_75 = tpu.memref_squeeze %dma_start3A_74 : memref<1x80xi32, #tpu.memory_space<vmem>> -> memref<80xi32, #tpu.memory_space<vmem>>
        %dma_start3A_76 = arith.constant 0 : i32
        %dma_start3A_77 = arith.constant 0 : i32
        %dma_start3A_78 = tpu.memref_slice %arg10[%dma_start3A_76, %dma_start3A_77] : memref<10128x128xf32, #tpu.memory_space<vmem_shared>> -> memref<10128x128xf32, #tpu.memory_space<vmem_shared>>
        tpu.enqueue_indirect_dma source(%arg9 : memref<80x128xf32, #tpu.memory_space<vmem>>) target(%dma_start3A_78 : memref<10128x128xf32, #tpu.memory_space<vmem_shared>>) offsets(%dma_start3A_75 : memref<80xi32, #tpu.memory_space<vmem>>) semaphore(%run_scoped3A_72 : memref<!tpu.dma_semaphore, #tpu.memory_space<semaphore_mem>>) {add = true}
        %dma_wait3A_79 = arith.constant 0 : i32
        %dma_wait3A_80 = tpu.memref_slice %arg7[%add3A_71, %dma_wait3A_79] : memref<125x80xi32, #tpu.memory_space<vmem>> -> memref<1x80xi32, #tpu.memory_space<vmem>>
        %dma_wait3A_81 = tpu.memref_squeeze %dma_wait3A_80 : memref<1x80xi32, #tpu.memory_space<vmem>> -> memref<80xi32, #tpu.memory_space<vmem>>
        %dma_wait3A_82 = arith.constant 0 : i32
        %dma_wait3A_83 = arith.constant 0 : i32
        %dma_wait3A_84 = tpu.memref_slice %arg10[%dma_wait3A_82, %dma_wait3A_83] : memref<10128x128xf32, #tpu.memory_space<vmem_shared>> -> memref<10128x128xf32, #tpu.memory_space<vmem_shared>>
        tpu.wait_indirect_dma semaphore(%run_scoped3A_72 : memref<!tpu.dma_semaphore, #tpu.memory_space<semaphore_mem>>) src(%arg9 : memref<80x128xf32, #tpu.memory_space<vmem>>) dst(%dma_wait3A_84 : memref<10128x128xf32, #tpu.memory_space<vmem_shared>>)
        tpu.yield
      }) : () -> ()
    }
    %scan3A_25 = arith.constant 62 : i32
    %dma_wait3A = arith.constant 9920 : i32
    %dma_wait3A_26 = tpu.memref_slice %arg6[%dma_wait3A] : memref<10000xi32, #tpu.memory_space<vmem>> -> memref<80xi32, #tpu.memory_space<vmem>>
    %dma_wait3A_27 = arith.constant 0 : i32
    %dma_wait3A_28 = arith.constant 0 : i32
    %dma_wait3A_29 = tpu.memref_slice %arg2[%dma_wait3A_27, %dma_wait3A_28] : memref<10000x128xf32, #tpu.memory_space<hbm>> -> memref<10000x128xf32, #tpu.memory_space<hbm>>
    tpu.wait_indirect_dma semaphore(%arg11 : memref<!tpu.dma_semaphore, #tpu.memory_space<semaphore_mem>>) src(%dma_wait3A_29 : memref<10000x128xf32, #tpu.memory_space<hbm>>) dst(%arg8 : memref<80x128xf32, #tpu.memory_space<vmem>>)
    %run_scoped3A = arith.constant 124 : i32
    "tpu.region"() ({
      %run_scoped3A_41 = tpu.sem_alloc : memref<!tpu.dma_semaphore, #tpu.memory_space<semaphore_mem>>
      %dma_start3A_42 = arith.constant 0 : i32
      %dma_start3A_43 = tpu.memref_slice %arg7[%run_scoped3A, %dma_start3A_42] : memref<125x80xi32, #tpu.memory_space<vmem>> -> memref<1x80xi32, #tpu.memory_space<vmem>>
      %dma_start3A_44 = tpu.memref_squeeze %dma_start3A_43 : memref<1x80xi32, #tpu.memory_space<vmem>> -> memref<80xi32, #tpu.memory_space<vmem>>
      %dma_start3A_45 = arith.constant 0 : i32
      %dma_start3A_46 = arith.constant 0 : i32
      %dma_start3A_47 = tpu.memref_slice %arg10[%dma_start3A_45, %dma_start3A_46] : memref<10128x128xf32, #tpu.memory_space<vmem_shared>> -> memref<10128x128xf32, #tpu.memory_space<vmem_shared>>
      tpu.enqueue_indirect_dma source(%arg8 : memref<80x128xf32, #tpu.memory_space<vmem>>) target(%dma_start3A_47 : memref<10128x128xf32, #tpu.memory_space<vmem_shared>>) offsets(%dma_start3A_44 : memref<80xi32, #tpu.memory_space<vmem>>) semaphore(%run_scoped3A_41 : memref<!tpu.dma_semaphore, #tpu.memory_space<semaphore_mem>>) {add = true}
      %dma_wait3A_48 = arith.constant 0 : i32
      %dma_wait3A_49 = tpu.memref_slice %arg7[%run_scoped3A, %dma_wait3A_48] : memref<125x80xi32, #tpu.memory_space<vmem>> -> memref<1x80xi32, #tpu.memory_space<vmem>>
      %dma_wait3A_50 = tpu.memref_squeeze %dma_wait3A_49 : memref<1x80xi32, #tpu.memory_space<vmem>> -> memref<80xi32, #tpu.memory_space<vmem>>
      %dma_wait3A_51 = arith.constant 0 : i32
      %dma_wait3A_52 = arith.constant 0 : i32
      %dma_wait3A_53 = tpu.memref_slice %arg10[%dma_wait3A_51, %dma_wait3A_52] : memref<10128x128xf32, #tpu.memory_space<vmem_shared>> -> memref<10128x128xf32, #tpu.memory_space<vmem_shared>>
      tpu.wait_indirect_dma semaphore(%run_scoped3A_41 : memref<!tpu.dma_semaphore, #tpu.memory_space<semaphore_mem>>) src(%arg8 : memref<80x128xf32, #tpu.memory_space<vmem>>) dst(%dma_wait3A_53 : memref<10128x128xf32, #tpu.memory_space<vmem_shared>>)
      tpu.yield
    }) : () -> ()
    %barrier3A_30 = arith.constant 0 : index
    tpu.barrier barrier_id(%barrier3A_30)
    %lt3A_31 = arith.constant 15 : i32
    %lt3A_32 = arith.cmpi slt, %arg1, %lt3A_31 : i32
    %convert_element_type3A_33 = arith.extui %lt3A_32 : i1 to i32
    %cond3A_34 = arith.constant 0 : i32
    %cond3A_35 = arith.cmpi ne, %convert_element_type3A_33, %cond3A_34 : i32
    scf.if %cond3A_35 {
      "tpu.region"() ({
        %run_scoped3A_41 = tpu.sem_alloc : memref<!tpu.dma_semaphore, #tpu.memory_space<semaphore_mem>>
        %dma_start3A_42 = arith.constant 0 : i32
        %dma_start3A_43 = tpu.memref_slice %arg5[%arg0, %mul3A_7, %dma_start3A_42] : memref<2x10000x128xf32, #tpu.memory_space<hbm>> -> memref<1x640x128xf32, #tpu.memory_space<hbm>>
        %dma_start3A_44 = tpu.memref_squeeze %dma_start3A_43 : memref<1x640x128xf32, #tpu.memory_space<hbm>> -> memref<640x128xf32, #tpu.memory_space<hbm>>
        %dma_start3A_45 = arith.constant 0 : i32
        %dma_start3A_46 = tpu.memref_slice %arg10[%mul3A_7, %dma_start3A_45] : memref<10128x128xf32, #tpu.memory_space<vmem_shared>> -> memref<640x128xf32, #tpu.memory_space<vmem_shared>>
        tpu.enqueue_dma source(%dma_start3A_46 : memref<640x128xf32, #tpu.memory_space<vmem_shared>>) target(%dma_start3A_44 : memref<640x128xf32, #tpu.memory_space<hbm>>) target_semaphore(%run_scoped3A_41 : memref<!tpu.dma_semaphore, #tpu.memory_space<semaphore_mem>>)
        %dma_wait3A_47 = arith.constant 0 : i32
        %dma_wait3A_48 = tpu.memref_slice %arg5[%arg0, %mul3A_7, %dma_wait3A_47] : memref<2x10000x128xf32, #tpu.memory_space<hbm>> -> memref<1x640x128xf32, #tpu.memory_space<hbm>>
        %dma_wait3A_49 = tpu.memref_squeeze %dma_wait3A_48 : memref<1x640x128xf32, #tpu.memory_space<hbm>> -> memref<640x128xf32, #tpu.memory_space<hbm>>
        %dma_wait3A_50 = arith.constant 0 : i32
        %dma_wait3A_51 = tpu.memref_slice %arg10[%mul3A_7, %dma_wait3A_50] : memref<10128x128xf32, #tpu.memory_space<vmem_shared>> -> memref<640x128xf32, #tpu.memory_space<vmem_shared>>
        tpu.wait_dma2 semaphore(%run_scoped3A_41 : memref<!tpu.dma_semaphore, #tpu.memory_space<semaphore_mem>>) src(%dma_wait3A_51 : memref<640x128xf32, #tpu.memory_space<vmem_shared>>) dst(%dma_wait3A_49 : memref<640x128xf32, #tpu.memory_space<hbm>>)
        tpu.yield
      }) : () -> ()
    } else {
    }
    %eq3A_36 = arith.constant 15 : i32
    %eq3A_37 = arith.cmpi eq, %arg1, %eq3A_36 : i32
    %convert_element_type3A_38 = arith.extui %eq3A_37 : i1 to i32
    %cond3A_39 = arith.constant 0 : i32
    %cond3A_40 = arith.cmpi ne, %convert_element_type3A_38, %cond3A_39 : i32
    scf.if %cond3A_40 {
      "tpu.region"() ({
        %run_scoped3A_41 = tpu.sem_alloc : memref<!tpu.dma_semaphore, #tpu.memory_space<semaphore_mem>>
        %dma_start3A_42 = arith.constant 0 : i32
        %dma_start3A_43 = tpu.memref_slice %arg5[%arg0, %mul3A_7, %dma_start3A_42] : memref<2x10000x128xf32, #tpu.memory_space<hbm>> -> memref<1x400x128xf32, #tpu.memory_space<hbm>>
        %dma_start3A_44 = tpu.memref_squeeze %dma_start3A_43 : memref<1x400x128xf32, #tpu.memory_space<hbm>> -> memref<400x128xf32, #tpu.memory_space<hbm>>
        %dma_start3A_45 = arith.constant 0 : i32
        %dma_start3A_46 = tpu.memref_slice %arg10[%mul3A_7, %dma_start3A_45] : memref<10128x128xf32, #tpu.memory_space<vmem_shared>> -> memref<400x128xf32, #tpu.memory_space<vmem_shared>>
        tpu.enqueue_dma source(%dma_start3A_46 : memref<400x128xf32, #tpu.memory_space<vmem_shared>>) target(%dma_start3A_44 : memref<400x128xf32, #tpu.memory_space<hbm>>) target_semaphore(%run_scoped3A_41 : memref<!tpu.dma_semaphore, #tpu.memory_space<semaphore_mem>>)
        %dma_wait3A_47 = arith.constant 0 : i32
        %dma_wait3A_48 = tpu.memref_slice %arg5[%arg0, %mul3A_7, %dma_wait3A_47] : memref<2x10000x128xf32, #tpu.memory_space<hbm>> -> memref<1x400x128xf32, #tpu.memory_space<hbm>>
        %dma_wait3A_49 = tpu.memref_squeeze %dma_wait3A_48 : memref<1x400x128xf32, #tpu.memory_space<hbm>> -> memref<400x128xf32, #tpu.memory_space<hbm>>
        %dma_wait3A_50 = arith.constant 0 : i32
        %dma_wait3A_51 = tpu.memref_slice %arg10[%mul3A_7, %dma_wait3A_50] : memref<10128x128xf32, #tpu.memory_space<vmem_shared>> -> memref<400x128xf32, #tpu.memory_space<vmem_shared>>
        tpu.wait_dma2 semaphore(%run_scoped3A_41 : memref<!tpu.dma_semaphore, #tpu.memory_space<semaphore_mem>>) src(%dma_wait3A_51 : memref<400x128xf32, #tpu.memory_space<vmem_shared>>) dst(%dma_wait3A_49 : memref<400x128xf32, #tpu.memory_space<hbm>>)
        tpu.yield
      }) : () -> ()
    } else {
    }
    return
  }
}

#map = affine_map<(d0, d1) -> (0, 0)>
#map1 = affine_map<(d0, d1) -> (0)>
#map2 = affine_map<(d0, d1) -> (0, 0, 0)>
module attributes {stable_mosaic.version = 14 : i64} {
  func.func @_spmm(%arg0: i32, %arg1: i32, %arg2: memref<10000x48xf32, #tpu.memory_space<hbm>>, %arg3: memref<320000xi32, #tpu.memory_space<hbm>>, %arg4: memref<32x125x80xi32, #tpu.memory_space<hbm>>, %arg5: memref<2x10000x48xf32, #tpu.memory_space<hbm>>, %arg6: memref<10000xi32, #tpu.memory_space<vmem>>, %arg7: memref<125x80xi32, #tpu.memory_space<vmem>>, %arg8: memref<80x48xf32, #tpu.memory_space<vmem>>, %arg9: memref<80x48xf32, #tpu.memory_space<vmem>>, %arg10: memref<10128x48xf32, #tpu.memory_space<vmem_shared>>, %arg11: memref<!tpu.dma_semaphore, #tpu.memory_space<semaphore_mem>>, %arg12: memref<!tpu.dma_semaphore, #tpu.memory_space<semaphore_mem>>, %arg13: memref<10000x48xf32, #tpu.memory_space<vmem_shared>>) attributes {dimension_semantics = [#tpu.dimension_semantics<core_parallel>, #tpu.dimension_semantics<subcore_parallel>], iteration_bounds = array<i64: 2, 16>, scalar_prefetch = 0 : i64, scratch_operands = 8 : i64, tpu.core_type = #tpu.core_type<sc_vector_subcore>, window_params = [{transform_indices = #map}, {transform_indices = #map1}, {transform_indices = #map2}, {transform_indices = #map2}]} {
    %mul3A = arith.constant 16 : i32
    %mul3A_0 = arith.muli %arg0, %mul3A : i32
    %add3A = arith.addi %mul3A_0, %arg1 : i32
    %scan3A = arith.constant 0 : i32
    %scan3A_1 = arith.constant 0 : i32
    %scan3A_2 = arith.constant 240 : i32
    %scan3A_3 = arith.addi %scan3A_1, %scan3A_2 : i32
    %scan3A_4 = arith.constant 1 : i32
    scf.for %scan3A_51 = %scan3A_1 to %scan3A_3 step %scan3A_4  : i32 {
      %broadcast_in_dim3A = arith.constant 0.000000e+00 : f32
      %broadcast_in_dim3A_52 = vector.broadcast %broadcast_in_dim3A : f32 to vector<16xf32>
      %jit3A = arith.constant 3 : i32
      %div3A = arith.divsi %scan3A_51, %jit3A : i32
      %sign3A = arith.constant 0 : i32
      %sign3A_53 = arith.cmpi sgt, %scan3A_51, %sign3A : i32
      %sign3A_54 = arith.extui %sign3A_53 : i1 to i32
      %sign3A_55 = arith.constant 0 : i32
      %sign3A_56 = arith.cmpi slt, %scan3A_51, %sign3A_55 : i32
      %sign3A_57 = arith.extui %sign3A_56 : i1 to i32
      %sign3A_58 = arith.subi %sign3A_54, %sign3A_57 : i32
      %sign3A_59 = arith.constant 0 : i32
      %sign3A_60 = arith.cmpi sgt, %jit3A, %sign3A_59 : i32
      %sign3A_61 = arith.extui %sign3A_60 : i1 to i32
      %sign3A_62 = arith.constant 0 : i32
      %sign3A_63 = arith.cmpi slt, %jit3A, %sign3A_62 : i32
      %sign3A_64 = arith.extui %sign3A_63 : i1 to i32
      %sign3A_65 = arith.subi %sign3A_61, %sign3A_64 : i32
      %ne3A = arith.cmpi ne, %sign3A_58, %sign3A_65 : i32
      %rem3A = arith.remsi %scan3A_51, %jit3A : i32
      %ne3A_66 = arith.constant 0 : i32
      %ne3A_67 = arith.cmpi ne, %rem3A, %ne3A_66 : i32
      %and3A = arith.andi %ne3A, %ne3A_67 : i1
      %sub3A = arith.constant 1 : i32
      %sub3A_68 = arith.subi %div3A, %sub3A : i32
      %select_n3A = arith.select %and3A, %sub3A_68, %div3A : i32
      %jit3A_69 = arith.constant 3 : i32
      %eq3A_70 = arith.constant 0 : i32
      %eq3A_71 = arith.cmpi eq, %jit3A_69, %eq3A_70 : i32
      %jit3A_72 = arith.constant 1 : i32
      %select_n3A_73 = arith.select %eq3A_71, %jit3A_72, %jit3A_69 : i32
      %rem3A_74 = arith.remsi %scan3A_51, %select_n3A_73 : i32
      %ne3A_75 = arith.constant 0 : i32
      %ne3A_76 = arith.cmpi ne, %rem3A_74, %ne3A_75 : i32
      %lt3A_77 = arith.constant 0 : i32
      %lt3A_78 = arith.cmpi slt, %rem3A_74, %lt3A_77 : i32
      %lt3A_79 = arith.constant 0 : i32
      %lt3A_80 = arith.cmpi slt, %select_n3A_73, %lt3A_79 : i32
      %ne3A_81 = arith.xori %lt3A_78, %lt3A_80 : i1
      %and3A_82 = arith.andi %ne3A_81, %ne3A_76 : i1
      %add3A_83 = arith.addi %rem3A_74, %select_n3A_73 : i32
      %select_n3A_84 = arith.select %and3A_82, %add3A_83, %rem3A_74 : i32
      %mul3A_85 = arith.constant 16 : i32
      %mul3A_86 = arith.muli %select_n3A_84, %mul3A_85 : i32
      %swap3A = arith.index_cast %select_n3A : i32 to index
      %swap3A_87 = arith.index_cast %mul3A_86 : i32 to index
      %swap3A_88 = tpu.vector_load %arg8[%swap3A, %swap3A_87] {strides = array<i32>} : memref<80x48xf32, #tpu.memory_space<vmem>>, vector<1x16xf32>,
      %swap3A_89 = vector.shape_cast %swap3A_88 : vector<1x16xf32> to vector<16xf32>
      %swap3A_90 = vector.shape_cast %broadcast_in_dim3A_52 : vector<16xf32> to vector<1x16xf32>
      tpu.vector_store %arg8[%swap3A, %swap3A_87], %swap3A_90 {strides = array<i32>} : memref<80x48xf32, #tpu.memory_space<vmem>>, vector<1x16xf32>,
    }
    %scan3A_5 = arith.constant 240 : i32
    %mul3A_6 = arith.constant 640 : i32
    %mul3A_7 = arith.muli %arg1, %mul3A_6 : i32
    %lt3A = arith.constant 15 : i32
    %lt3A_8 = arith.cmpi slt, %arg1, %lt3A : i32
    %convert_element_type3A = arith.extui %lt3A_8 : i1 to i32
    %cond3A = arith.constant 0 : i32
    %cond3A_9 = arith.cmpi ne, %convert_element_type3A, %cond3A : i32
    scf.if %cond3A_9 {
      "tpu.region"() ({
        %run_scoped3A_51 = tpu.sem_alloc : memref<!tpu.dma_semaphore, #tpu.memory_space<semaphore_mem>>
        %dma_start3A_52 = arith.constant 0 : i32
        %dma_start3A_53 = tpu.memref_slice %arg13[%mul3A_7, %dma_start3A_52] : memref<10000x48xf32, #tpu.memory_space<vmem_shared>> -> memref<640x48xf32, #tpu.memory_space<vmem_shared>>
        %dma_start3A_54 = arith.constant 0 : i32
        %dma_start3A_55 = tpu.memref_slice %arg2[%mul3A_7, %dma_start3A_54] : memref<10000x48xf32, #tpu.memory_space<hbm>> -> memref<640x48xf32, #tpu.memory_space<hbm>>
        tpu.enqueue_dma source(%dma_start3A_55 : memref<640x48xf32, #tpu.memory_space<hbm>>) target(%dma_start3A_53 : memref<640x48xf32, #tpu.memory_space<vmem_shared>>) target_semaphore(%run_scoped3A_51 : memref<!tpu.dma_semaphore, #tpu.memory_space<semaphore_mem>>)
        %dma_wait3A_56 = arith.constant 0 : i32
        %dma_wait3A_57 = tpu.memref_slice %arg13[%mul3A_7, %dma_wait3A_56] : memref<10000x48xf32, #tpu.memory_space<vmem_shared>> -> memref<640x48xf32, #tpu.memory_space<vmem_shared>>
        %dma_wait3A_58 = arith.constant 0 : i32
        %dma_wait3A_59 = tpu.memref_slice %arg2[%mul3A_7, %dma_wait3A_58] : memref<10000x48xf32, #tpu.memory_space<hbm>> -> memref<640x48xf32, #tpu.memory_space<hbm>>
        tpu.wait_dma2 semaphore(%run_scoped3A_51 : memref<!tpu.dma_semaphore, #tpu.memory_space<semaphore_mem>>) src(%dma_wait3A_59 : memref<640x48xf32, #tpu.memory_space<hbm>>) dst(%dma_wait3A_57 : memref<640x48xf32, #tpu.memory_space<vmem_shared>>)
        tpu.yield
      }) : () -> ()
    } else {
    }
    %eq3A = arith.constant 15 : i32
    %eq3A_10 = arith.cmpi eq, %arg1, %eq3A : i32
    %convert_element_type3A_11 = arith.extui %eq3A_10 : i1 to i32
    %cond3A_12 = arith.constant 0 : i32
    %cond3A_13 = arith.cmpi ne, %convert_element_type3A_11, %cond3A_12 : i32
    scf.if %cond3A_13 {
      "tpu.region"() ({
        %run_scoped3A_51 = tpu.sem_alloc : memref<!tpu.dma_semaphore, #tpu.memory_space<semaphore_mem>>
        %dma_start3A_52 = arith.constant 0 : i32
        %dma_start3A_53 = tpu.memref_slice %arg13[%mul3A_7, %dma_start3A_52] : memref<10000x48xf32, #tpu.memory_space<vmem_shared>> -> memref<400x48xf32, #tpu.memory_space<vmem_shared>>
        %dma_start3A_54 = arith.constant 0 : i32
        %dma_start3A_55 = tpu.memref_slice %arg2[%mul3A_7, %dma_start3A_54] : memref<10000x48xf32, #tpu.memory_space<hbm>> -> memref<400x48xf32, #tpu.memory_space<hbm>>
        tpu.enqueue_dma source(%dma_start3A_55 : memref<400x48xf32, #tpu.memory_space<hbm>>) target(%dma_start3A_53 : memref<400x48xf32, #tpu.memory_space<vmem_shared>>) target_semaphore(%run_scoped3A_51 : memref<!tpu.dma_semaphore, #tpu.memory_space<semaphore_mem>>)
        %dma_wait3A_56 = arith.constant 0 : i32
        %dma_wait3A_57 = tpu.memref_slice %arg13[%mul3A_7, %dma_wait3A_56] : memref<10000x48xf32, #tpu.memory_space<vmem_shared>> -> memref<400x48xf32, #tpu.memory_space<vmem_shared>>
        %dma_wait3A_58 = arith.constant 0 : i32
        %dma_wait3A_59 = tpu.memref_slice %arg2[%mul3A_7, %dma_wait3A_58] : memref<10000x48xf32, #tpu.memory_space<hbm>> -> memref<400x48xf32, #tpu.memory_space<hbm>>
        tpu.wait_dma2 semaphore(%run_scoped3A_51 : memref<!tpu.dma_semaphore, #tpu.memory_space<semaphore_mem>>) src(%dma_wait3A_59 : memref<400x48xf32, #tpu.memory_space<hbm>>) dst(%dma_wait3A_57 : memref<400x48xf32, #tpu.memory_space<vmem_shared>>)
        tpu.yield
      }) : () -> ()
    } else {
    }
    %lt3A_14 = arith.constant 15 : i32
    %lt3A_15 = arith.cmpi slt, %arg1, %lt3A_14 : i32
    %convert_element_type3A_16 = arith.extui %lt3A_15 : i1 to i32
    %cond3A_17 = arith.constant 0 : i32
    %cond3A_18 = arith.cmpi ne, %convert_element_type3A_16, %cond3A_17 : i32
    scf.if %cond3A_18 {
      %add3A_51 = arith.constant 0 : i32
      %add3A_52 = arith.addi %mul3A_7, %add3A_51 : i32
      "tpu.region"() ({
        %run_scoped3A_70 = tpu.sem_alloc : memref<!tpu.dma_semaphore, #tpu.memory_space<semaphore_mem>>
        %dma_start3A_71 = arith.constant 0 : i32
        %dma_start3A_72 = tpu.memref_slice %arg10[%add3A_52, %dma_start3A_71] : memref<10128x48xf32, #tpu.memory_space<vmem_shared>> -> memref<80x48xf32, #tpu.memory_space<vmem_shared>>
        %dma_start3A_73 = arith.constant 0 : i32
        %dma_start3A_74 = tpu.memref_slice %arg10[%add3A_52, %dma_start3A_73] : memref<10128x48xf32, #tpu.memory_space<vmem_shared>> -> memref<80x48xf32, #tpu.memory_space<vmem_shared>>
        tpu.enqueue_dma source(%arg8 : memref<80x48xf32, #tpu.memory_space<vmem>>) target(%dma_start3A_74 : memref<80x48xf32, #tpu.memory_space<vmem_shared>>) target_semaphore(%run_scoped3A_70 : memref<!tpu.dma_semaphore, #tpu.memory_space<semaphore_mem>>)
        %dma_wait3A_75 = arith.constant 0 : i32
        %dma_wait3A_76 = tpu.memref_slice %arg10[%add3A_52, %dma_wait3A_75] : memref<10128x48xf32, #tpu.memory_space<vmem_shared>> -> memref<80x48xf32, #tpu.memory_space<vmem_shared>>
        %dma_wait3A_77 = arith.constant 0 : i32
        %dma_wait3A_78 = tpu.memref_slice %arg10[%add3A_52, %dma_wait3A_77] : memref<10128x48xf32, #tpu.memory_space<vmem_shared>> -> memref<80x48xf32, #tpu.memory_space<vmem_shared>>
        tpu.wait_dma2 semaphore(%run_scoped3A_70 : memref<!tpu.dma_semaphore, #tpu.memory_space<semaphore_mem>>) src(%arg8 : memref<80x48xf32, #tpu.memory_space<vmem>>) dst(%dma_wait3A_78 : memref<80x48xf32, #tpu.memory_space<vmem_shared>>)
        tpu.yield
      }) : () -> ()
      %add3A_53 = arith.constant 80 : i32
      %add3A_54 = arith.addi %mul3A_7, %add3A_53 : i32
      "tpu.region"() ({
        %run_scoped3A_70 = tpu.sem_alloc : memref<!tpu.dma_semaphore, #tpu.memory_space<semaphore_mem>>
        %dma_start3A_71 = arith.constant 0 : i32
        %dma_start3A_72 = tpu.memref_slice %arg10[%add3A_54, %dma_start3A_71] : memref<10128x48xf32, #tpu.memory_space<vmem_shared>> -> memref<80x48xf32, #tpu.memory_space<vmem_shared>>
        %dma_start3A_73 = arith.constant 0 : i32
        %dma_start3A_74 = tpu.memref_slice %arg10[%add3A_54, %dma_start3A_73] : memref<10128x48xf32, #tpu.memory_space<vmem_shared>> -> memref<80x48xf32, #tpu.memory_space<vmem_shared>>
        tpu.enqueue_dma source(%arg8 : memref<80x48xf32, #tpu.memory_space<vmem>>) target(%dma_start3A_74 : memref<80x48xf32, #tpu.memory_space<vmem_shared>>) target_semaphore(%run_scoped3A_70 : memref<!tpu.dma_semaphore, #tpu.memory_space<semaphore_mem>>)
        %dma_wait3A_75 = arith.constant 0 : i32
        %dma_wait3A_76 = tpu.memref_slice %arg10[%add3A_54, %dma_wait3A_75] : memref<10128x48xf32, #tpu.memory_space<vmem_shared>> -> memref<80x48xf32, #tpu.memory_space<vmem_shared>>
        %dma_wait3A_77 = arith.constant 0 : i32
        %dma_wait3A_78 = tpu.memref_slice %arg10[%add3A_54, %dma_wait3A_77] : memref<10128x48xf32, #tpu.memory_space<vmem_shared>> -> memref<80x48xf32, #tpu.memory_space<vmem_shared>>
        tpu.wait_dma2 semaphore(%run_scoped3A_70 : memref<!tpu.dma_semaphore, #tpu.memory_space<semaphore_mem>>) src(%arg8 : memref<80x48xf32, #tpu.memory_space<vmem>>) dst(%dma_wait3A_78 : memref<80x48xf32, #tpu.memory_space<vmem_shared>>)
        tpu.yield
      }) : () -> ()
      %add3A_55 = arith.constant 160 : i32
      %add3A_56 = arith.addi %mul3A_7, %add3A_55 : i32
      "tpu.region"() ({
        %run_scoped3A_70 = tpu.sem_alloc : memref<!tpu.dma_semaphore, #tpu.memory_space<semaphore_mem>>
        %dma_start3A_71 = arith.constant 0 : i32
        %dma_start3A_72 = tpu.memref_slice %arg10[%add3A_56, %dma_start3A_71] : memref<10128x48xf32, #tpu.memory_space<vmem_shared>> -> memref<80x48xf32, #tpu.memory_space<vmem_shared>>
        %dma_start3A_73 = arith.constant 0 : i32
        %dma_start3A_74 = tpu.memref_slice %arg10[%add3A_56, %dma_start3A_73] : memref<10128x48xf32, #tpu.memory_space<vmem_shared>> -> memref<80x48xf32, #tpu.memory_space<vmem_shared>>
        tpu.enqueue_dma source(%arg8 : memref<80x48xf32, #tpu.memory_space<vmem>>) target(%dma_start3A_74 : memref<80x48xf32, #tpu.memory_space<vmem_shared>>) target_semaphore(%run_scoped3A_70 : memref<!tpu.dma_semaphore, #tpu.memory_space<semaphore_mem>>)
        %dma_wait3A_75 = arith.constant 0 : i32
        %dma_wait3A_76 = tpu.memref_slice %arg10[%add3A_56, %dma_wait3A_75] : memref<10128x48xf32, #tpu.memory_space<vmem_shared>> -> memref<80x48xf32, #tpu.memory_space<vmem_shared>>
        %dma_wait3A_77 = arith.constant 0 : i32
        %dma_wait3A_78 = tpu.memref_slice %arg10[%add3A_56, %dma_wait3A_77] : memref<10128x48xf32, #tpu.memory_space<vmem_shared>> -> memref<80x48xf32, #tpu.memory_space<vmem_shared>>
        tpu.wait_dma2 semaphore(%run_scoped3A_70 : memref<!tpu.dma_semaphore, #tpu.memory_space<semaphore_mem>>) src(%arg8 : memref<80x48xf32, #tpu.memory_space<vmem>>) dst(%dma_wait3A_78 : memref<80x48xf32, #tpu.memory_space<vmem_shared>>)
        tpu.yield
      }) : () -> ()
      %add3A_57 = arith.constant 240 : i32
      %add3A_58 = arith.addi %mul3A_7, %add3A_57 : i32
      "tpu.region"() ({
        %run_scoped3A_70 = tpu.sem_alloc : memref<!tpu.dma_semaphore, #tpu.memory_space<semaphore_mem>>
        %dma_start3A_71 = arith.constant 0 : i32
        %dma_start3A_72 = tpu.memref_slice %arg10[%add3A_58, %dma_start3A_71] : memref<10128x48xf32, #tpu.memory_space<vmem_shared>> -> memref<80x48xf32, #tpu.memory_space<vmem_shared>>
        %dma_start3A_73 = arith.constant 0 : i32
        %dma_start3A_74 = tpu.memref_slice %arg10[%add3A_58, %dma_start3A_73] : memref<10128x48xf32, #tpu.memory_space<vmem_shared>> -> memref<80x48xf32, #tpu.memory_space<vmem_shared>>
        tpu.enqueue_dma source(%arg8 : memref<80x48xf32, #tpu.memory_space<vmem>>) target(%dma_start3A_74 : memref<80x48xf32, #tpu.memory_space<vmem_shared>>) target_semaphore(%run_scoped3A_70 : memref<!tpu.dma_semaphore, #tpu.memory_space<semaphore_mem>>)
        %dma_wait3A_75 = arith.constant 0 : i32
        %dma_wait3A_76 = tpu.memref_slice %arg10[%add3A_58, %dma_wait3A_75] : memref<10128x48xf32, #tpu.memory_space<vmem_shared>> -> memref<80x48xf32, #tpu.memory_space<vmem_shared>>
        %dma_wait3A_77 = arith.constant 0 : i32
        %dma_wait3A_78 = tpu.memref_slice %arg10[%add3A_58, %dma_wait3A_77] : memref<10128x48xf32, #tpu.memory_space<vmem_shared>> -> memref<80x48xf32, #tpu.memory_space<vmem_shared>>
        tpu.wait_dma2 semaphore(%run_scoped3A_70 : memref<!tpu.dma_semaphore, #tpu.memory_space<semaphore_mem>>) src(%arg8 : memref<80x48xf32, #tpu.memory_space<vmem>>) dst(%dma_wait3A_78 : memref<80x48xf32, #tpu.memory_space<vmem_shared>>)
        tpu.yield
      }) : () -> ()
      %add3A_59 = arith.constant 320 : i32
      %add3A_60 = arith.addi %mul3A_7, %add3A_59 : i32
      "tpu.region"() ({
        %run_scoped3A_70 = tpu.sem_alloc : memref<!tpu.dma_semaphore, #tpu.memory_space<semaphore_mem>>
        %dma_start3A_71 = arith.constant 0 : i32
        %dma_start3A_72 = tpu.memref_slice %arg10[%add3A_60, %dma_start3A_71] : memref<10128x48xf32, #tpu.memory_space<vmem_shared>> -> memref<80x48xf32, #tpu.memory_space<vmem_shared>>
        %dma_start3A_73 = arith.constant 0 : i32
        %dma_start3A_74 = tpu.memref_slice %arg10[%add3A_60, %dma_start3A_73] : memref<10128x48xf32, #tpu.memory_space<vmem_shared>> -> memref<80x48xf32, #tpu.memory_space<vmem_shared>>
        tpu.enqueue_dma source(%arg8 : memref<80x48xf32, #tpu.memory_space<vmem>>) target(%dma_start3A_74 : memref<80x48xf32, #tpu.memory_space<vmem_shared>>) target_semaphore(%run_scoped3A_70 : memref<!tpu.dma_semaphore, #tpu.memory_space<semaphore_mem>>)
        %dma_wait3A_75 = arith.constant 0 : i32
        %dma_wait3A_76 = tpu.memref_slice %arg10[%add3A_60, %dma_wait3A_75] : memref<10128x48xf32, #tpu.memory_space<vmem_shared>> -> memref<80x48xf32, #tpu.memory_space<vmem_shared>>
        %dma_wait3A_77 = arith.constant 0 : i32
        %dma_wait3A_78 = tpu.memref_slice %arg10[%add3A_60, %dma_wait3A_77] : memref<10128x48xf32, #tpu.memory_space<vmem_shared>> -> memref<80x48xf32, #tpu.memory_space<vmem_shared>>
        tpu.wait_dma2 semaphore(%run_scoped3A_70 : memref<!tpu.dma_semaphore, #tpu.memory_space<semaphore_mem>>) src(%arg8 : memref<80x48xf32, #tpu.memory_space<vmem>>) dst(%dma_wait3A_78 : memref<80x48xf32, #tpu.memory_space<vmem_shared>>)
        tpu.yield
      }) : () -> ()
      %add3A_61 = arith.constant 400 : i32
      %add3A_62 = arith.addi %mul3A_7, %add3A_61 : i32
      "tpu.region"() ({
        %run_scoped3A_70 = tpu.sem_alloc : memref<!tpu.dma_semaphore, #tpu.memory_space<semaphore_mem>>
        %dma_start3A_71 = arith.constant 0 : i32
        %dma_start3A_72 = tpu.memref_slice %arg10[%add3A_62, %dma_start3A_71] : memref<10128x48xf32, #tpu.memory_space<vmem_shared>> -> memref<80x48xf32, #tpu.memory_space<vmem_shared>>
        %dma_start3A_73 = arith.constant 0 : i32
        %dma_start3A_74 = tpu.memref_slice %arg10[%add3A_62, %dma_start3A_73] : memref<10128x48xf32, #tpu.memory_space<vmem_shared>> -> memref<80x48xf32, #tpu.memory_space<vmem_shared>>
        tpu.enqueue_dma source(%arg8 : memref<80x48xf32, #tpu.memory_space<vmem>>) target(%dma_start3A_74 : memref<80x48xf32, #tpu.memory_space<vmem_shared>>) target_semaphore(%run_scoped3A_70 : memref<!tpu.dma_semaphore, #tpu.memory_space<semaphore_mem>>)
        %dma_wait3A_75 = arith.constant 0 : i32
        %dma_wait3A_76 = tpu.memref_slice %arg10[%add3A_62, %dma_wait3A_75] : memref<10128x48xf32, #tpu.memory_space<vmem_shared>> -> memref<80x48xf32, #tpu.memory_space<vmem_shared>>
        %dma_wait3A_77 = arith.constant 0 : i32
        %dma_wait3A_78 = tpu.memref_slice %arg10[%add3A_62, %dma_wait3A_77] : memref<10128x48xf32, #tpu.memory_space<vmem_shared>> -> memref<80x48xf32, #tpu.memory_space<vmem_shared>>
        tpu.wait_dma2 semaphore(%run_scoped3A_70 : memref<!tpu.dma_semaphore, #tpu.memory_space<semaphore_mem>>) src(%arg8 : memref<80x48xf32, #tpu.memory_space<vmem>>) dst(%dma_wait3A_78 : memref<80x48xf32, #tpu.memory_space<vmem_shared>>)
        tpu.yield
      }) : () -> ()
      %add3A_63 = arith.constant 480 : i32
      %add3A_64 = arith.addi %mul3A_7, %add3A_63 : i32
      "tpu.region"() ({
        %run_scoped3A_70 = tpu.sem_alloc : memref<!tpu.dma_semaphore, #tpu.memory_space<semaphore_mem>>
        %dma_start3A_71 = arith.constant 0 : i32
        %dma_start3A_72 = tpu.memref_slice %arg10[%add3A_64, %dma_start3A_71] : memref<10128x48xf32, #tpu.memory_space<vmem_shared>> -> memref<80x48xf32, #tpu.memory_space<vmem_shared>>
        %dma_start3A_73 = arith.constant 0 : i32
        %dma_start3A_74 = tpu.memref_slice %arg10[%add3A_64, %dma_start3A_73] : memref<10128x48xf32, #tpu.memory_space<vmem_shared>> -> memref<80x48xf32, #tpu.memory_space<vmem_shared>>
        tpu.enqueue_dma source(%arg8 : memref<80x48xf32, #tpu.memory_space<vmem>>) target(%dma_start3A_74 : memref<80x48xf32, #tpu.memory_space<vmem_shared>>) target_semaphore(%run_scoped3A_70 : memref<!tpu.dma_semaphore, #tpu.memory_space<semaphore_mem>>)
        %dma_wait3A_75 = arith.constant 0 : i32
        %dma_wait3A_76 = tpu.memref_slice %arg10[%add3A_64, %dma_wait3A_75] : memref<10128x48xf32, #tpu.memory_space<vmem_shared>> -> memref<80x48xf32, #tpu.memory_space<vmem_shared>>
        %dma_wait3A_77 = arith.constant 0 : i32
        %dma_wait3A_78 = tpu.memref_slice %arg10[%add3A_64, %dma_wait3A_77] : memref<10128x48xf32, #tpu.memory_space<vmem_shared>> -> memref<80x48xf32, #tpu.memory_space<vmem_shared>>
        tpu.wait_dma2 semaphore(%run_scoped3A_70 : memref<!tpu.dma_semaphore, #tpu.memory_space<semaphore_mem>>) src(%arg8 : memref<80x48xf32, #tpu.memory_space<vmem>>) dst(%dma_wait3A_78 : memref<80x48xf32, #tpu.memory_space<vmem_shared>>)
        tpu.yield
      }) : () -> ()
      %add3A_65 = arith.constant 560 : i32
      %add3A_66 = arith.addi %mul3A_7, %add3A_65 : i32
      "tpu.region"() ({
        %run_scoped3A_70 = tpu.sem_alloc : memref<!tpu.dma_semaphore, #tpu.memory_space<semaphore_mem>>
        %dma_start3A_71 = arith.constant 0 : i32
        %dma_start3A_72 = tpu.memref_slice %arg10[%add3A_66, %dma_start3A_71] : memref<10128x48xf32, #tpu.memory_space<vmem_shared>> -> memref<80x48xf32, #tpu.memory_space<vmem_shared>>
        %dma_start3A_73 = arith.constant 0 : i32
        %dma_start3A_74 = tpu.memref_slice %arg10[%add3A_66, %dma_start3A_73] : memref<10128x48xf32, #tpu.memory_space<vmem_shared>> -> memref<80x48xf32, #tpu.memory_space<vmem_shared>>
        tpu.enqueue_dma source(%arg8 : memref<80x48xf32, #tpu.memory_space<vmem>>) target(%dma_start3A_74 : memref<80x48xf32, #tpu.memory_space<vmem_shared>>) target_semaphore(%run_scoped3A_70 : memref<!tpu.dma_semaphore, #tpu.memory_space<semaphore_mem>>)
        %dma_wait3A_75 = arith.constant 0 : i32
        %dma_wait3A_76 = tpu.memref_slice %arg10[%add3A_66, %dma_wait3A_75] : memref<10128x48xf32, #tpu.memory_space<vmem_shared>> -> memref<80x48xf32, #tpu.memory_space<vmem_shared>>
        %dma_wait3A_77 = arith.constant 0 : i32
        %dma_wait3A_78 = tpu.memref_slice %arg10[%add3A_66, %dma_wait3A_77] : memref<10128x48xf32, #tpu.memory_space<vmem_shared>> -> memref<80x48xf32, #tpu.memory_space<vmem_shared>>
        tpu.wait_dma2 semaphore(%run_scoped3A_70 : memref<!tpu.dma_semaphore, #tpu.memory_space<semaphore_mem>>) src(%arg8 : memref<80x48xf32, #tpu.memory_space<vmem>>) dst(%dma_wait3A_78 : memref<80x48xf32, #tpu.memory_space<vmem_shared>>)
        tpu.yield
      }) : () -> ()
      %add3A_67 = arith.constant 640 : i32
      %add3A_68 = arith.addi %mul3A_7, %add3A_67 : i32
      %sub3A = arith.constant 0 : i32
      %sub3A_69 = arith.subi %add3A_68, %sub3A : i32
      "tpu.region"() ({
        %run_scoped3A_70 = tpu.sem_alloc : memref<!tpu.dma_semaphore, #tpu.memory_space<semaphore_mem>>
        %dma_start3A_71 = arith.constant 0 : i32
        %dma_start3A_72 = arith.constant 0 : i32
        %dma_start3A_73 = tpu.memref_slice %arg8[%dma_start3A_71, %dma_start3A_72] : memref<80x48xf32, #tpu.memory_space<vmem>> -> memref<0x48xf32, #tpu.memory_space<vmem>>
        %dma_start3A_74 = arith.constant 0 : i32
        %dma_start3A_75 = tpu.memref_slice %arg10[%sub3A_69, %dma_start3A_74] : memref<10128x48xf32, #tpu.memory_space<vmem_shared>> -> memref<0x48xf32, #tpu.memory_space<vmem_shared>>
        %dma_start3A_76 = arith.constant 0 : i32
        %dma_start3A_77 = tpu.memref_slice %arg10[%sub3A_69, %dma_start3A_76] : memref<10128x48xf32, #tpu.memory_space<vmem_shared>> -> memref<0x48xf32, #tpu.memory_space<vmem_shared>>
        %dma_start3A_78 = arith.constant 0 : i32
        %dma_start3A_79 = arith.constant 0 : i32
        %dma_start3A_80 = tpu.memref_slice %arg8[%dma_start3A_78, %dma_start3A_79] : memref<80x48xf32, #tpu.memory_space<vmem>> -> memref<0x48xf32, #tpu.memory_space<vmem>>
        tpu.enqueue_dma source(%dma_start3A_80 : memref<0x48xf32, #tpu.memory_space<vmem>>) target(%dma_start3A_77 : memref<0x48xf32, #tpu.memory_space<vmem_shared>>) target_semaphore(%run_scoped3A_70 : memref<!tpu.dma_semaphore, #tpu.memory_space<semaphore_mem>>)
        %dma_wait3A_81 = arith.constant 0 : i32
        %dma_wait3A_82 = arith.constant 0 : i32
        %dma_wait3A_83 = tpu.memref_slice %arg8[%dma_wait3A_81, %dma_wait3A_82] : memref<80x48xf32, #tpu.memory_space<vmem>> -> memref<0x48xf32, #tpu.memory_space<vmem>>
        %dma_wait3A_84 = arith.constant 0 : i32
        %dma_wait3A_85 = tpu.memref_slice %arg10[%sub3A_69, %dma_wait3A_84] : memref<10128x48xf32, #tpu.memory_space<vmem_shared>> -> memref<0x48xf32, #tpu.memory_space<vmem_shared>>
        %dma_wait3A_86 = arith.constant 0 : i32
        %dma_wait3A_87 = tpu.memref_slice %arg10[%sub3A_69, %dma_wait3A_86] : memref<10128x48xf32, #tpu.memory_space<vmem_shared>> -> memref<0x48xf32, #tpu.memory_space<vmem_shared>>
        %dma_wait3A_88 = arith.constant 0 : i32
        %dma_wait3A_89 = arith.constant 0 : i32
        %dma_wait3A_90 = tpu.memref_slice %arg8[%dma_wait3A_88, %dma_wait3A_89] : memref<80x48xf32, #tpu.memory_space<vmem>> -> memref<0x48xf32, #tpu.memory_space<vmem>>
        tpu.wait_dma2 semaphore(%run_scoped3A_70 : memref<!tpu.dma_semaphore, #tpu.memory_space<semaphore_mem>>) src(%dma_wait3A_90 : memref<0x48xf32, #tpu.memory_space<vmem>>) dst(%dma_wait3A_87 : memref<0x48xf32, #tpu.memory_space<vmem_shared>>)
        tpu.yield
      }) : () -> ()
    } else {
    }
    %eq3A_19 = arith.constant 15 : i32
    %eq3A_20 = arith.cmpi eq, %arg1, %eq3A_19 : i32
    %convert_element_type3A_21 = arith.extui %eq3A_20 : i1 to i32
    %cond3A_22 = arith.constant 0 : i32
    %cond3A_23 = arith.cmpi ne, %convert_element_type3A_21, %cond3A_22 : i32
    scf.if %cond3A_23 {
      %add3A_51 = arith.constant 0 : i32
      %add3A_52 = arith.addi %mul3A_7, %add3A_51 : i32
      "tpu.region"() ({
        %run_scoped3A_64 = tpu.sem_alloc : memref<!tpu.dma_semaphore, #tpu.memory_space<semaphore_mem>>
        %dma_start3A_65 = arith.constant 0 : i32
        %dma_start3A_66 = tpu.memref_slice %arg10[%add3A_52, %dma_start3A_65] : memref<10128x48xf32, #tpu.memory_space<vmem_shared>> -> memref<80x48xf32, #tpu.memory_space<vmem_shared>>
        %dma_start3A_67 = arith.constant 0 : i32
        %dma_start3A_68 = tpu.memref_slice %arg10[%add3A_52, %dma_start3A_67] : memref<10128x48xf32, #tpu.memory_space<vmem_shared>> -> memref<80x48xf32, #tpu.memory_space<vmem_shared>>
        tpu.enqueue_dma source(%arg8 : memref<80x48xf32, #tpu.memory_space<vmem>>) target(%dma_start3A_68 : memref<80x48xf32, #tpu.memory_space<vmem_shared>>) target_semaphore(%run_scoped3A_64 : memref<!tpu.dma_semaphore, #tpu.memory_space<semaphore_mem>>)
        %dma_wait3A_69 = arith.constant 0 : i32
        %dma_wait3A_70 = tpu.memref_slice %arg10[%add3A_52, %dma_wait3A_69] : memref<10128x48xf32, #tpu.memory_space<vmem_shared>> -> memref<80x48xf32, #tpu.memory_space<vmem_shared>>
        %dma_wait3A_71 = arith.constant 0 : i32
        %dma_wait3A_72 = tpu.memref_slice %arg10[%add3A_52, %dma_wait3A_71] : memref<10128x48xf32, #tpu.memory_space<vmem_shared>> -> memref<80x48xf32, #tpu.memory_space<vmem_shared>>
        tpu.wait_dma2 semaphore(%run_scoped3A_64 : memref<!tpu.dma_semaphore, #tpu.memory_space<semaphore_mem>>) src(%arg8 : memref<80x48xf32, #tpu.memory_space<vmem>>) dst(%dma_wait3A_72 : memref<80x48xf32, #tpu.memory_space<vmem_shared>>)
        tpu.yield
      }) : () -> ()
      %add3A_53 = arith.constant 80 : i32
      %add3A_54 = arith.addi %mul3A_7, %add3A_53 : i32
      "tpu.region"() ({
        %run_scoped3A_64 = tpu.sem_alloc : memref<!tpu.dma_semaphore, #tpu.memory_space<semaphore_mem>>
        %dma_start3A_65 = arith.constant 0 : i32
        %dma_start3A_66 = tpu.memref_slice %arg10[%add3A_54, %dma_start3A_65] : memref<10128x48xf32, #tpu.memory_space<vmem_shared>> -> memref<80x48xf32, #tpu.memory_space<vmem_shared>>
        %dma_start3A_67 = arith.constant 0 : i32
        %dma_start3A_68 = tpu.memref_slice %arg10[%add3A_54, %dma_start3A_67] : memref<10128x48xf32, #tpu.memory_space<vmem_shared>> -> memref<80x48xf32, #tpu.memory_space<vmem_shared>>
        tpu.enqueue_dma source(%arg8 : memref<80x48xf32, #tpu.memory_space<vmem>>) target(%dma_start3A_68 : memref<80x48xf32, #tpu.memory_space<vmem_shared>>) target_semaphore(%run_scoped3A_64 : memref<!tpu.dma_semaphore, #tpu.memory_space<semaphore_mem>>)
        %dma_wait3A_69 = arith.constant 0 : i32
        %dma_wait3A_70 = tpu.memref_slice %arg10[%add3A_54, %dma_wait3A_69] : memref<10128x48xf32, #tpu.memory_space<vmem_shared>> -> memref<80x48xf32, #tpu.memory_space<vmem_shared>>
        %dma_wait3A_71 = arith.constant 0 : i32
        %dma_wait3A_72 = tpu.memref_slice %arg10[%add3A_54, %dma_wait3A_71] : memref<10128x48xf32, #tpu.memory_space<vmem_shared>> -> memref<80x48xf32, #tpu.memory_space<vmem_shared>>
        tpu.wait_dma2 semaphore(%run_scoped3A_64 : memref<!tpu.dma_semaphore, #tpu.memory_space<semaphore_mem>>) src(%arg8 : memref<80x48xf32, #tpu.memory_space<vmem>>) dst(%dma_wait3A_72 : memref<80x48xf32, #tpu.memory_space<vmem_shared>>)
        tpu.yield
      }) : () -> ()
      %add3A_55 = arith.constant 160 : i32
      %add3A_56 = arith.addi %mul3A_7, %add3A_55 : i32
      "tpu.region"() ({
        %run_scoped3A_64 = tpu.sem_alloc : memref<!tpu.dma_semaphore, #tpu.memory_space<semaphore_mem>>
        %dma_start3A_65 = arith.constant 0 : i32
        %dma_start3A_66 = tpu.memref_slice %arg10[%add3A_56, %dma_start3A_65] : memref<10128x48xf32, #tpu.memory_space<vmem_shared>> -> memref<80x48xf32, #tpu.memory_space<vmem_shared>>
        %dma_start3A_67 = arith.constant 0 : i32
        %dma_start3A_68 = tpu.memref_slice %arg10[%add3A_56, %dma_start3A_67] : memref<10128x48xf32, #tpu.memory_space<vmem_shared>> -> memref<80x48xf32, #tpu.memory_space<vmem_shared>>
        tpu.enqueue_dma source(%arg8 : memref<80x48xf32, #tpu.memory_space<vmem>>) target(%dma_start3A_68 : memref<80x48xf32, #tpu.memory_space<vmem_shared>>) target_semaphore(%run_scoped3A_64 : memref<!tpu.dma_semaphore, #tpu.memory_space<semaphore_mem>>)
        %dma_wait3A_69 = arith.constant 0 : i32
        %dma_wait3A_70 = tpu.memref_slice %arg10[%add3A_56, %dma_wait3A_69] : memref<10128x48xf32, #tpu.memory_space<vmem_shared>> -> memref<80x48xf32, #tpu.memory_space<vmem_shared>>
        %dma_wait3A_71 = arith.constant 0 : i32
        %dma_wait3A_72 = tpu.memref_slice %arg10[%add3A_56, %dma_wait3A_71] : memref<10128x48xf32, #tpu.memory_space<vmem_shared>> -> memref<80x48xf32, #tpu.memory_space<vmem_shared>>
        tpu.wait_dma2 semaphore(%run_scoped3A_64 : memref<!tpu.dma_semaphore, #tpu.memory_space<semaphore_mem>>) src(%arg8 : memref<80x48xf32, #tpu.memory_space<vmem>>) dst(%dma_wait3A_72 : memref<80x48xf32, #tpu.memory_space<vmem_shared>>)
        tpu.yield
      }) : () -> ()
      %add3A_57 = arith.constant 240 : i32
      %add3A_58 = arith.addi %mul3A_7, %add3A_57 : i32
      "tpu.region"() ({
        %run_scoped3A_64 = tpu.sem_alloc : memref<!tpu.dma_semaphore, #tpu.memory_space<semaphore_mem>>
        %dma_start3A_65 = arith.constant 0 : i32
        %dma_start3A_66 = tpu.memref_slice %arg10[%add3A_58, %dma_start3A_65] : memref<10128x48xf32, #tpu.memory_space<vmem_shared>> -> memref<80x48xf32, #tpu.memory_space<vmem_shared>>
        %dma_start3A_67 = arith.constant 0 : i32
        %dma_start3A_68 = tpu.memref_slice %arg10[%add3A_58, %dma_start3A_67] : memref<10128x48xf32, #tpu.memory_space<vmem_shared>> -> memref<80x48xf32, #tpu.memory_space<vmem_shared>>
        tpu.enqueue_dma source(%arg8 : memref<80x48xf32, #tpu.memory_space<vmem>>) target(%dma_start3A_68 : memref<80x48xf32, #tpu.memory_space<vmem_shared>>) target_semaphore(%run_scoped3A_64 : memref<!tpu.dma_semaphore, #tpu.memory_space<semaphore_mem>>)
        %dma_wait3A_69 = arith.constant 0 : i32
        %dma_wait3A_70 = tpu.memref_slice %arg10[%add3A_58, %dma_wait3A_69] : memref<10128x48xf32, #tpu.memory_space<vmem_shared>> -> memref<80x48xf32, #tpu.memory_space<vmem_shared>>
        %dma_wait3A_71 = arith.constant 0 : i32
        %dma_wait3A_72 = tpu.memref_slice %arg10[%add3A_58, %dma_wait3A_71] : memref<10128x48xf32, #tpu.memory_space<vmem_shared>> -> memref<80x48xf32, #tpu.memory_space<vmem_shared>>
        tpu.wait_dma2 semaphore(%run_scoped3A_64 : memref<!tpu.dma_semaphore, #tpu.memory_space<semaphore_mem>>) src(%arg8 : memref<80x48xf32, #tpu.memory_space<vmem>>) dst(%dma_wait3A_72 : memref<80x48xf32, #tpu.memory_space<vmem_shared>>)
        tpu.yield
      }) : () -> ()
      %add3A_59 = arith.constant 320 : i32
      %add3A_60 = arith.addi %mul3A_7, %add3A_59 : i32
      "tpu.region"() ({
        %run_scoped3A_64 = tpu.sem_alloc : memref<!tpu.dma_semaphore, #tpu.memory_space<semaphore_mem>>
        %dma_start3A_65 = arith.constant 0 : i32
        %dma_start3A_66 = tpu.memref_slice %arg10[%add3A_60, %dma_start3A_65] : memref<10128x48xf32, #tpu.memory_space<vmem_shared>> -> memref<80x48xf32, #tpu.memory_space<vmem_shared>>
        %dma_start3A_67 = arith.constant 0 : i32
        %dma_start3A_68 = tpu.memref_slice %arg10[%add3A_60, %dma_start3A_67] : memref<10128x48xf32, #tpu.memory_space<vmem_shared>> -> memref<80x48xf32, #tpu.memory_space<vmem_shared>>
        tpu.enqueue_dma source(%arg8 : memref<80x48xf32, #tpu.memory_space<vmem>>) target(%dma_start3A_68 : memref<80x48xf32, #tpu.memory_space<vmem_shared>>) target_semaphore(%run_scoped3A_64 : memref<!tpu.dma_semaphore, #tpu.memory_space<semaphore_mem>>)
        %dma_wait3A_69 = arith.constant 0 : i32
        %dma_wait3A_70 = tpu.memref_slice %arg10[%add3A_60, %dma_wait3A_69] : memref<10128x48xf32, #tpu.memory_space<vmem_shared>> -> memref<80x48xf32, #tpu.memory_space<vmem_shared>>
        %dma_wait3A_71 = arith.constant 0 : i32
        %dma_wait3A_72 = tpu.memref_slice %arg10[%add3A_60, %dma_wait3A_71] : memref<10128x48xf32, #tpu.memory_space<vmem_shared>> -> memref<80x48xf32, #tpu.memory_space<vmem_shared>>
        tpu.wait_dma2 semaphore(%run_scoped3A_64 : memref<!tpu.dma_semaphore, #tpu.memory_space<semaphore_mem>>) src(%arg8 : memref<80x48xf32, #tpu.memory_space<vmem>>) dst(%dma_wait3A_72 : memref<80x48xf32, #tpu.memory_space<vmem_shared>>)
        tpu.yield
      }) : () -> ()
      %add3A_61 = arith.constant 400 : i32
      %add3A_62 = arith.addi %mul3A_7, %add3A_61 : i32
      %sub3A = arith.constant 0 : i32
      %sub3A_63 = arith.subi %add3A_62, %sub3A : i32
      "tpu.region"() ({
        %run_scoped3A_64 = tpu.sem_alloc : memref<!tpu.dma_semaphore, #tpu.memory_space<semaphore_mem>>
        %dma_start3A_65 = arith.constant 0 : i32
        %dma_start3A_66 = arith.constant 0 : i32
        %dma_start3A_67 = tpu.memref_slice %arg8[%dma_start3A_65, %dma_start3A_66] : memref<80x48xf32, #tpu.memory_space<vmem>> -> memref<0x48xf32, #tpu.memory_space<vmem>>
        %dma_start3A_68 = arith.constant 0 : i32
        %dma_start3A_69 = tpu.memref_slice %arg10[%sub3A_63, %dma_start3A_68] : memref<10128x48xf32, #tpu.memory_space<vmem_shared>> -> memref<0x48xf32, #tpu.memory_space<vmem_shared>>
        %dma_start3A_70 = arith.constant 0 : i32
        %dma_start3A_71 = tpu.memref_slice %arg10[%sub3A_63, %dma_start3A_70] : memref<10128x48xf32, #tpu.memory_space<vmem_shared>> -> memref<0x48xf32, #tpu.memory_space<vmem_shared>>
        %dma_start3A_72 = arith.constant 0 : i32
        %dma_start3A_73 = arith.constant 0 : i32
        %dma_start3A_74 = tpu.memref_slice %arg8[%dma_start3A_72, %dma_start3A_73] : memref<80x48xf32, #tpu.memory_space<vmem>> -> memref<0x48xf32, #tpu.memory_space<vmem>>
        tpu.enqueue_dma source(%dma_start3A_74 : memref<0x48xf32, #tpu.memory_space<vmem>>) target(%dma_start3A_71 : memref<0x48xf32, #tpu.memory_space<vmem_shared>>) target_semaphore(%run_scoped3A_64 : memref<!tpu.dma_semaphore, #tpu.memory_space<semaphore_mem>>)
        %dma_wait3A_75 = arith.constant 0 : i32
        %dma_wait3A_76 = arith.constant 0 : i32
        %dma_wait3A_77 = tpu.memref_slice %arg8[%dma_wait3A_75, %dma_wait3A_76] : memref<80x48xf32, #tpu.memory_space<vmem>> -> memref<0x48xf32, #tpu.memory_space<vmem>>
        %dma_wait3A_78 = arith.constant 0 : i32
        %dma_wait3A_79 = tpu.memref_slice %arg10[%sub3A_63, %dma_wait3A_78] : memref<10128x48xf32, #tpu.memory_space<vmem_shared>> -> memref<0x48xf32, #tpu.memory_space<vmem_shared>>
        %dma_wait3A_80 = arith.constant 0 : i32
        %dma_wait3A_81 = tpu.memref_slice %arg10[%sub3A_63, %dma_wait3A_80] : memref<10128x48xf32, #tpu.memory_space<vmem_shared>> -> memref<0x48xf32, #tpu.memory_space<vmem_shared>>
        %dma_wait3A_82 = arith.constant 0 : i32
        %dma_wait3A_83 = arith.constant 0 : i32
        %dma_wait3A_84 = tpu.memref_slice %arg8[%dma_wait3A_82, %dma_wait3A_83] : memref<80x48xf32, #tpu.memory_space<vmem>> -> memref<0x48xf32, #tpu.memory_space<vmem>>
        tpu.wait_dma2 semaphore(%run_scoped3A_64 : memref<!tpu.dma_semaphore, #tpu.memory_space<semaphore_mem>>) src(%dma_wait3A_84 : memref<0x48xf32, #tpu.memory_space<vmem>>) dst(%dma_wait3A_81 : memref<0x48xf32, #tpu.memory_space<vmem_shared>>)
        tpu.yield
      }) : () -> ()
    } else {
    }
    %barrier3A = arith.constant 0 : index
    tpu.barrier barrier_id(%barrier3A)
    %mul3A_24 = arith.constant 10000 : i32
    %mul3A_25 = arith.muli %add3A, %mul3A_24 : i32
    "tpu.region"() ({
      %run_scoped3A_51 = tpu.sem_alloc : memref<!tpu.dma_semaphore, #tpu.memory_space<semaphore_mem>>
      %dma_start3A_52 = tpu.memref_slice %arg3[%mul3A_25] : memref<320000xi32, #tpu.memory_space<hbm>> -> memref<10000xi32, #tpu.memory_space<hbm>>
      %dma_start3A_53 = tpu.memref_slice %arg3[%mul3A_25] : memref<320000xi32, #tpu.memory_space<hbm>> -> memref<10000xi32, #tpu.memory_space<hbm>>
      tpu.enqueue_dma source(%dma_start3A_53 : memref<10000xi32, #tpu.memory_space<hbm>>) target(%arg6 : memref<10000xi32, #tpu.memory_space<vmem>>) target_semaphore(%run_scoped3A_51 : memref<!tpu.dma_semaphore, #tpu.memory_space<semaphore_mem>>)
      %dma_wait3A_54 = tpu.memref_slice %arg3[%mul3A_25] : memref<320000xi32, #tpu.memory_space<hbm>> -> memref<10000xi32, #tpu.memory_space<hbm>>
      %dma_wait3A_55 = tpu.memref_slice %arg3[%mul3A_25] : memref<320000xi32, #tpu.memory_space<hbm>> -> memref<10000xi32, #tpu.memory_space<hbm>>
      tpu.wait_dma2 semaphore(%run_scoped3A_51 : memref<!tpu.dma_semaphore, #tpu.memory_space<semaphore_mem>>) src(%dma_wait3A_55 : memref<10000xi32, #tpu.memory_space<hbm>>) dst(%arg6 : memref<10000xi32, #tpu.memory_space<vmem>>)
      tpu.yield
    }) : () -> ()
    "tpu.region"() ({
      %run_scoped3A_51 = tpu.sem_alloc : memref<!tpu.dma_semaphore, #tpu.memory_space<semaphore_mem>>
      %dma_start3A_52 = arith.constant 0 : i32
      %dma_start3A_53 = arith.constant 0 : i32
      %dma_start3A_54 = tpu.memref_slice %arg4[%add3A, %dma_start3A_52, %dma_start3A_53] : memref<32x125x80xi32, #tpu.memory_space<hbm>> -> memref<1x125x80xi32, #tpu.memory_space<hbm>>
      %dma_start3A_55 = tpu.memref_squeeze %dma_start3A_54 : memref<1x125x80xi32, #tpu.memory_space<hbm>> -> memref<125x80xi32, #tpu.memory_space<hbm>>
      %dma_start3A_56 = arith.constant 0 : i32
      %dma_start3A_57 = arith.constant 0 : i32
      %dma_start3A_58 = tpu.memref_slice %arg4[%add3A, %dma_start3A_56, %dma_start3A_57] : memref<32x125x80xi32, #tpu.memory_space<hbm>> -> memref<1x125x80xi32, #tpu.memory_space<hbm>>
      %dma_start3A_59 = tpu.memref_squeeze %dma_start3A_58 : memref<1x125x80xi32, #tpu.memory_space<hbm>> -> memref<125x80xi32, #tpu.memory_space<hbm>>
      tpu.enqueue_dma source(%dma_start3A_59 : memref<125x80xi32, #tpu.memory_space<hbm>>) target(%arg7 : memref<125x80xi32, #tpu.memory_space<vmem>>) target_semaphore(%run_scoped3A_51 : memref<!tpu.dma_semaphore, #tpu.memory_space<semaphore_mem>>)
      %dma_wait3A_60 = arith.constant 0 : i32
      %dma_wait3A_61 = arith.constant 0 : i32
      %dma_wait3A_62 = tpu.memref_slice %arg4[%add3A, %dma_wait3A_60, %dma_wait3A_61] : memref<32x125x80xi32, #tpu.memory_space<hbm>> -> memref<1x125x80xi32, #tpu.memory_space<hbm>>
      %dma_wait3A_63 = tpu.memref_squeeze %dma_wait3A_62 : memref<1x125x80xi32, #tpu.memory_space<hbm>> -> memref<125x80xi32, #tpu.memory_space<hbm>>
      %dma_wait3A_64 = arith.constant 0 : i32
      %dma_wait3A_65 = arith.constant 0 : i32
      %dma_wait3A_66 = tpu.memref_slice %arg4[%add3A, %dma_wait3A_64, %dma_wait3A_65] : memref<32x125x80xi32, #tpu.memory_space<hbm>> -> memref<1x125x80xi32, #tpu.memory_space<hbm>>
      %dma_wait3A_67 = tpu.memref_squeeze %dma_wait3A_66 : memref<1x125x80xi32, #tpu.memory_space<hbm>> -> memref<125x80xi32, #tpu.memory_space<hbm>>
      tpu.wait_dma2 semaphore(%run_scoped3A_51 : memref<!tpu.dma_semaphore, #tpu.memory_space<semaphore_mem>>) src(%dma_wait3A_67 : memref<125x80xi32, #tpu.memory_space<hbm>>) dst(%arg7 : memref<125x80xi32, #tpu.memory_space<vmem>>)
      tpu.yield
    }) : () -> ()
    %dma_start3A = arith.constant 0 : i32
    %dma_start3A_26 = tpu.memref_slice %arg6[%dma_start3A] : memref<10000xi32, #tpu.memory_space<vmem>> -> memref<80xi32, #tpu.memory_space<vmem>>
    %dma_start3A_27 = arith.constant 0 : i32
    %dma_start3A_28 = arith.constant 0 : i32
    %dma_start3A_29 = tpu.memref_slice %arg13[%dma_start3A_27, %dma_start3A_28] : memref<10000x48xf32, #tpu.memory_space<vmem_shared>> -> memref<10000x48xf32, #tpu.memory_space<vmem_shared>>
    tpu.enqueue_indirect_dma source(%dma_start3A_29 : memref<10000x48xf32, #tpu.memory_space<vmem_shared>>) target(%arg8 : memref<80x48xf32, #tpu.memory_space<vmem>>) offsets(%dma_start3A_26 : memref<80xi32, #tpu.memory_space<vmem>>) semaphore(%arg11 : memref<!tpu.dma_semaphore, #tpu.memory_space<semaphore_mem>>)
    %scan3A_30 = arith.constant 0 : i32
    %scan3A_31 = arith.constant 0 : i32
    %scan3A_32 = arith.constant 62 : i32
    %scan3A_33 = arith.addi %scan3A_31, %scan3A_32 : i32
    %scan3A_34 = arith.constant 1 : i32
    scf.for %scan3A_51 = %scan3A_31 to %scan3A_33 step %scan3A_34  : i32 {
      %mul3A_52 = arith.constant 2 : i32
      %mul3A_53 = arith.muli %mul3A_52, %scan3A_51 : i32
      %add3A_54 = arith.constant 1 : i32
      %add3A_55 = arith.addi %mul3A_53, %add3A_54 : i32
      %mul3A_56 = arith.constant 80 : i32
      %mul3A_57 = arith.muli %add3A_55, %mul3A_56 : i32
      %dma_start3A_58 = tpu.memref_slice %arg6[%mul3A_57] : memref<10000xi32, #tpu.memory_space<vmem>> -> memref<80xi32, #tpu.memory_space<vmem>>
      %dma_start3A_59 = arith.constant 0 : i32
      %dma_start3A_60 = arith.constant 0 : i32
      %dma_start3A_61 = tpu.memref_slice %arg13[%dma_start3A_59, %dma_start3A_60] : memref<10000x48xf32, #tpu.memory_space<vmem_shared>> -> memref<10000x48xf32, #tpu.memory_space<vmem_shared>>
      tpu.enqueue_indirect_dma source(%dma_start3A_61 : memref<10000x48xf32, #tpu.memory_space<vmem_shared>>) target(%arg9 : memref<80x48xf32, #tpu.memory_space<vmem>>) offsets(%dma_start3A_58 : memref<80xi32, #tpu.memory_space<vmem>>) semaphore(%arg12 : memref<!tpu.dma_semaphore, #tpu.memory_space<semaphore_mem>>)
      %mul3A_62 = arith.constant 80 : i32
      %mul3A_63 = arith.muli %mul3A_53, %mul3A_62 : i32
      %dma_wait3A_64 = tpu.memref_slice %arg6[%mul3A_63] : memref<10000xi32, #tpu.memory_space<vmem>> -> memref<80xi32, #tpu.memory_space<vmem>>
      %dma_wait3A_65 = arith.constant 0 : i32
      %dma_wait3A_66 = arith.constant 0 : i32
      %dma_wait3A_67 = tpu.memref_slice %arg13[%dma_wait3A_65, %dma_wait3A_66] : memref<10000x48xf32, #tpu.memory_space<vmem_shared>> -> memref<10000x48xf32, #tpu.memory_space<vmem_shared>>
      tpu.wait_indirect_dma semaphore(%arg11 : memref<!tpu.dma_semaphore, #tpu.memory_space<semaphore_mem>>) src(%dma_wait3A_67 : memref<10000x48xf32, #tpu.memory_space<vmem_shared>>) dst(%arg8 : memref<80x48xf32, #tpu.memory_space<vmem>>)
      "tpu.region"() ({
        %run_scoped3A_82 = tpu.sem_alloc : memref<!tpu.dma_semaphore, #tpu.memory_space<semaphore_mem>>
        %dma_start3A_83 = arith.constant 0 : i32
        %dma_start3A_84 = tpu.memref_slice %arg7[%mul3A_53, %dma_start3A_83] : memref<125x80xi32, #tpu.memory_space<vmem>> -> memref<1x80xi32, #tpu.memory_space<vmem>>
        %dma_start3A_85 = tpu.memref_squeeze %dma_start3A_84 : memref<1x80xi32, #tpu.memory_space<vmem>> -> memref<80xi32, #tpu.memory_space<vmem>>
        %dma_start3A_86 = arith.constant 0 : i32
        %dma_start3A_87 = arith.constant 0 : i32
        %dma_start3A_88 = tpu.memref_slice %arg10[%dma_start3A_86, %dma_start3A_87] : memref<10128x48xf32, #tpu.memory_space<vmem_shared>> -> memref<10128x48xf32, #tpu.memory_space<vmem_shared>>
        tpu.enqueue_indirect_dma source(%arg8 : memref<80x48xf32, #tpu.memory_space<vmem>>) target(%dma_start3A_88 : memref<10128x48xf32, #tpu.memory_space<vmem_shared>>) offsets(%dma_start3A_85 : memref<80xi32, #tpu.memory_space<vmem>>) semaphore(%run_scoped3A_82 : memref<!tpu.dma_semaphore, #tpu.memory_space<semaphore_mem>>) {add = true}
        %dma_wait3A_89 = arith.constant 0 : i32
        %dma_wait3A_90 = tpu.memref_slice %arg7[%mul3A_53, %dma_wait3A_89] : memref<125x80xi32, #tpu.memory_space<vmem>> -> memref<1x80xi32, #tpu.memory_space<vmem>>
        %dma_wait3A_91 = tpu.memref_squeeze %dma_wait3A_90 : memref<1x80xi32, #tpu.memory_space<vmem>> -> memref<80xi32, #tpu.memory_space<vmem>>
        %dma_wait3A_92 = arith.constant 0 : i32
        %dma_wait3A_93 = arith.constant 0 : i32
        %dma_wait3A_94 = tpu.memref_slice %arg10[%dma_wait3A_92, %dma_wait3A_93] : memref<10128x48xf32, #tpu.memory_space<vmem_shared>> -> memref<10128x48xf32, #tpu.memory_space<vmem_shared>>
        tpu.wait_indirect_dma semaphore(%run_scoped3A_82 : memref<!tpu.dma_semaphore, #tpu.memory_space<semaphore_mem>>) src(%arg8 : memref<80x48xf32, #tpu.memory_space<vmem>>) dst(%dma_wait3A_94 : memref<10128x48xf32, #tpu.memory_space<vmem_shared>>)
        tpu.yield
      }) : () -> ()
      %add3A_68 = arith.constant 2 : i32
      %add3A_69 = arith.addi %mul3A_53, %add3A_68 : i32
      %mul3A_70 = arith.constant 80 : i32
      %mul3A_71 = arith.muli %add3A_69, %mul3A_70 : i32
      %dma_start3A_72 = tpu.memref_slice %arg6[%mul3A_71] : memref<10000xi32, #tpu.memory_space<vmem>> -> memref<80xi32, #tpu.memory_space<vmem>>
      %dma_start3A_73 = arith.constant 0 : i32
      %dma_start3A_74 = arith.constant 0 : i32
      %dma_start3A_75 = tpu.memref_slice %arg13[%dma_start3A_73, %dma_start3A_74] : memref<10000x48xf32, #tpu.memory_space<vmem_shared>> -> memref<10000x48xf32, #tpu.memory_space<vmem_shared>>
      tpu.enqueue_indirect_dma source(%dma_start3A_75 : memref<10000x48xf32, #tpu.memory_space<vmem_shared>>) target(%arg8 : memref<80x48xf32, #tpu.memory_space<vmem>>) offsets(%dma_start3A_72 : memref<80xi32, #tpu.memory_space<vmem>>) semaphore(%arg11 : memref<!tpu.dma_semaphore, #tpu.memory_space<semaphore_mem>>)
      %dma_wait3A_76 = tpu.memref_slice %arg6[%mul3A_57] : memref<10000xi32, #tpu.memory_space<vmem>> -> memref<80xi32, #tpu.memory_space<vmem>>
      %dma_wait3A_77 = arith.constant 0 : i32
      %dma_wait3A_78 = arith.constant 0 : i32
      %dma_wait3A_79 = tpu.memref_slice %arg13[%dma_wait3A_77, %dma_wait3A_78] : memref<10000x48xf32, #tpu.memory_space<vmem_shared>> -> memref<10000x48xf32, #tpu.memory_space<vmem_shared>>
      tpu.wait_indirect_dma semaphore(%arg12 : memref<!tpu.dma_semaphore, #tpu.memory_space<semaphore_mem>>) src(%dma_wait3A_79 : memref<10000x48xf32, #tpu.memory_space<vmem_shared>>) dst(%arg9 : memref<80x48xf32, #tpu.memory_space<vmem>>)
      %add3A_80 = arith.constant 1 : i32
      %add3A_81 = arith.addi %mul3A_53, %add3A_80 : i32
      "tpu.region"() ({
        %run_scoped3A_82 = tpu.sem_alloc : memref<!tpu.dma_semaphore, #tpu.memory_space<semaphore_mem>>
        %dma_start3A_83 = arith.constant 0 : i32
        %dma_start3A_84 = tpu.memref_slice %arg7[%add3A_81, %dma_start3A_83] : memref<125x80xi32, #tpu.memory_space<vmem>> -> memref<1x80xi32, #tpu.memory_space<vmem>>
        %dma_start3A_85 = tpu.memref_squeeze %dma_start3A_84 : memref<1x80xi32, #tpu.memory_space<vmem>> -> memref<80xi32, #tpu.memory_space<vmem>>
        %dma_start3A_86 = arith.constant 0 : i32
        %dma_start3A_87 = arith.constant 0 : i32
        %dma_start3A_88 = tpu.memref_slice %arg10[%dma_start3A_86, %dma_start3A_87] : memref<10128x48xf32, #tpu.memory_space<vmem_shared>> -> memref<10128x48xf32, #tpu.memory_space<vmem_shared>>
        tpu.enqueue_indirect_dma source(%arg9 : memref<80x48xf32, #tpu.memory_space<vmem>>) target(%dma_start3A_88 : memref<10128x48xf32, #tpu.memory_space<vmem_shared>>) offsets(%dma_start3A_85 : memref<80xi32, #tpu.memory_space<vmem>>) semaphore(%run_scoped3A_82 : memref<!tpu.dma_semaphore, #tpu.memory_space<semaphore_mem>>) {add = true}
        %dma_wait3A_89 = arith.constant 0 : i32
        %dma_wait3A_90 = tpu.memref_slice %arg7[%add3A_81, %dma_wait3A_89] : memref<125x80xi32, #tpu.memory_space<vmem>> -> memref<1x80xi32, #tpu.memory_space<vmem>>
        %dma_wait3A_91 = tpu.memref_squeeze %dma_wait3A_90 : memref<1x80xi32, #tpu.memory_space<vmem>> -> memref<80xi32, #tpu.memory_space<vmem>>
        %dma_wait3A_92 = arith.constant 0 : i32
        %dma_wait3A_93 = arith.constant 0 : i32
        %dma_wait3A_94 = tpu.memref_slice %arg10[%dma_wait3A_92, %dma_wait3A_93] : memref<10128x48xf32, #tpu.memory_space<vmem_shared>> -> memref<10128x48xf32, #tpu.memory_space<vmem_shared>>
        tpu.wait_indirect_dma semaphore(%run_scoped3A_82 : memref<!tpu.dma_semaphore, #tpu.memory_space<semaphore_mem>>) src(%arg9 : memref<80x48xf32, #tpu.memory_space<vmem>>) dst(%dma_wait3A_94 : memref<10128x48xf32, #tpu.memory_space<vmem_shared>>)
        tpu.yield
      }) : () -> ()
    }
    %scan3A_35 = arith.constant 62 : i32
    %dma_wait3A = arith.constant 9920 : i32
    %dma_wait3A_36 = tpu.memref_slice %arg6[%dma_wait3A] : memref<10000xi32, #tpu.memory_space<vmem>> -> memref<80xi32, #tpu.memory_space<vmem>>
    %dma_wait3A_37 = arith.constant 0 : i32
    %dma_wait3A_38 = arith.constant 0 : i32
    %dma_wait3A_39 = tpu.memref_slice %arg13[%dma_wait3A_37, %dma_wait3A_38] : memref<10000x48xf32, #tpu.memory_space<vmem_shared>> -> memref<10000x48xf32, #tpu.memory_space<vmem_shared>>
    tpu.wait_indirect_dma semaphore(%arg11 : memref<!tpu.dma_semaphore, #tpu.memory_space<semaphore_mem>>) src(%dma_wait3A_39 : memref<10000x48xf32, #tpu.memory_space<vmem_shared>>) dst(%arg8 : memref<80x48xf32, #tpu.memory_space<vmem>>)
    %run_scoped3A = arith.constant 124 : i32
    "tpu.region"() ({
      %run_scoped3A_51 = tpu.sem_alloc : memref<!tpu.dma_semaphore, #tpu.memory_space<semaphore_mem>>
      %dma_start3A_52 = arith.constant 0 : i32
      %dma_start3A_53 = tpu.memref_slice %arg7[%run_scoped3A, %dma_start3A_52] : memref<125x80xi32, #tpu.memory_space<vmem>> -> memref<1x80xi32, #tpu.memory_space<vmem>>
      %dma_start3A_54 = tpu.memref_squeeze %dma_start3A_53 : memref<1x80xi32, #tpu.memory_space<vmem>> -> memref<80xi32, #tpu.memory_space<vmem>>
      %dma_start3A_55 = arith.constant 0 : i32
      %dma_start3A_56 = arith.constant 0 : i32
      %dma_start3A_57 = tpu.memref_slice %arg10[%dma_start3A_55, %dma_start3A_56] : memref<10128x48xf32, #tpu.memory_space<vmem_shared>> -> memref<10128x48xf32, #tpu.memory_space<vmem_shared>>
      tpu.enqueue_indirect_dma source(%arg8 : memref<80x48xf32, #tpu.memory_space<vmem>>) target(%dma_start3A_57 : memref<10128x48xf32, #tpu.memory_space<vmem_shared>>) offsets(%dma_start3A_54 : memref<80xi32, #tpu.memory_space<vmem>>) semaphore(%run_scoped3A_51 : memref<!tpu.dma_semaphore, #tpu.memory_space<semaphore_mem>>) {add = true}
      %dma_wait3A_58 = arith.constant 0 : i32
      %dma_wait3A_59 = tpu.memref_slice %arg7[%run_scoped3A, %dma_wait3A_58] : memref<125x80xi32, #tpu.memory_space<vmem>> -> memref<1x80xi32, #tpu.memory_space<vmem>>
      %dma_wait3A_60 = tpu.memref_squeeze %dma_wait3A_59 : memref<1x80xi32, #tpu.memory_space<vmem>> -> memref<80xi32, #tpu.memory_space<vmem>>
      %dma_wait3A_61 = arith.constant 0 : i32
      %dma_wait3A_62 = arith.constant 0 : i32
      %dma_wait3A_63 = tpu.memref_slice %arg10[%dma_wait3A_61, %dma_wait3A_62] : memref<10128x48xf32, #tpu.memory_space<vmem_shared>> -> memref<10128x48xf32, #tpu.memory_space<vmem_shared>>
      tpu.wait_indirect_dma semaphore(%run_scoped3A_51 : memref<!tpu.dma_semaphore, #tpu.memory_space<semaphore_mem>>) src(%arg8 : memref<80x48xf32, #tpu.memory_space<vmem>>) dst(%dma_wait3A_63 : memref<10128x48xf32, #tpu.memory_space<vmem_shared>>)
      tpu.yield
    }) : () -> ()
    %barrier3A_40 = arith.constant 0 : index
    tpu.barrier barrier_id(%barrier3A_40)
    %lt3A_41 = arith.constant 15 : i32
    %lt3A_42 = arith.cmpi slt, %arg1, %lt3A_41 : i32
    %convert_element_type3A_43 = arith.extui %lt3A_42 : i1 to i32
    %cond3A_44 = arith.constant 0 : i32
    %cond3A_45 = arith.cmpi ne, %convert_element_type3A_43, %cond3A_44 : i32
    scf.if %cond3A_45 {
      "tpu.region"() ({
        %run_scoped3A_51 = tpu.sem_alloc : memref<!tpu.dma_semaphore, #tpu.memory_space<semaphore_mem>>
        %dma_start3A_52 = arith.constant 0 : i32
        %dma_start3A_53 = tpu.memref_slice %arg5[%arg0, %mul3A_7, %dma_start3A_52] : memref<2x10000x48xf32, #tpu.memory_space<hbm>> -> memref<1x640x48xf32, #tpu.memory_space<hbm>>
        %dma_start3A_54 = tpu.memref_squeeze %dma_start3A_53 : memref<1x640x48xf32, #tpu.memory_space<hbm>> -> memref<640x48xf32, #tpu.memory_space<hbm>>
        %dma_start3A_55 = arith.constant 0 : i32
        %dma_start3A_56 = tpu.memref_slice %arg10[%mul3A_7, %dma_start3A_55] : memref<10128x48xf32, #tpu.memory_space<vmem_shared>> -> memref<640x48xf32, #tpu.memory_space<vmem_shared>>
        tpu.enqueue_dma source(%dma_start3A_56 : memref<640x48xf32, #tpu.memory_space<vmem_shared>>) target(%dma_start3A_54 : memref<640x48xf32, #tpu.memory_space<hbm>>) target_semaphore(%run_scoped3A_51 : memref<!tpu.dma_semaphore, #tpu.memory_space<semaphore_mem>>)
        %dma_wait3A_57 = arith.constant 0 : i32
        %dma_wait3A_58 = tpu.memref_slice %arg5[%arg0, %mul3A_7, %dma_wait3A_57] : memref<2x10000x48xf32, #tpu.memory_space<hbm>> -> memref<1x640x48xf32, #tpu.memory_space<hbm>>
        %dma_wait3A_59 = tpu.memref_squeeze %dma_wait3A_58 : memref<1x640x48xf32, #tpu.memory_space<hbm>> -> memref<640x48xf32, #tpu.memory_space<hbm>>
        %dma_wait3A_60 = arith.constant 0 : i32
        %dma_wait3A_61 = tpu.memref_slice %arg10[%mul3A_7, %dma_wait3A_60] : memref<10128x48xf32, #tpu.memory_space<vmem_shared>> -> memref<640x48xf32, #tpu.memory_space<vmem_shared>>
        tpu.wait_dma2 semaphore(%run_scoped3A_51 : memref<!tpu.dma_semaphore, #tpu.memory_space<semaphore_mem>>) src(%dma_wait3A_61 : memref<640x48xf32, #tpu.memory_space<vmem_shared>>) dst(%dma_wait3A_59 : memref<640x48xf32, #tpu.memory_space<hbm>>)
        tpu.yield
      }) : () -> ()
    } else {
    }
    %eq3A_46 = arith.constant 15 : i32
    %eq3A_47 = arith.cmpi eq, %arg1, %eq3A_46 : i32
    %convert_element_type3A_48 = arith.extui %eq3A_47 : i1 to i32
    %cond3A_49 = arith.constant 0 : i32
    %cond3A_50 = arith.cmpi ne, %convert_element_type3A_48, %cond3A_49 : i32
    scf.if %cond3A_50 {
      "tpu.region"() ({
        %run_scoped3A_51 = tpu.sem_alloc : memref<!tpu.dma_semaphore, #tpu.memory_space<semaphore_mem>>
        %dma_start3A_52 = arith.constant 0 : i32
        %dma_start3A_53 = tpu.memref_slice %arg5[%arg0, %mul3A_7, %dma_start3A_52] : memref<2x10000x48xf32, #tpu.memory_space<hbm>> -> memref<1x400x48xf32, #tpu.memory_space<hbm>>
        %dma_start3A_54 = tpu.memref_squeeze %dma_start3A_53 : memref<1x400x48xf32, #tpu.memory_space<hbm>> -> memref<400x48xf32, #tpu.memory_space<hbm>>
        %dma_start3A_55 = arith.constant 0 : i32
        %dma_start3A_56 = tpu.memref_slice %arg10[%mul3A_7, %dma_start3A_55] : memref<10128x48xf32, #tpu.memory_space<vmem_shared>> -> memref<400x48xf32, #tpu.memory_space<vmem_shared>>
        tpu.enqueue_dma source(%dma_start3A_56 : memref<400x48xf32, #tpu.memory_space<vmem_shared>>) target(%dma_start3A_54 : memref<400x48xf32, #tpu.memory_space<hbm>>) target_semaphore(%run_scoped3A_51 : memref<!tpu.dma_semaphore, #tpu.memory_space<semaphore_mem>>)
        %dma_wait3A_57 = arith.constant 0 : i32
        %dma_wait3A_58 = tpu.memref_slice %arg5[%arg0, %mul3A_7, %dma_wait3A_57] : memref<2x10000x48xf32, #tpu.memory_space<hbm>> -> memref<1x400x48xf32, #tpu.memory_space<hbm>>
        %dma_wait3A_59 = tpu.memref_squeeze %dma_wait3A_58 : memref<1x400x48xf32, #tpu.memory_space<hbm>> -> memref<400x48xf32, #tpu.memory_space<hbm>>
        %dma_wait3A_60 = arith.constant 0 : i32
        %dma_wait3A_61 = tpu.memref_slice %arg10[%mul3A_7, %dma_wait3A_60] : memref<10128x48xf32, #tpu.memory_space<vmem_shared>> -> memref<400x48xf32, #tpu.memory_space<vmem_shared>>
        tpu.wait_dma2 semaphore(%run_scoped3A_51 : memref<!tpu.dma_semaphore, #tpu.memory_space<semaphore_mem>>) src(%dma_wait3A_61 : memref<400x48xf32, #tpu.memory_space<vmem_shared>>) dst(%dma_wait3A_59 : memref<400x48xf32, #tpu.memory_space<hbm>>)
        tpu.yield
      }) : () -> ()
    } else {
    }
    return
  }
}

#map = affine_map<(d0, d1) -> (0, 0)>
#map1 = affine_map<(d0, d1) -> (0)>
#map2 = affine_map<(d0, d1) -> (0, 0, 0)>
module attributes {stable_mosaic.version = 14 : i64} {
  func.func @_spmm(%arg0: i32, %arg1: i32, %arg2: memref<10000x128xf32, #tpu.memory_space<hbm>>, %arg3: memref<320000xi32, #tpu.memory_space<hbm>>, %arg4: memref<32x125x80xi32, #tpu.memory_space<hbm>>, %arg5: memref<2x10000x128xf32, #tpu.memory_space<hbm>>, %arg6: memref<10000xi32, #tpu.memory_space<vmem>>, %arg7: memref<125x80xi32, #tpu.memory_space<vmem>>, %arg8: memref<80x128xf32, #tpu.memory_space<vmem>>, %arg9: memref<80x128xf32, #tpu.memory_space<vmem>>, %arg10: memref<10128x128xf32, #tpu.memory_space<vmem_shared>>, %arg11: memref<!tpu.dma_semaphore, #tpu.memory_space<semaphore_mem>>, %arg12: memref<!tpu.dma_semaphore, #tpu.memory_space<semaphore_mem>>) attributes {dimension_semantics = [#tpu.dimension_semantics<core_parallel>, #tpu.dimension_semantics<subcore_parallel>], iteration_bounds = array<i64: 2, 16>, scalar_prefetch = 0 : i64, scratch_operands = 7 : i64, tpu.core_type = #tpu.core_type<sc_vector_subcore>, window_params = [{transform_indices = #map}, {transform_indices = #map1}, {transform_indices = #map2}, {transform_indices = #map2}]} {
    %mul3A = arith.constant 16 : i32
    %mul3A_0 = arith.muli %arg0, %mul3A : i32
    %add3A = arith.addi %mul3A_0, %arg1 : i32
    %scan3A = arith.constant 0 : i32
    %scan3A_1 = arith.constant 0 : i32
    %scan3A_2 = arith.constant 640 : i32
    %scan3A_3 = arith.addi %scan3A_1, %scan3A_2 : i32
    %scan3A_4 = arith.constant 1 : i32
    scf.for %scan3A_41 = %scan3A_1 to %scan3A_3 step %scan3A_4  : i32 {
      %broadcast_in_dim3A = arith.constant 0.000000e+00 : f32
      %broadcast_in_dim3A_42 = vector.broadcast %broadcast_in_dim3A : f32 to vector<16xf32>
      %jit3A = arith.constant 8 : i32
      %div3A = arith.divsi %scan3A_41, %jit3A : i32
      %sign3A = arith.constant 0 : i32
      %sign3A_43 = arith.cmpi sgt, %scan3A_41, %sign3A : i32
      %sign3A_44 = arith.extui %sign3A_43 : i1 to i32
      %sign3A_45 = arith.constant 0 : i32
      %sign3A_46 = arith.cmpi slt, %scan3A_41, %sign3A_45 : i32
      %sign3A_47 = arith.extui %sign3A_46 : i1 to i32
      %sign3A_48 = arith.subi %sign3A_44, %sign3A_47 : i32
      %sign3A_49 = arith.constant 0 : i32
      %sign3A_50 = arith.cmpi sgt, %jit3A, %sign3A_49 : i32
      %sign3A_51 = arith.extui %sign3A_50 : i1 to i32
      %sign3A_52 = arith.constant 0 : i32
      %sign3A_53 = arith.cmpi slt, %jit3A, %sign3A_52 : i32
      %sign3A_54 = arith.extui %sign3A_53 : i1 to i32
      %sign3A_55 = arith.subi %sign3A_51, %sign3A_54 : i32
      %ne3A = arith.cmpi ne, %sign3A_48, %sign3A_55 : i32
      %rem3A = arith.remsi %scan3A_41, %jit3A : i32
      %ne3A_56 = arith.constant 0 : i32
      %ne3A_57 = arith.cmpi ne, %rem3A, %ne3A_56 : i32
      %and3A = arith.andi %ne3A, %ne3A_57 : i1
      %sub3A = arith.constant 1 : i32
      %sub3A_58 = arith.subi %div3A, %sub3A : i32
      %select_n3A = arith.select %and3A, %sub3A_58, %div3A : i32
      %jit3A_59 = arith.constant 8 : i32
      %eq3A_60 = arith.constant 0 : i32
      %eq3A_61 = arith.cmpi eq, %jit3A_59, %eq3A_60 : i32
      %jit3A_62 = arith.constant 1 : i32
      %select_n3A_63 = arith.select %eq3A_61, %jit3A_62, %jit3A_59 : i32
      %rem3A_64 = arith.remsi %scan3A_41, %select_n3A_63 : i32
      %ne3A_65 = arith.constant 0 : i32
      %ne3A_66 = arith.cmpi ne, %rem3A_64, %ne3A_65 : i32
      %lt3A_67 = arith.constant 0 : i32
      %lt3A_68 = arith.cmpi slt, %rem3A_64, %lt3A_67 : i32
      %lt3A_69 = arith.constant 0 : i32
      %lt3A_70 = arith.cmpi slt, %select_n3A_63, %lt3A_69 : i32
      %ne3A_71 = arith.xori %lt3A_68, %lt3A_70 : i1
      %and3A_72 = arith.andi %ne3A_71, %ne3A_66 : i1
      %add3A_73 = arith.addi %rem3A_64, %select_n3A_63 : i32
      %select_n3A_74 = arith.select %and3A_72, %add3A_73, %rem3A_64 : i32
      %mul3A_75 = arith.constant 16 : i32
      %mul3A_76 = arith.muli %select_n3A_74, %mul3A_75 : i32
      %swap3A = arith.index_cast %select_n3A : i32 to index
      %swap3A_77 = arith.index_cast %mul3A_76 : i32 to index
      %swap3A_78 = tpu.vector_load %arg8[%swap3A, %swap3A_77] {strides = array<i32>} : memref<80x128xf32, #tpu.memory_space<vmem>>, vector<1x16xf32>,
      %swap3A_79 = vector.shape_cast %swap3A_78 : vector<1x16xf32> to vector<16xf32>
      %swap3A_80 = vector.shape_cast %broadcast_in_dim3A_42 : vector<16xf32> to vector<1x16xf32>
      tpu.vector_store %arg8[%swap3A, %swap3A_77], %swap3A_80 {strides = array<i32>} : memref<80x128xf32, #tpu.memory_space<vmem>>, vector<1x16xf32>,
    }
    %scan3A_5 = arith.constant 640 : i32
    %mul3A_6 = arith.constant 640 : i32
    %mul3A_7 = arith.muli %arg1, %mul3A_6 : i32
    %lt3A = arith.constant 15 : i32
    %lt3A_8 = arith.cmpi slt, %arg1, %lt3A : i32
    %convert_element_type3A = arith.extui %lt3A_8 : i1 to i32
    %cond3A = arith.constant 0 : i32
    %cond3A_9 = arith.cmpi ne, %convert_element_type3A, %cond3A : i32
    scf.if %cond3A_9 {
      %add3A_41 = arith.constant 0 : i32
      %add3A_42 = arith.addi %mul3A_7, %add3A_41 : i32
      "tpu.region"() ({
        %run_scoped3A_60 = tpu.sem_alloc : memref<!tpu.dma_semaphore, #tpu.memory_space<semaphore_mem>>
        %dma_start3A_61 = arith.constant 0 : i32
        %dma_start3A_62 = tpu.memref_slice %arg10[%add3A_42, %dma_start3A_61] : memref<10128x128xf32, #tpu.memory_space<vmem_shared>> -> memref<80x128xf32, #tpu.memory_space<vmem_shared>>
        %dma_start3A_63 = arith.constant 0 : i32
        %dma_start3A_64 = tpu.memref_slice %arg10[%add3A_42, %dma_start3A_63] : memref<10128x128xf32, #tpu.memory_space<vmem_shared>> -> memref<80x128xf32, #tpu.memory_space<vmem_shared>>
        tpu.enqueue_dma source(%arg8 : memref<80x128xf32, #tpu.memory_space<vmem>>) target(%dma_start3A_64 : memref<80x128xf32, #tpu.memory_space<vmem_shared>>) target_semaphore(%run_scoped3A_60 : memref<!tpu.dma_semaphore, #tpu.memory_space<semaphore_mem>>)
        %dma_wait3A_65 = arith.constant 0 : i32
        %dma_wait3A_66 = tpu.memref_slice %arg10[%add3A_42, %dma_wait3A_65] : memref<10128x128xf32, #tpu.memory_space<vmem_shared>> -> memref<80x128xf32, #tpu.memory_space<vmem_shared>>
        %dma_wait3A_67 = arith.constant 0 : i32
        %dma_wait3A_68 = tpu.memref_slice %arg10[%add3A_42, %dma_wait3A_67] : memref<10128x128xf32, #tpu.memory_space<vmem_shared>> -> memref<80x128xf32, #tpu.memory_space<vmem_shared>>
        tpu.wait_dma2 semaphore(%run_scoped3A_60 : memref<!tpu.dma_semaphore, #tpu.memory_space<semaphore_mem>>) src(%arg8 : memref<80x128xf32, #tpu.memory_space<vmem>>) dst(%dma_wait3A_68 : memref<80x128xf32, #tpu.memory_space<vmem_shared>>)
        tpu.yield
      }) : () -> ()
      %add3A_43 = arith.constant 80 : i32
      %add3A_44 = arith.addi %mul3A_7, %add3A_43 : i32
      "tpu.region"() ({
        %run_scoped3A_60 = tpu.sem_alloc : memref<!tpu.dma_semaphore, #tpu.memory_space<semaphore_mem>>
        %dma_start3A_61 = arith.constant 0 : i32
        %dma_start3A_62 = tpu.memref_slice %arg10[%add3A_44, %dma_start3A_61] : memref<10128x128xf32, #tpu.memory_space<vmem_shared>> -> memref<80x128xf32, #tpu.memory_space<vmem_shared>>
        %dma_start3A_63 = arith.constant 0 : i32
        %dma_start3A_64 = tpu.memref_slice %arg10[%add3A_44, %dma_start3A_63] : memref<10128x128xf32, #tpu.memory_space<vmem_shared>> -> memref<80x128xf32, #tpu.memory_space<vmem_shared>>
        tpu.enqueue_dma source(%arg8 : memref<80x128xf32, #tpu.memory_space<vmem>>) target(%dma_start3A_64 : memref<80x128xf32, #tpu.memory_space<vmem_shared>>) target_semaphore(%run_scoped3A_60 : memref<!tpu.dma_semaphore, #tpu.memory_space<semaphore_mem>>)
        %dma_wait3A_65 = arith.constant 0 : i32
        %dma_wait3A_66 = tpu.memref_slice %arg10[%add3A_44, %dma_wait3A_65] : memref<10128x128xf32, #tpu.memory_space<vmem_shared>> -> memref<80x128xf32, #tpu.memory_space<vmem_shared>>
        %dma_wait3A_67 = arith.constant 0 : i32
        %dma_wait3A_68 = tpu.memref_slice %arg10[%add3A_44, %dma_wait3A_67] : memref<10128x128xf32, #tpu.memory_space<vmem_shared>> -> memref<80x128xf32, #tpu.memory_space<vmem_shared>>
        tpu.wait_dma2 semaphore(%run_scoped3A_60 : memref<!tpu.dma_semaphore, #tpu.memory_space<semaphore_mem>>) src(%arg8 : memref<80x128xf32, #tpu.memory_space<vmem>>) dst(%dma_wait3A_68 : memref<80x128xf32, #tpu.memory_space<vmem_shared>>)
        tpu.yield
      }) : () -> ()
      %add3A_45 = arith.constant 160 : i32
      %add3A_46 = arith.addi %mul3A_7, %add3A_45 : i32
      "tpu.region"() ({
        %run_scoped3A_60 = tpu.sem_alloc : memref<!tpu.dma_semaphore, #tpu.memory_space<semaphore_mem>>
        %dma_start3A_61 = arith.constant 0 : i32
        %dma_start3A_62 = tpu.memref_slice %arg10[%add3A_46, %dma_start3A_61] : memref<10128x128xf32, #tpu.memory_space<vmem_shared>> -> memref<80x128xf32, #tpu.memory_space<vmem_shared>>
        %dma_start3A_63 = arith.constant 0 : i32
        %dma_start3A_64 = tpu.memref_slice %arg10[%add3A_46, %dma_start3A_63] : memref<10128x128xf32, #tpu.memory_space<vmem_shared>> -> memref<80x128xf32, #tpu.memory_space<vmem_shared>>
        tpu.enqueue_dma source(%arg8 : memref<80x128xf32, #tpu.memory_space<vmem>>) target(%dma_start3A_64 : memref<80x128xf32, #tpu.memory_space<vmem_shared>>) target_semaphore(%run_scoped3A_60 : memref<!tpu.dma_semaphore, #tpu.memory_space<semaphore_mem>>)
        %dma_wait3A_65 = arith.constant 0 : i32
        %dma_wait3A_66 = tpu.memref_slice %arg10[%add3A_46, %dma_wait3A_65] : memref<10128x128xf32, #tpu.memory_space<vmem_shared>> -> memref<80x128xf32, #tpu.memory_space<vmem_shared>>
        %dma_wait3A_67 = arith.constant 0 : i32
        %dma_wait3A_68 = tpu.memref_slice %arg10[%add3A_46, %dma_wait3A_67] : memref<10128x128xf32, #tpu.memory_space<vmem_shared>> -> memref<80x128xf32, #tpu.memory_space<vmem_shared>>
        tpu.wait_dma2 semaphore(%run_scoped3A_60 : memref<!tpu.dma_semaphore, #tpu.memory_space<semaphore_mem>>) src(%arg8 : memref<80x128xf32, #tpu.memory_space<vmem>>) dst(%dma_wait3A_68 : memref<80x128xf32, #tpu.memory_space<vmem_shared>>)
        tpu.yield
      }) : () -> ()
      %add3A_47 = arith.constant 240 : i32
      %add3A_48 = arith.addi %mul3A_7, %add3A_47 : i32
      "tpu.region"() ({
        %run_scoped3A_60 = tpu.sem_alloc : memref<!tpu.dma_semaphore, #tpu.memory_space<semaphore_mem>>
        %dma_start3A_61 = arith.constant 0 : i32
        %dma_start3A_62 = tpu.memref_slice %arg10[%add3A_48, %dma_start3A_61] : memref<10128x128xf32, #tpu.memory_space<vmem_shared>> -> memref<80x128xf32, #tpu.memory_space<vmem_shared>>
        %dma_start3A_63 = arith.constant 0 : i32
        %dma_start3A_64 = tpu.memref_slice %arg10[%add3A_48, %dma_start3A_63] : memref<10128x128xf32, #tpu.memory_space<vmem_shared>> -> memref<80x128xf32, #tpu.memory_space<vmem_shared>>
        tpu.enqueue_dma source(%arg8 : memref<80x128xf32, #tpu.memory_space<vmem>>) target(%dma_start3A_64 : memref<80x128xf32, #tpu.memory_space<vmem_shared>>) target_semaphore(%run_scoped3A_60 : memref<!tpu.dma_semaphore, #tpu.memory_space<semaphore_mem>>)
        %dma_wait3A_65 = arith.constant 0 : i32
        %dma_wait3A_66 = tpu.memref_slice %arg10[%add3A_48, %dma_wait3A_65] : memref<10128x128xf32, #tpu.memory_space<vmem_shared>> -> memref<80x128xf32, #tpu.memory_space<vmem_shared>>
        %dma_wait3A_67 = arith.constant 0 : i32
        %dma_wait3A_68 = tpu.memref_slice %arg10[%add3A_48, %dma_wait3A_67] : memref<10128x128xf32, #tpu.memory_space<vmem_shared>> -> memref<80x128xf32, #tpu.memory_space<vmem_shared>>
        tpu.wait_dma2 semaphore(%run_scoped3A_60 : memref<!tpu.dma_semaphore, #tpu.memory_space<semaphore_mem>>) src(%arg8 : memref<80x128xf32, #tpu.memory_space<vmem>>) dst(%dma_wait3A_68 : memref<80x128xf32, #tpu.memory_space<vmem_shared>>)
        tpu.yield
      }) : () -> ()
      %add3A_49 = arith.constant 320 : i32
      %add3A_50 = arith.addi %mul3A_7, %add3A_49 : i32
      "tpu.region"() ({
        %run_scoped3A_60 = tpu.sem_alloc : memref<!tpu.dma_semaphore, #tpu.memory_space<semaphore_mem>>
        %dma_start3A_61 = arith.constant 0 : i32
        %dma_start3A_62 = tpu.memref_slice %arg10[%add3A_50, %dma_start3A_61] : memref<10128x128xf32, #tpu.memory_space<vmem_shared>> -> memref<80x128xf32, #tpu.memory_space<vmem_shared>>
        %dma_start3A_63 = arith.constant 0 : i32
        %dma_start3A_64 = tpu.memref_slice %arg10[%add3A_50, %dma_start3A_63] : memref<10128x128xf32, #tpu.memory_space<vmem_shared>> -> memref<80x128xf32, #tpu.memory_space<vmem_shared>>
        tpu.enqueue_dma source(%arg8 : memref<80x128xf32, #tpu.memory_space<vmem>>) target(%dma_start3A_64 : memref<80x128xf32, #tpu.memory_space<vmem_shared>>) target_semaphore(%run_scoped3A_60 : memref<!tpu.dma_semaphore, #tpu.memory_space<semaphore_mem>>)
        %dma_wait3A_65 = arith.constant 0 : i32
        %dma_wait3A_66 = tpu.memref_slice %arg10[%add3A_50, %dma_wait3A_65] : memref<10128x128xf32, #tpu.memory_space<vmem_shared>> -> memref<80x128xf32, #tpu.memory_space<vmem_shared>>
        %dma_wait3A_67 = arith.constant 0 : i32
        %dma_wait3A_68 = tpu.memref_slice %arg10[%add3A_50, %dma_wait3A_67] : memref<10128x128xf32, #tpu.memory_space<vmem_shared>> -> memref<80x128xf32, #tpu.memory_space<vmem_shared>>
        tpu.wait_dma2 semaphore(%run_scoped3A_60 : memref<!tpu.dma_semaphore, #tpu.memory_space<semaphore_mem>>) src(%arg8 : memref<80x128xf32, #tpu.memory_space<vmem>>) dst(%dma_wait3A_68 : memref<80x128xf32, #tpu.memory_space<vmem_shared>>)
        tpu.yield
      }) : () -> ()
      %add3A_51 = arith.constant 400 : i32
      %add3A_52 = arith.addi %mul3A_7, %add3A_51 : i32
      "tpu.region"() ({
        %run_scoped3A_60 = tpu.sem_alloc : memref<!tpu.dma_semaphore, #tpu.memory_space<semaphore_mem>>
        %dma_start3A_61 = arith.constant 0 : i32
        %dma_start3A_62 = tpu.memref_slice %arg10[%add3A_52, %dma_start3A_61] : memref<10128x128xf32, #tpu.memory_space<vmem_shared>> -> memref<80x128xf32, #tpu.memory_space<vmem_shared>>
        %dma_start3A_63 = arith.constant 0 : i32
        %dma_start3A_64 = tpu.memref_slice %arg10[%add3A_52, %dma_start3A_63] : memref<10128x128xf32, #tpu.memory_space<vmem_shared>> -> memref<80x128xf32, #tpu.memory_space<vmem_shared>>
        tpu.enqueue_dma source(%arg8 : memref<80x128xf32, #tpu.memory_space<vmem>>) target(%dma_start3A_64 : memref<80x128xf32, #tpu.memory_space<vmem_shared>>) target_semaphore(%run_scoped3A_60 : memref<!tpu.dma_semaphore, #tpu.memory_space<semaphore_mem>>)
        %dma_wait3A_65 = arith.constant 0 : i32
        %dma_wait3A_66 = tpu.memref_slice %arg10[%add3A_52, %dma_wait3A_65] : memref<10128x128xf32, #tpu.memory_space<vmem_shared>> -> memref<80x128xf32, #tpu.memory_space<vmem_shared>>
        %dma_wait3A_67 = arith.constant 0 : i32
        %dma_wait3A_68 = tpu.memref_slice %arg10[%add3A_52, %dma_wait3A_67] : memref<10128x128xf32, #tpu.memory_space<vmem_shared>> -> memref<80x128xf32, #tpu.memory_space<vmem_shared>>
        tpu.wait_dma2 semaphore(%run_scoped3A_60 : memref<!tpu.dma_semaphore, #tpu.memory_space<semaphore_mem>>) src(%arg8 : memref<80x128xf32, #tpu.memory_space<vmem>>) dst(%dma_wait3A_68 : memref<80x128xf32, #tpu.memory_space<vmem_shared>>)
        tpu.yield
      }) : () -> ()
      %add3A_53 = arith.constant 480 : i32
      %add3A_54 = arith.addi %mul3A_7, %add3A_53 : i32
      "tpu.region"() ({
        %run_scoped3A_60 = tpu.sem_alloc : memref<!tpu.dma_semaphore, #tpu.memory_space<semaphore_mem>>
        %dma_start3A_61 = arith.constant 0 : i32
        %dma_start3A_62 = tpu.memref_slice %arg10[%add3A_54, %dma_start3A_61] : memref<10128x128xf32, #tpu.memory_space<vmem_shared>> -> memref<80x128xf32, #tpu.memory_space<vmem_shared>>
        %dma_start3A_63 = arith.constant 0 : i32
        %dma_start3A_64 = tpu.memref_slice %arg10[%add3A_54, %dma_start3A_63] : memref<10128x128xf32, #tpu.memory_space<vmem_shared>> -> memref<80x128xf32, #tpu.memory_space<vmem_shared>>
        tpu.enqueue_dma source(%arg8 : memref<80x128xf32, #tpu.memory_space<vmem>>) target(%dma_start3A_64 : memref<80x128xf32, #tpu.memory_space<vmem_shared>>) target_semaphore(%run_scoped3A_60 : memref<!tpu.dma_semaphore, #tpu.memory_space<semaphore_mem>>)
        %dma_wait3A_65 = arith.constant 0 : i32
        %dma_wait3A_66 = tpu.memref_slice %arg10[%add3A_54, %dma_wait3A_65] : memref<10128x128xf32, #tpu.memory_space<vmem_shared>> -> memref<80x128xf32, #tpu.memory_space<vmem_shared>>
        %dma_wait3A_67 = arith.constant 0 : i32
        %dma_wait3A_68 = tpu.memref_slice %arg10[%add3A_54, %dma_wait3A_67] : memref<10128x128xf32, #tpu.memory_space<vmem_shared>> -> memref<80x128xf32, #tpu.memory_space<vmem_shared>>
        tpu.wait_dma2 semaphore(%run_scoped3A_60 : memref<!tpu.dma_semaphore, #tpu.memory_space<semaphore_mem>>) src(%arg8 : memref<80x128xf32, #tpu.memory_space<vmem>>) dst(%dma_wait3A_68 : memref<80x128xf32, #tpu.memory_space<vmem_shared>>)
        tpu.yield
      }) : () -> ()
      %add3A_55 = arith.constant 560 : i32
      %add3A_56 = arith.addi %mul3A_7, %add3A_55 : i32
      "tpu.region"() ({
        %run_scoped3A_60 = tpu.sem_alloc : memref<!tpu.dma_semaphore, #tpu.memory_space<semaphore_mem>>
        %dma_start3A_61 = arith.constant 0 : i32
        %dma_start3A_62 = tpu.memref_slice %arg10[%add3A_56, %dma_start3A_61] : memref<10128x128xf32, #tpu.memory_space<vmem_shared>> -> memref<80x128xf32, #tpu.memory_space<vmem_shared>>
        %dma_start3A_63 = arith.constant 0 : i32
        %dma_start3A_64 = tpu.memref_slice %arg10[%add3A_56, %dma_start3A_63] : memref<10128x128xf32, #tpu.memory_space<vmem_shared>> -> memref<80x128xf32, #tpu.memory_space<vmem_shared>>
        tpu.enqueue_dma source(%arg8 : memref<80x128xf32, #tpu.memory_space<vmem>>) target(%dma_start3A_64 : memref<80x128xf32, #tpu.memory_space<vmem_shared>>) target_semaphore(%run_scoped3A_60 : memref<!tpu.dma_semaphore, #tpu.memory_space<semaphore_mem>>)
        %dma_wait3A_65 = arith.constant 0 : i32
        %dma_wait3A_66 = tpu.memref_slice %arg10[%add3A_56, %dma_wait3A_65] : memref<10128x128xf32, #tpu.memory_space<vmem_shared>> -> memref<80x128xf32, #tpu.memory_space<vmem_shared>>
        %dma_wait3A_67 = arith.constant 0 : i32
        %dma_wait3A_68 = tpu.memref_slice %arg10[%add3A_56, %dma_wait3A_67] : memref<10128x128xf32, #tpu.memory_space<vmem_shared>> -> memref<80x128xf32, #tpu.memory_space<vmem_shared>>
        tpu.wait_dma2 semaphore(%run_scoped3A_60 : memref<!tpu.dma_semaphore, #tpu.memory_space<semaphore_mem>>) src(%arg8 : memref<80x128xf32, #tpu.memory_space<vmem>>) dst(%dma_wait3A_68 : memref<80x128xf32, #tpu.memory_space<vmem_shared>>)
        tpu.yield
      }) : () -> ()
      %add3A_57 = arith.constant 640 : i32
      %add3A_58 = arith.addi %mul3A_7, %add3A_57 : i32
      %sub3A = arith.constant 0 : i32
      %sub3A_59 = arith.subi %add3A_58, %sub3A : i32
      "tpu.region"() ({
        %run_scoped3A_60 = tpu.sem_alloc : memref<!tpu.dma_semaphore, #tpu.memory_space<semaphore_mem>>
        %dma_start3A_61 = arith.constant 0 : i32
        %dma_start3A_62 = arith.constant 0 : i32
        %dma_start3A_63 = tpu.memref_slice %arg8[%dma_start3A_61, %dma_start3A_62] : memref<80x128xf32, #tpu.memory_space<vmem>> -> memref<0x128xf32, #tpu.memory_space<vmem>>
        %dma_start3A_64 = arith.constant 0 : i32
        %dma_start3A_65 = tpu.memref_slice %arg10[%sub3A_59, %dma_start3A_64] : memref<10128x128xf32, #tpu.memory_space<vmem_shared>> -> memref<0x128xf32, #tpu.memory_space<vmem_shared>>
        %dma_start3A_66 = arith.constant 0 : i32
        %dma_start3A_67 = tpu.memref_slice %arg10[%sub3A_59, %dma_start3A_66] : memref<10128x128xf32, #tpu.memory_space<vmem_shared>> -> memref<0x128xf32, #tpu.memory_space<vmem_shared>>
        %dma_start3A_68 = arith.constant 0 : i32
        %dma_start3A_69 = arith.constant 0 : i32
        %dma_start3A_70 = tpu.memref_slice %arg8[%dma_start3A_68, %dma_start3A_69] : memref<80x128xf32, #tpu.memory_space<vmem>> -> memref<0x128xf32, #tpu.memory_space<vmem>>
        tpu.enqueue_dma source(%dma_start3A_70 : memref<0x128xf32, #tpu.memory_space<vmem>>) target(%dma_start3A_67 : memref<0x128xf32, #tpu.memory_space<vmem_shared>>) target_semaphore(%run_scoped3A_60 : memref<!tpu.dma_semaphore, #tpu.memory_space<semaphore_mem>>)
        %dma_wait3A_71 = arith.constant 0 : i32
        %dma_wait3A_72 = arith.constant 0 : i32
        %dma_wait3A_73 = tpu.memref_slice %arg8[%dma_wait3A_71, %dma_wait3A_72] : memref<80x128xf32, #tpu.memory_space<vmem>> -> memref<0x128xf32, #tpu.memory_space<vmem>>
        %dma_wait3A_74 = arith.constant 0 : i32
        %dma_wait3A_75 = tpu.memref_slice %arg10[%sub3A_59, %dma_wait3A_74] : memref<10128x128xf32, #tpu.memory_space<vmem_shared>> -> memref<0x128xf32, #tpu.memory_space<vmem_shared>>
        %dma_wait3A_76 = arith.constant 0 : i32
        %dma_wait3A_77 = tpu.memref_slice %arg10[%sub3A_59, %dma_wait3A_76] : memref<10128x128xf32, #tpu.memory_space<vmem_shared>> -> memref<0x128xf32, #tpu.memory_space<vmem_shared>>
        %dma_wait3A_78 = arith.constant 0 : i32
        %dma_wait3A_79 = arith.constant 0 : i32
        %dma_wait3A_80 = tpu.memref_slice %arg8[%dma_wait3A_78, %dma_wait3A_79] : memref<80x128xf32, #tpu.memory_space<vmem>> -> memref<0x128xf32, #tpu.memory_space<vmem>>
        tpu.wait_dma2 semaphore(%run_scoped3A_60 : memref<!tpu.dma_semaphore, #tpu.memory_space<semaphore_mem>>) src(%dma_wait3A_80 : memref<0x128xf32, #tpu.memory_space<vmem>>) dst(%dma_wait3A_77 : memref<0x128xf32, #tpu.memory_space<vmem_shared>>)
        tpu.yield
      }) : () -> ()
    } else {
    }
    %eq3A = arith.constant 15 : i32
    %eq3A_10 = arith.cmpi eq, %arg1, %eq3A : i32
    %convert_element_type3A_11 = arith.extui %eq3A_10 : i1 to i32
    %cond3A_12 = arith.constant 0 : i32
    %cond3A_13 = arith.cmpi ne, %convert_element_type3A_11, %cond3A_12 : i32
    scf.if %cond3A_13 {
      %add3A_41 = arith.constant 0 : i32
      %add3A_42 = arith.addi %mul3A_7, %add3A_41 : i32
      "tpu.region"() ({
        %run_scoped3A_54 = tpu.sem_alloc : memref<!tpu.dma_semaphore, #tpu.memory_space<semaphore_mem>>
        %dma_start3A_55 = arith.constant 0 : i32
        %dma_start3A_56 = tpu.memref_slice %arg10[%add3A_42, %dma_start3A_55] : memref<10128x128xf32, #tpu.memory_space<vmem_shared>> -> memref<80x128xf32, #tpu.memory_space<vmem_shared>>
        %dma_start3A_57 = arith.constant 0 : i32
        %dma_start3A_58 = tpu.memref_slice %arg10[%add3A_42, %dma_start3A_57] : memref<10128x128xf32, #tpu.memory_space<vmem_shared>> -> memref<80x128xf32, #tpu.memory_space<vmem_shared>>
        tpu.enqueue_dma source(%arg8 : memref<80x128xf32, #tpu.memory_space<vmem>>) target(%dma_start3A_58 : memref<80x128xf32, #tpu.memory_space<vmem_shared>>) target_semaphore(%run_scoped3A_54 : memref<!tpu.dma_semaphore, #tpu.memory_space<semaphore_mem>>)
        %dma_wait3A_59 = arith.constant 0 : i32
        %dma_wait3A_60 = tpu.memref_slice %arg10[%add3A_42, %dma_wait3A_59] : memref<10128x128xf32, #tpu.memory_space<vmem_shared>> -> memref<80x128xf32, #tpu.memory_space<vmem_shared>>
        %dma_wait3A_61 = arith.constant 0 : i32
        %dma_wait3A_62 = tpu.memref_slice %arg10[%add3A_42, %dma_wait3A_61] : memref<10128x128xf32, #tpu.memory_space<vmem_shared>> -> memref<80x128xf32, #tpu.memory_space<vmem_shared>>
        tpu.wait_dma2 semaphore(%run_scoped3A_54 : memref<!tpu.dma_semaphore, #tpu.memory_space<semaphore_mem>>) src(%arg8 : memref<80x128xf32, #tpu.memory_space<vmem>>) dst(%dma_wait3A_62 : memref<80x128xf32, #tpu.memory_space<vmem_shared>>)
        tpu.yield
      }) : () -> ()
      %add3A_43 = arith.constant 80 : i32
      %add3A_44 = arith.addi %mul3A_7, %add3A_43 : i32
      "tpu.region"() ({
        %run_scoped3A_54 = tpu.sem_alloc : memref<!tpu.dma_semaphore, #tpu.memory_space<semaphore_mem>>
        %dma_start3A_55 = arith.constant 0 : i32
        %dma_start3A_56 = tpu.memref_slice %arg10[%add3A_44, %dma_start3A_55] : memref<10128x128xf32, #tpu.memory_space<vmem_shared>> -> memref<80x128xf32, #tpu.memory_space<vmem_shared>>
        %dma_start3A_57 = arith.constant 0 : i32
        %dma_start3A_58 = tpu.memref_slice %arg10[%add3A_44, %dma_start3A_57] : memref<10128x128xf32, #tpu.memory_space<vmem_shared>> -> memref<80x128xf32, #tpu.memory_space<vmem_shared>>
        tpu.enqueue_dma source(%arg8 : memref<80x128xf32, #tpu.memory_space<vmem>>) target(%dma_start3A_58 : memref<80x128xf32, #tpu.memory_space<vmem_shared>>) target_semaphore(%run_scoped3A_54 : memref<!tpu.dma_semaphore, #tpu.memory_space<semaphore_mem>>)
        %dma_wait3A_59 = arith.constant 0 : i32
        %dma_wait3A_60 = tpu.memref_slice %arg10[%add3A_44, %dma_wait3A_59] : memref<10128x128xf32, #tpu.memory_space<vmem_shared>> -> memref<80x128xf32, #tpu.memory_space<vmem_shared>>
        %dma_wait3A_61 = arith.constant 0 : i32
        %dma_wait3A_62 = tpu.memref_slice %arg10[%add3A_44, %dma_wait3A_61] : memref<10128x128xf32, #tpu.memory_space<vmem_shared>> -> memref<80x128xf32, #tpu.memory_space<vmem_shared>>
        tpu.wait_dma2 semaphore(%run_scoped3A_54 : memref<!tpu.dma_semaphore, #tpu.memory_space<semaphore_mem>>) src(%arg8 : memref<80x128xf32, #tpu.memory_space<vmem>>) dst(%dma_wait3A_62 : memref<80x128xf32, #tpu.memory_space<vmem_shared>>)
        tpu.yield
      }) : () -> ()
      %add3A_45 = arith.constant 160 : i32
      %add3A_46 = arith.addi %mul3A_7, %add3A_45 : i32
      "tpu.region"() ({
        %run_scoped3A_54 = tpu.sem_alloc : memref<!tpu.dma_semaphore, #tpu.memory_space<semaphore_mem>>
        %dma_start3A_55 = arith.constant 0 : i32
        %dma_start3A_56 = tpu.memref_slice %arg10[%add3A_46, %dma_start3A_55] : memref<10128x128xf32, #tpu.memory_space<vmem_shared>> -> memref<80x128xf32, #tpu.memory_space<vmem_shared>>
        %dma_start3A_57 = arith.constant 0 : i32
        %dma_start3A_58 = tpu.memref_slice %arg10[%add3A_46, %dma_start3A_57] : memref<10128x128xf32, #tpu.memory_space<vmem_shared>> -> memref<80x128xf32, #tpu.memory_space<vmem_shared>>
        tpu.enqueue_dma source(%arg8 : memref<80x128xf32, #tpu.memory_space<vmem>>) target(%dma_start3A_58 : memref<80x128xf32, #tpu.memory_space<vmem_shared>>) target_semaphore(%run_scoped3A_54 : memref<!tpu.dma_semaphore, #tpu.memory_space<semaphore_mem>>)
        %dma_wait3A_59 = arith.constant 0 : i32
        %dma_wait3A_60 = tpu.memref_slice %arg10[%add3A_46, %dma_wait3A_59] : memref<10128x128xf32, #tpu.memory_space<vmem_shared>> -> memref<80x128xf32, #tpu.memory_space<vmem_shared>>
        %dma_wait3A_61 = arith.constant 0 : i32
        %dma_wait3A_62 = tpu.memref_slice %arg10[%add3A_46, %dma_wait3A_61] : memref<10128x128xf32, #tpu.memory_space<vmem_shared>> -> memref<80x128xf32, #tpu.memory_space<vmem_shared>>
        tpu.wait_dma2 semaphore(%run_scoped3A_54 : memref<!tpu.dma_semaphore, #tpu.memory_space<semaphore_mem>>) src(%arg8 : memref<80x128xf32, #tpu.memory_space<vmem>>) dst(%dma_wait3A_62 : memref<80x128xf32, #tpu.memory_space<vmem_shared>>)
        tpu.yield
      }) : () -> ()
      %add3A_47 = arith.constant 240 : i32
      %add3A_48 = arith.addi %mul3A_7, %add3A_47 : i32
      "tpu.region"() ({
        %run_scoped3A_54 = tpu.sem_alloc : memref<!tpu.dma_semaphore, #tpu.memory_space<semaphore_mem>>
        %dma_start3A_55 = arith.constant 0 : i32
        %dma_start3A_56 = tpu.memref_slice %arg10[%add3A_48, %dma_start3A_55] : memref<10128x128xf32, #tpu.memory_space<vmem_shared>> -> memref<80x128xf32, #tpu.memory_space<vmem_shared>>
        %dma_start3A_57 = arith.constant 0 : i32
        %dma_start3A_58 = tpu.memref_slice %arg10[%add3A_48, %dma_start3A_57] : memref<10128x128xf32, #tpu.memory_space<vmem_shared>> -> memref<80x128xf32, #tpu.memory_space<vmem_shared>>
        tpu.enqueue_dma source(%arg8 : memref<80x128xf32, #tpu.memory_space<vmem>>) target(%dma_start3A_58 : memref<80x128xf32, #tpu.memory_space<vmem_shared>>) target_semaphore(%run_scoped3A_54 : memref<!tpu.dma_semaphore, #tpu.memory_space<semaphore_mem>>)
        %dma_wait3A_59 = arith.constant 0 : i32
        %dma_wait3A_60 = tpu.memref_slice %arg10[%add3A_48, %dma_wait3A_59] : memref<10128x128xf32, #tpu.memory_space<vmem_shared>> -> memref<80x128xf32, #tpu.memory_space<vmem_shared>>
        %dma_wait3A_61 = arith.constant 0 : i32
        %dma_wait3A_62 = tpu.memref_slice %arg10[%add3A_48, %dma_wait3A_61] : memref<10128x128xf32, #tpu.memory_space<vmem_shared>> -> memref<80x128xf32, #tpu.memory_space<vmem_shared>>
        tpu.wait_dma2 semaphore(%run_scoped3A_54 : memref<!tpu.dma_semaphore, #tpu.memory_space<semaphore_mem>>) src(%arg8 : memref<80x128xf32, #tpu.memory_space<vmem>>) dst(%dma_wait3A_62 : memref<80x128xf32, #tpu.memory_space<vmem_shared>>)
        tpu.yield
      }) : () -> ()
      %add3A_49 = arith.constant 320 : i32
      %add3A_50 = arith.addi %mul3A_7, %add3A_49 : i32
      "tpu.region"() ({
        %run_scoped3A_54 = tpu.sem_alloc : memref<!tpu.dma_semaphore, #tpu.memory_space<semaphore_mem>>
        %dma_start3A_55 = arith.constant 0 : i32
        %dma_start3A_56 = tpu.memref_slice %arg10[%add3A_50, %dma_start3A_55] : memref<10128x128xf32, #tpu.memory_space<vmem_shared>> -> memref<80x128xf32, #tpu.memory_space<vmem_shared>>
        %dma_start3A_57 = arith.constant 0 : i32
        %dma_start3A_58 = tpu.memref_slice %arg10[%add3A_50, %dma_start3A_57] : memref<10128x128xf32, #tpu.memory_space<vmem_shared>> -> memref<80x128xf32, #tpu.memory_space<vmem_shared>>
        tpu.enqueue_dma source(%arg8 : memref<80x128xf32, #tpu.memory_space<vmem>>) target(%dma_start3A_58 : memref<80x128xf32, #tpu.memory_space<vmem_shared>>) target_semaphore(%run_scoped3A_54 : memref<!tpu.dma_semaphore, #tpu.memory_space<semaphore_mem>>)
        %dma_wait3A_59 = arith.constant 0 : i32
        %dma_wait3A_60 = tpu.memref_slice %arg10[%add3A_50, %dma_wait3A_59] : memref<10128x128xf32, #tpu.memory_space<vmem_shared>> -> memref<80x128xf32, #tpu.memory_space<vmem_shared>>
        %dma_wait3A_61 = arith.constant 0 : i32
        %dma_wait3A_62 = tpu.memref_slice %arg10[%add3A_50, %dma_wait3A_61] : memref<10128x128xf32, #tpu.memory_space<vmem_shared>> -> memref<80x128xf32, #tpu.memory_space<vmem_shared>>
        tpu.wait_dma2 semaphore(%run_scoped3A_54 : memref<!tpu.dma_semaphore, #tpu.memory_space<semaphore_mem>>) src(%arg8 : memref<80x128xf32, #tpu.memory_space<vmem>>) dst(%dma_wait3A_62 : memref<80x128xf32, #tpu.memory_space<vmem_shared>>)
        tpu.yield
      }) : () -> ()
      %add3A_51 = arith.constant 400 : i32
      %add3A_52 = arith.addi %mul3A_7, %add3A_51 : i32
      %sub3A = arith.constant 0 : i32
      %sub3A_53 = arith.subi %add3A_52, %sub3A : i32
      "tpu.region"() ({
        %run_scoped3A_54 = tpu.sem_alloc : memref<!tpu.dma_semaphore, #tpu.memory_space<semaphore_mem>>
        %dma_start3A_55 = arith.constant 0 : i32
        %dma_start3A_56 = arith.constant 0 : i32
        %dma_start3A_57 = tpu.memref_slice %arg8[%dma_start3A_55, %dma_start3A_56] : memref<80x128xf32, #tpu.memory_space<vmem>> -> memref<0x128xf32, #tpu.memory_space<vmem>>
        %dma_start3A_58 = arith.constant 0 : i32
        %dma_start3A_59 = tpu.memref_slice %arg10[%sub3A_53, %dma_start3A_58] : memref<10128x128xf32, #tpu.memory_space<vmem_shared>> -> memref<0x128xf32, #tpu.memory_space<vmem_shared>>
        %dma_start3A_60 = arith.constant 0 : i32
        %dma_start3A_61 = tpu.memref_slice %arg10[%sub3A_53, %dma_start3A_60] : memref<10128x128xf32, #tpu.memory_space<vmem_shared>> -> memref<0x128xf32, #tpu.memory_space<vmem_shared>>
        %dma_start3A_62 = arith.constant 0 : i32
        %dma_start3A_63 = arith.constant 0 : i32
        %dma_start3A_64 = tpu.memref_slice %arg8[%dma_start3A_62, %dma_start3A_63] : memref<80x128xf32, #tpu.memory_space<vmem>> -> memref<0x128xf32, #tpu.memory_space<vmem>>
        tpu.enqueue_dma source(%dma_start3A_64 : memref<0x128xf32, #tpu.memory_space<vmem>>) target(%dma_start3A_61 : memref<0x128xf32, #tpu.memory_space<vmem_shared>>) target_semaphore(%run_scoped3A_54 : memref<!tpu.dma_semaphore, #tpu.memory_space<semaphore_mem>>)
        %dma_wait3A_65 = arith.constant 0 : i32
        %dma_wait3A_66 = arith.constant 0 : i32
        %dma_wait3A_67 = tpu.memref_slice %arg8[%dma_wait3A_65, %dma_wait3A_66] : memref<80x128xf32, #tpu.memory_space<vmem>> -> memref<0x128xf32, #tpu.memory_space<vmem>>
        %dma_wait3A_68 = arith.constant 0 : i32
        %dma_wait3A_69 = tpu.memref_slice %arg10[%sub3A_53, %dma_wait3A_68] : memref<10128x128xf32, #tpu.memory_space<vmem_shared>> -> memref<0x128xf32, #tpu.memory_space<vmem_shared>>
        %dma_wait3A_70 = arith.constant 0 : i32
        %dma_wait3A_71 = tpu.memref_slice %arg10[%sub3A_53, %dma_wait3A_70] : memref<10128x128xf32, #tpu.memory_space<vmem_shared>> -> memref<0x128xf32, #tpu.memory_space<vmem_shared>>
        %dma_wait3A_72 = arith.constant 0 : i32
        %dma_wait3A_73 = arith.constant 0 : i32
        %dma_wait3A_74 = tpu.memref_slice %arg8[%dma_wait3A_72, %dma_wait3A_73] : memref<80x128xf32, #tpu.memory_space<vmem>> -> memref<0x128xf32, #tpu.memory_space<vmem>>
        tpu.wait_dma2 semaphore(%run_scoped3A_54 : memref<!tpu.dma_semaphore, #tpu.memory_space<semaphore_mem>>) src(%dma_wait3A_74 : memref<0x128xf32, #tpu.memory_space<vmem>>) dst(%dma_wait3A_71 : memref<0x128xf32, #tpu.memory_space<vmem_shared>>)
        tpu.yield
      }) : () -> ()
    } else {
    }
    %barrier3A = arith.constant 0 : index
    tpu.barrier barrier_id(%barrier3A)
    %mul3A_14 = arith.constant 10000 : i32
    %mul3A_15 = arith.muli %add3A, %mul3A_14 : i32
    "tpu.region"() ({
      %run_scoped3A_41 = tpu.sem_alloc : memref<!tpu.dma_semaphore, #tpu.memory_space<semaphore_mem>>
      %dma_start3A_42 = tpu.memref_slice %arg3[%mul3A_15] : memref<320000xi32, #tpu.memory_space<hbm>> -> memref<10000xi32, #tpu.memory_space<hbm>>
      %dma_start3A_43 = tpu.memref_slice %arg3[%mul3A_15] : memref<320000xi32, #tpu.memory_space<hbm>> -> memref<10000xi32, #tpu.memory_space<hbm>>
      tpu.enqueue_dma source(%dma_start3A_43 : memref<10000xi32, #tpu.memory_space<hbm>>) target(%arg6 : memref<10000xi32, #tpu.memory_space<vmem>>) target_semaphore(%run_scoped3A_41 : memref<!tpu.dma_semaphore, #tpu.memory_space<semaphore_mem>>)
      %dma_wait3A_44 = tpu.memref_slice %arg3[%mul3A_15] : memref<320000xi32, #tpu.memory_space<hbm>> -> memref<10000xi32, #tpu.memory_space<hbm>>
      %dma_wait3A_45 = tpu.memref_slice %arg3[%mul3A_15] : memref<320000xi32, #tpu.memory_space<hbm>> -> memref<10000xi32, #tpu.memory_space<hbm>>
      tpu.wait_dma2 semaphore(%run_scoped3A_41 : memref<!tpu.dma_semaphore, #tpu.memory_space<semaphore_mem>>) src(%dma_wait3A_45 : memref<10000xi32, #tpu.memory_space<hbm>>) dst(%arg6 : memref<10000xi32, #tpu.memory_space<vmem>>)
      tpu.yield
    }) : () -> ()
    "tpu.region"() ({
      %run_scoped3A_41 = tpu.sem_alloc : memref<!tpu.dma_semaphore, #tpu.memory_space<semaphore_mem>>
      %dma_start3A_42 = arith.constant 0 : i32
      %dma_start3A_43 = arith.constant 0 : i32
      %dma_start3A_44 = tpu.memref_slice %arg4[%add3A, %dma_start3A_42, %dma_start3A_43] : memref<32x125x80xi32, #tpu.memory_space<hbm>> -> memref<1x125x80xi32, #tpu.memory_space<hbm>>
      %dma_start3A_45 = tpu.memref_squeeze %dma_start3A_44 : memref<1x125x80xi32, #tpu.memory_space<hbm>> -> memref<125x80xi32, #tpu.memory_space<hbm>>
      %dma_start3A_46 = arith.constant 0 : i32
      %dma_start3A_47 = arith.constant 0 : i32
      %dma_start3A_48 = tpu.memref_slice %arg4[%add3A, %dma_start3A_46, %dma_start3A_47] : memref<32x125x80xi32, #tpu.memory_space<hbm>> -> memref<1x125x80xi32, #tpu.memory_space<hbm>>
      %dma_start3A_49 = tpu.memref_squeeze %dma_start3A_48 : memref<1x125x80xi32, #tpu.memory_space<hbm>> -> memref<125x80xi32, #tpu.memory_space<hbm>>
      tpu.enqueue_dma source(%dma_start3A_49 : memref<125x80xi32, #tpu.memory_space<hbm>>) target(%arg7 : memref<125x80xi32, #tpu.memory_space<vmem>>) target_semaphore(%run_scoped3A_41 : memref<!tpu.dma_semaphore, #tpu.memory_space<semaphore_mem>>)
      %dma_wait3A_50 = arith.constant 0 : i32
      %dma_wait3A_51 = arith.constant 0 : i32
      %dma_wait3A_52 = tpu.memref_slice %arg4[%add3A, %dma_wait3A_50, %dma_wait3A_51] : memref<32x125x80xi32, #tpu.memory_space<hbm>> -> memref<1x125x80xi32, #tpu.memory_space<hbm>>
      %dma_wait3A_53 = tpu.memref_squeeze %dma_wait3A_52 : memref<1x125x80xi32, #tpu.memory_space<hbm>> -> memref<125x80xi32, #tpu.memory_space<hbm>>
      %dma_wait3A_54 = arith.constant 0 : i32
      %dma_wait3A_55 = arith.constant 0 : i32
      %dma_wait3A_56 = tpu.memref_slice %arg4[%add3A, %dma_wait3A_54, %dma_wait3A_55] : memref<32x125x80xi32, #tpu.memory_space<hbm>> -> memref<1x125x80xi32, #tpu.memory_space<hbm>>
      %dma_wait3A_57 = tpu.memref_squeeze %dma_wait3A_56 : memref<1x125x80xi32, #tpu.memory_space<hbm>> -> memref<125x80xi32, #tpu.memory_space<hbm>>
      tpu.wait_dma2 semaphore(%run_scoped3A_41 : memref<!tpu.dma_semaphore, #tpu.memory_space<semaphore_mem>>) src(%dma_wait3A_57 : memref<125x80xi32, #tpu.memory_space<hbm>>) dst(%arg7 : memref<125x80xi32, #tpu.memory_space<vmem>>)
      tpu.yield
    }) : () -> ()
    %dma_start3A = arith.constant 0 : i32
    %dma_start3A_16 = tpu.memref_slice %arg6[%dma_start3A] : memref<10000xi32, #tpu.memory_space<vmem>> -> memref<80xi32, #tpu.memory_space<vmem>>
    %dma_start3A_17 = arith.constant 0 : i32
    %dma_start3A_18 = arith.constant 0 : i32
    %dma_start3A_19 = tpu.memref_slice %arg2[%dma_start3A_17, %dma_start3A_18] : memref<10000x128xf32, #tpu.memory_space<hbm>> -> memref<10000x128xf32, #tpu.memory_space<hbm>>
    tpu.enqueue_indirect_dma source(%dma_start3A_19 : memref<10000x128xf32, #tpu.memory_space<hbm>>) target(%arg8 : memref<80x128xf32, #tpu.memory_space<vmem>>) offsets(%dma_start3A_16 : memref<80xi32, #tpu.memory_space<vmem>>) semaphore(%arg11 : memref<!tpu.dma_semaphore, #tpu.memory_space<semaphore_mem>>)
    %scan3A_20 = arith.constant 0 : i32
    %scan3A_21 = arith.constant 0 : i32
    %scan3A_22 = arith.constant 62 : i32
    %scan3A_23 = arith.addi %scan3A_21, %scan3A_22 : i32
    %scan3A_24 = arith.constant 1 : i32
    scf.for %scan3A_41 = %scan3A_21 to %scan3A_23 step %scan3A_24  : i32 {
      %mul3A_42 = arith.constant 2 : i32
      %mul3A_43 = arith.muli %mul3A_42, %scan3A_41 : i32
      %add3A_44 = arith.constant 1 : i32
      %add3A_45 = arith.addi %mul3A_43, %add3A_44 : i32
      %mul3A_46 = arith.constant 80 : i32
      %mul3A_47 = arith.muli %add3A_45, %mul3A_46 : i32
      %dma_start3A_48 = tpu.memref_slice %arg6[%mul3A_47] : memref<10000xi32, #tpu.memory_space<vmem>> -> memref<80xi32, #tpu.memory_space<vmem>>
      %dma_start3A_49 = arith.constant 0 : i32
      %dma_start3A_50 = arith.constant 0 : i32
      %dma_start3A_51 = tpu.memref_slice %arg2[%dma_start3A_49, %dma_start3A_50] : memref<10000x128xf32, #tpu.memory_space<hbm>> -> memref<10000x128xf32, #tpu.memory_space<hbm>>
      tpu.enqueue_indirect_dma source(%dma_start3A_51 : memref<10000x128xf32, #tpu.memory_space<hbm>>) target(%arg9 : memref<80x128xf32, #tpu.memory_space<vmem>>) offsets(%dma_start3A_48 : memref<80xi32, #tpu.memory_space<vmem>>) semaphore(%arg12 : memref<!tpu.dma_semaphore, #tpu.memory_space<semaphore_mem>>)
      %mul3A_52 = arith.constant 80 : i32
      %mul3A_53 = arith.muli %mul3A_43, %mul3A_52 : i32
      %dma_wait3A_54 = tpu.memref_slice %arg6[%mul3A_53] : memref<10000xi32, #tpu.memory_space<vmem>> -> memref<80xi32, #tpu.memory_space<vmem>>
      %dma_wait3A_55 = arith.constant 0 : i32
      %dma_wait3A_56 = arith.constant 0 : i32
      %dma_wait3A_57 = tpu.memref_slice %arg2[%dma_wait3A_55, %dma_wait3A_56] : memref<10000x128xf32, #tpu.memory_space<hbm>> -> memref<10000x128xf32, #tpu.memory_space<hbm>>
      tpu.wait_indirect_dma semaphore(%arg11 : memref<!tpu.dma_semaphore, #tpu.memory_space<semaphore_mem>>) src(%dma_wait3A_57 : memref<10000x128xf32, #tpu.memory_space<hbm>>) dst(%arg8 : memref<80x128xf32, #tpu.memory_space<vmem>>)
      "tpu.region"() ({
        %run_scoped3A_72 = tpu.sem_alloc : memref<!tpu.dma_semaphore, #tpu.memory_space<semaphore_mem>>
        %dma_start3A_73 = arith.constant 0 : i32
        %dma_start3A_74 = tpu.memref_slice %arg7[%mul3A_43, %dma_start3A_73] : memref<125x80xi32, #tpu.memory_space<vmem>> -> memref<1x80xi32, #tpu.memory_space<vmem>>
        %dma_start3A_75 = tpu.memref_squeeze %dma_start3A_74 : memref<1x80xi32, #tpu.memory_space<vmem>> -> memref<80xi32, #tpu.memory_space<vmem>>
        %dma_start3A_76 = arith.constant 0 : i32
        %dma_start3A_77 = arith.constant 0 : i32
        %dma_start3A_78 = tpu.memref_slice %arg10[%dma_start3A_76, %dma_start3A_77] : memref<10128x128xf32, #tpu.memory_space<vmem_shared>> -> memref<10128x128xf32, #tpu.memory_space<vmem_shared>>
        tpu.enqueue_indirect_dma source(%arg8 : memref<80x128xf32, #tpu.memory_space<vmem>>) target(%dma_start3A_78 : memref<10128x128xf32, #tpu.memory_space<vmem_shared>>) offsets(%dma_start3A_75 : memref<80xi32, #tpu.memory_space<vmem>>) semaphore(%run_scoped3A_72 : memref<!tpu.dma_semaphore, #tpu.memory_space<semaphore_mem>>) {add = true}
        %dma_wait3A_79 = arith.constant 0 : i32
        %dma_wait3A_80 = tpu.memref_slice %arg7[%mul3A_43, %dma_wait3A_79] : memref<125x80xi32, #tpu.memory_space<vmem>> -> memref<1x80xi32, #tpu.memory_space<vmem>>
        %dma_wait3A_81 = tpu.memref_squeeze %dma_wait3A_80 : memref<1x80xi32, #tpu.memory_space<vmem>> -> memref<80xi32, #tpu.memory_space<vmem>>
        %dma_wait3A_82 = arith.constant 0 : i32
        %dma_wait3A_83 = arith.constant 0 : i32
        %dma_wait3A_84 = tpu.memref_slice %arg10[%dma_wait3A_82, %dma_wait3A_83] : memref<10128x128xf32, #tpu.memory_space<vmem_shared>> -> memref<10128x128xf32, #tpu.memory_space<vmem_shared>>
        tpu.wait_indirect_dma semaphore(%run_scoped3A_72 : memref<!tpu.dma_semaphore, #tpu.memory_space<semaphore_mem>>) src(%arg8 : memref<80x128xf32, #tpu.memory_space<vmem>>) dst(%dma_wait3A_84 : memref<10128x128xf32, #tpu.memory_space<vmem_shared>>)
        tpu.yield
      }) : () -> ()
      %add3A_58 = arith.constant 2 : i32
      %add3A_59 = arith.addi %mul3A_43, %add3A_58 : i32
      %mul3A_60 = arith.constant 80 : i32
      %mul3A_61 = arith.muli %add3A_59, %mul3A_60 : i32
      %dma_start3A_62 = tpu.memref_slice %arg6[%mul3A_61] : memref<10000xi32, #tpu.memory_space<vmem>> -> memref<80xi32, #tpu.memory_space<vmem>>
      %dma_start3A_63 = arith.constant 0 : i32
      %dma_start3A_64 = arith.constant 0 : i32
      %dma_start3A_65 = tpu.memref_slice %arg2[%dma_start3A_63, %dma_start3A_64] : memref<10000x128xf32, #tpu.memory_space<hbm>> -> memref<10000x128xf32, #tpu.memory_space<hbm>>
      tpu.enqueue_indirect_dma source(%dma_start3A_65 : memref<10000x128xf32, #tpu.memory_space<hbm>>) target(%arg8 : memref<80x128xf32, #tpu.memory_space<vmem>>) offsets(%dma_start3A_62 : memref<80xi32, #tpu.memory_space<vmem>>) semaphore(%arg11 : memref<!tpu.dma_semaphore, #tpu.memory_space<semaphore_mem>>)
      %dma_wait3A_66 = tpu.memref_slice %arg6[%mul3A_47] : memref<10000xi32, #tpu.memory_space<vmem>> -> memref<80xi32, #tpu.memory_space<vmem>>
      %dma_wait3A_67 = arith.constant 0 : i32
      %dma_wait3A_68 = arith.constant 0 : i32
      %dma_wait3A_69 = tpu.memref_slice %arg2[%dma_wait3A_67, %dma_wait3A_68] : memref<10000x128xf32, #tpu.memory_space<hbm>> -> memref<10000x128xf32, #tpu.memory_space<hbm>>
      tpu.wait_indirect_dma semaphore(%arg12 : memref<!tpu.dma_semaphore, #tpu.memory_space<semaphore_mem>>) src(%dma_wait3A_69 : memref<10000x128xf32, #tpu.memory_space<hbm>>) dst(%arg9 : memref<80x128xf32, #tpu.memory_space<vmem>>)
      %add3A_70 = arith.constant 1 : i32
      %add3A_71 = arith.addi %mul3A_43, %add3A_70 : i32
      "tpu.region"() ({
        %run_scoped3A_72 = tpu.sem_alloc : memref<!tpu.dma_semaphore, #tpu.memory_space<semaphore_mem>>
        %dma_start3A_73 = arith.constant 0 : i32
        %dma_start3A_74 = tpu.memref_slice %arg7[%add3A_71, %dma_start3A_73] : memref<125x80xi32, #tpu.memory_space<vmem>> -> memref<1x80xi32, #tpu.memory_space<vmem>>
        %dma_start3A_75 = tpu.memref_squeeze %dma_start3A_74 : memref<1x80xi32, #tpu.memory_space<vmem>> -> memref<80xi32, #tpu.memory_space<vmem>>
        %dma_start3A_76 = arith.constant 0 : i32
        %dma_start3A_77 = arith.constant 0 : i32
        %dma_start3A_78 = tpu.memref_slice %arg10[%dma_start3A_76, %dma_start3A_77] : memref<10128x128xf32, #tpu.memory_space<vmem_shared>> -> memref<10128x128xf32, #tpu.memory_space<vmem_shared>>
        tpu.enqueue_indirect_dma source(%arg9 : memref<80x128xf32, #tpu.memory_space<vmem>>) target(%dma_start3A_78 : memref<10128x128xf32, #tpu.memory_space<vmem_shared>>) offsets(%dma_start3A_75 : memref<80xi32, #tpu.memory_space<vmem>>) semaphore(%run_scoped3A_72 : memref<!tpu.dma_semaphore, #tpu.memory_space<semaphore_mem>>) {add = true}
        %dma_wait3A_79 = arith.constant 0 : i32
        %dma_wait3A_80 = tpu.memref_slice %arg7[%add3A_71, %dma_wait3A_79] : memref<125x80xi32, #tpu.memory_space<vmem>> -> memref<1x80xi32, #tpu.memory_space<vmem>>
        %dma_wait3A_81 = tpu.memref_squeeze %dma_wait3A_80 : memref<1x80xi32, #tpu.memory_space<vmem>> -> memref<80xi32, #tpu.memory_space<vmem>>
        %dma_wait3A_82 = arith.constant 0 : i32
        %dma_wait3A_83 = arith.constant 0 : i32
        %dma_wait3A_84 = tpu.memref_slice %arg10[%dma_wait3A_82, %dma_wait3A_83] : memref<10128x128xf32, #tpu.memory_space<vmem_shared>> -> memref<10128x128xf32, #tpu.memory_space<vmem_shared>>
        tpu.wait_indirect_dma semaphore(%run_scoped3A_72 : memref<!tpu.dma_semaphore, #tpu.memory_space<semaphore_mem>>) src(%arg9 : memref<80x128xf32, #tpu.memory_space<vmem>>) dst(%dma_wait3A_84 : memref<10128x128xf32, #tpu.memory_space<vmem_shared>>)
        tpu.yield
      }) : () -> ()
    }
    %scan3A_25 = arith.constant 62 : i32
    %dma_wait3A = arith.constant 9920 : i32
    %dma_wait3A_26 = tpu.memref_slice %arg6[%dma_wait3A] : memref<10000xi32, #tpu.memory_space<vmem>> -> memref<80xi32, #tpu.memory_space<vmem>>
    %dma_wait3A_27 = arith.constant 0 : i32
    %dma_wait3A_28 = arith.constant 0 : i32
    %dma_wait3A_29 = tpu.memref_slice %arg2[%dma_wait3A_27, %dma_wait3A_28] : memref<10000x128xf32, #tpu.memory_space<hbm>> -> memref<10000x128xf32, #tpu.memory_space<hbm>>
    tpu.wait_indirect_dma semaphore(%arg11 : memref<!tpu.dma_semaphore, #tpu.memory_space<semaphore_mem>>) src(%dma_wait3A_29 : memref<10000x128xf32, #tpu.memory_space<hbm>>) dst(%arg8 : memref<80x128xf32, #tpu.memory_space<vmem>>)
    %run_scoped3A = arith.constant 124 : i32
    "tpu.region"() ({
      %run_scoped3A_41 = tpu.sem_alloc : memref<!tpu.dma_semaphore, #tpu.memory_space<semaphore_mem>>
      %dma_start3A_42 = arith.constant 0 : i32
      %dma_start3A_43 = tpu.memref_slice %arg7[%run_scoped3A, %dma_start3A_42] : memref<125x80xi32, #tpu.memory_space<vmem>> -> memref<1x80xi32, #tpu.memory_space<vmem>>
      %dma_start3A_44 = tpu.memref_squeeze %dma_start3A_43 : memref<1x80xi32, #tpu.memory_space<vmem>> -> memref<80xi32, #tpu.memory_space<vmem>>
      %dma_start3A_45 = arith.constant 0 : i32
      %dma_start3A_46 = arith.constant 0 : i32
      %dma_start3A_47 = tpu.memref_slice %arg10[%dma_start3A_45, %dma_start3A_46] : memref<10128x128xf32, #tpu.memory_space<vmem_shared>> -> memref<10128x128xf32, #tpu.memory_space<vmem_shared>>
      tpu.enqueue_indirect_dma source(%arg8 : memref<80x128xf32, #tpu.memory_space<vmem>>) target(%dma_start3A_47 : memref<10128x128xf32, #tpu.memory_space<vmem_shared>>) offsets(%dma_start3A_44 : memref<80xi32, #tpu.memory_space<vmem>>) semaphore(%run_scoped3A_41 : memref<!tpu.dma_semaphore, #tpu.memory_space<semaphore_mem>>) {add = true}
      %dma_wait3A_48 = arith.constant 0 : i32
      %dma_wait3A_49 = tpu.memref_slice %arg7[%run_scoped3A, %dma_wait3A_48] : memref<125x80xi32, #tpu.memory_space<vmem>> -> memref<1x80xi32, #tpu.memory_space<vmem>>
      %dma_wait3A_50 = tpu.memref_squeeze %dma_wait3A_49 : memref<1x80xi32, #tpu.memory_space<vmem>> -> memref<80xi32, #tpu.memory_space<vmem>>
      %dma_wait3A_51 = arith.constant 0 : i32
      %dma_wait3A_52 = arith.constant 0 : i32
      %dma_wait3A_53 = tpu.memref_slice %arg10[%dma_wait3A_51, %dma_wait3A_52] : memref<10128x128xf32, #tpu.memory_space<vmem_shared>> -> memref<10128x128xf32, #tpu.memory_space<vmem_shared>>
      tpu.wait_indirect_dma semaphore(%run_scoped3A_41 : memref<!tpu.dma_semaphore, #tpu.memory_space<semaphore_mem>>) src(%arg8 : memref<80x128xf32, #tpu.memory_space<vmem>>) dst(%dma_wait3A_53 : memref<10128x128xf32, #tpu.memory_space<vmem_shared>>)
      tpu.yield
    }) : () -> ()
    %barrier3A_30 = arith.constant 0 : index
    tpu.barrier barrier_id(%barrier3A_30)
    %lt3A_31 = arith.constant 15 : i32
    %lt3A_32 = arith.cmpi slt, %arg1, %lt3A_31 : i32
    %convert_element_type3A_33 = arith.extui %lt3A_32 : i1 to i32
    %cond3A_34 = arith.constant 0 : i32
    %cond3A_35 = arith.cmpi ne, %convert_element_type3A_33, %cond3A_34 : i32
    scf.if %cond3A_35 {
      "tpu.region"() ({
        %run_scoped3A_41 = tpu.sem_alloc : memref<!tpu.dma_semaphore, #tpu.memory_space<semaphore_mem>>
        %dma_start3A_42 = arith.constant 0 : i32
        %dma_start3A_43 = tpu.memref_slice %arg5[%arg0, %mul3A_7, %dma_start3A_42] : memref<2x10000x128xf32, #tpu.memory_space<hbm>> -> memref<1x640x128xf32, #tpu.memory_space<hbm>>
        %dma_start3A_44 = tpu.memref_squeeze %dma_start3A_43 : memref<1x640x128xf32, #tpu.memory_space<hbm>> -> memref<640x128xf32, #tpu.memory_space<hbm>>
        %dma_start3A_45 = arith.constant 0 : i32
        %dma_start3A_46 = tpu.memref_slice %arg10[%mul3A_7, %dma_start3A_45] : memref<10128x128xf32, #tpu.memory_space<vmem_shared>> -> memref<640x128xf32, #tpu.memory_space<vmem_shared>>
        tpu.enqueue_dma source(%dma_start3A_46 : memref<640x128xf32, #tpu.memory_space<vmem_shared>>) target(%dma_start3A_44 : memref<640x128xf32, #tpu.memory_space<hbm>>) target_semaphore(%run_scoped3A_41 : memref<!tpu.dma_semaphore, #tpu.memory_space<semaphore_mem>>)
        %dma_wait3A_47 = arith.constant 0 : i32
        %dma_wait3A_48 = tpu.memref_slice %arg5[%arg0, %mul3A_7, %dma_wait3A_47] : memref<2x10000x128xf32, #tpu.memory_space<hbm>> -> memref<1x640x128xf32, #tpu.memory_space<hbm>>
        %dma_wait3A_49 = tpu.memref_squeeze %dma_wait3A_48 : memref<1x640x128xf32, #tpu.memory_space<hbm>> -> memref<640x128xf32, #tpu.memory_space<hbm>>
        %dma_wait3A_50 = arith.constant 0 : i32
        %dma_wait3A_51 = tpu.memref_slice %arg10[%mul3A_7, %dma_wait3A_50] : memref<10128x128xf32, #tpu.memory_space<vmem_shared>> -> memref<640x128xf32, #tpu.memory_space<vmem_shared>>
        tpu.wait_dma2 semaphore(%run_scoped3A_41 : memref<!tpu.dma_semaphore, #tpu.memory_space<semaphore_mem>>) src(%dma_wait3A_51 : memref<640x128xf32, #tpu.memory_space<vmem_shared>>) dst(%dma_wait3A_49 : memref<640x128xf32, #tpu.memory_space<hbm>>)
        tpu.yield
      }) : () -> ()
    } else {
    }
    %eq3A_36 = arith.constant 15 : i32
    %eq3A_37 = arith.cmpi eq, %arg1, %eq3A_36 : i32
    %convert_element_type3A_38 = arith.extui %eq3A_37 : i1 to i32
    %cond3A_39 = arith.constant 0 : i32
    %cond3A_40 = arith.cmpi ne, %convert_element_type3A_38, %cond3A_39 : i32
    scf.if %cond3A_40 {
      "tpu.region"() ({
        %run_scoped3A_41 = tpu.sem_alloc : memref<!tpu.dma_semaphore, #tpu.memory_space<semaphore_mem>>
        %dma_start3A_42 = arith.constant 0 : i32
        %dma_start3A_43 = tpu.memref_slice %arg5[%arg0, %mul3A_7, %dma_start3A_42] : memref<2x10000x128xf32, #tpu.memory_space<hbm>> -> memref<1x400x128xf32, #tpu.memory_space<hbm>>
        %dma_start3A_44 = tpu.memref_squeeze %dma_start3A_43 : memref<1x400x128xf32, #tpu.memory_space<hbm>> -> memref<400x128xf32, #tpu.memory_space<hbm>>
        %dma_start3A_45 = arith.constant 0 : i32
        %dma_start3A_46 = tpu.memref_slice %arg10[%mul3A_7, %dma_start3A_45] : memref<10128x128xf32, #tpu.memory_space<vmem_shared>> -> memref<400x128xf32, #tpu.memory_space<vmem_shared>>
        tpu.enqueue_dma source(%dma_start3A_46 : memref<400x128xf32, #tpu.memory_space<vmem_shared>>) target(%dma_start3A_44 : memref<400x128xf32, #tpu.memory_space<hbm>>) target_semaphore(%run_scoped3A_41 : memref<!tpu.dma_semaphore, #tpu.memory_space<semaphore_mem>>)
        %dma_wait3A_47 = arith.constant 0 : i32
        %dma_wait3A_48 = tpu.memref_slice %arg5[%arg0, %mul3A_7, %dma_wait3A_47] : memref<2x10000x128xf32, #tpu.memory_space<hbm>> -> memref<1x400x128xf32, #tpu.memory_space<hbm>>
        %dma_wait3A_49 = tpu.memref_squeeze %dma_wait3A_48 : memref<1x400x128xf32, #tpu.memory_space<hbm>> -> memref<400x128xf32, #tpu.memory_space<hbm>>
        %dma_wait3A_50 = arith.constant 0 : i32
        %dma_wait3A_51 = tpu.memref_slice %arg10[%mul3A_7, %dma_wait3A_50] : memref<10128x128xf32, #tpu.memory_space<vmem_shared>> -> memref<400x128xf32, #tpu.memory_space<vmem_shared>>
        tpu.wait_dma2 semaphore(%run_scoped3A_41 : memref<!tpu.dma_semaphore, #tpu.memory_space<semaphore_mem>>) src(%dma_wait3A_51 : memref<400x128xf32, #tpu.memory_space<vmem_shared>>) dst(%dma_wait3A_49 : memref<400x128xf32, #tpu.memory_space<hbm>>)
        tpu.yield
      }) : () -> ()
    } else {
    }
    return
  }
}

module attributes {stable_mosaic.version = 14 : i64} {
  func.func @_prep_body(%arg0: memref<2x10000xf32, #tpu.memory_space<vmem>>, %arg1: memref<2x10000xf32, #tpu.memory_space<vmem>>, %arg2: memref<10000x128xf32, #tpu.memory_space<vmem>>, %arg3: memref<10000x128xf32, #tpu.memory_space<vmem>>, %arg4: memref<10000xf32, #tpu.memory_space<vmem>>, %arg5: memref<10000xf32, #tpu.memory_space<vmem>>) attributes {dimension_semantics = [], scalar_prefetch = 0 : i64, scratch_operands = 0 : i64, tpu.core_type = #tpu.core_type<tc>} {
    %get3A = arith.constant 0 : index
    %get3A_0 = arith.constant 0 : index
    %get3A_1 = vector.load %arg0[%get3A, %get3A_0] : memref<2x10000xf32, #tpu.memory_space<vmem>>, vector<1x10000xf32>
    %get3A_2 = vector.shape_cast %get3A_1 : vector<1x10000xf32> to vector<10000xf32>
    %get3A_3 = arith.constant 1 : index
    %get3A_4 = arith.constant 0 : index
    %get3A_5 = vector.load %arg0[%get3A_3, %get3A_4] : memref<2x10000xf32, #tpu.memory_space<vmem>>, vector<1x10000xf32>
    %get3A_6 = vector.shape_cast %get3A_5 : vector<1x10000xf32> to vector<10000xf32>
    %add3A = arith.addf %get3A_2, %get3A_6 : vector<10000xf32>
    %get3A_7 = arith.constant 0 : index
    %get3A_8 = arith.constant 0 : index
    %get3A_9 = vector.load %arg1[%get3A_7, %get3A_8] : memref<2x10000xf32, #tpu.memory_space<vmem>>, vector<1x10000xf32>
    %get3A_10 = vector.shape_cast %get3A_9 : vector<1x10000xf32> to vector<10000xf32>
    %get3A_11 = arith.constant 1 : index
    %get3A_12 = arith.constant 0 : index
    %get3A_13 = vector.load %arg1[%get3A_11, %get3A_12] : memref<2x10000xf32, #tpu.memory_space<vmem>>, vector<1x10000xf32>
    %get3A_14 = vector.shape_cast %get3A_13 : vector<1x10000xf32> to vector<10000xf32>
    %add3A_15 = arith.addf %get3A_10, %get3A_14 : vector<10000xf32>
    %max3A = arith.constant 1.000000e+00 : f32
    %max3A_16 = vector.broadcast %max3A : f32 to vector<10000xf32>
    %max3A_17 = arith.maximumf %add3A, %max3A_16 : vector<10000xf32>
    %rsqrt3A = math.rsqrt %max3A_17 : vector<10000xf32>
    %max3A_18 = arith.constant 1.000000e+00 : f32
    %max3A_19 = vector.broadcast %max3A_18 : f32 to vector<10000xf32>
    %max3A_20 = arith.maximumf %add3A_15, %max3A_19 : vector<10000xf32>
    %rsqrt3A_21 = math.rsqrt %max3A_20 : vector<10000xf32>
    %swap3A = arith.constant 0 : index
    %swap3A_22 = vector.load %arg5[%swap3A] : memref<10000xf32, #tpu.memory_space<vmem>>, vector<10000xf32>
    tpu.vector_store %arg5[%swap3A], %rsqrt3A {strides = array<i32>} : memref<10000xf32, #tpu.memory_space<vmem>>, vector<10000xf32>,
    %swap3A_23 = arith.constant 0 : index
    %swap3A_24 = vector.load %arg4[%swap3A_23] : memref<10000xf32, #tpu.memory_space<vmem>>, vector<10000xf32>
    tpu.vector_store %arg4[%swap3A_23], %rsqrt3A_21 {strides = array<i32>} : memref<10000xf32, #tpu.memory_space<vmem>>, vector<10000xf32>,
    %get3A_25 = arith.constant 0 : index
    %get3A_26 = arith.constant 0 : index
    %get3A_27 = vector.load %arg2[%get3A_25, %get3A_26] : memref<10000x128xf32, #tpu.memory_space<vmem>>, vector<10000x128xf32>
    %broadcast_in_dim3A = vector.shape_cast %rsqrt3A : vector<10000xf32> to vector<10000x1xf32>
    %mul3A = vector.broadcast %broadcast_in_dim3A : vector<10000x1xf32> to vector<10000x128xf32>
    %mul3A_28 = arith.mulf %get3A_27, %mul3A : vector<10000x128xf32>
    %swap3A_29 = arith.constant 0 : index
    %swap3A_30 = arith.constant 0 : index
    %swap3A_31 = vector.load %arg3[%swap3A_29, %swap3A_30] : memref<10000x128xf32, #tpu.memory_space<vmem>>, vector<10000x128xf32>
    tpu.vector_store %arg3[%swap3A_29, %swap3A_30], %mul3A_28 {strides = array<i32>} : memref<10000x128xf32, #tpu.memory_space<vmem>>, vector<10000x128xf32>,
    return
  }
}

module attributes {stable_mosaic.version = 14 : i64} {
  func.func @_mid_body(%arg0: memref<2x10000x128xf32, #tpu.memory_space<vmem>>, %arg1: memref<10000xf32, #tpu.memory_space<vmem>>, %arg2: memref<10000xf32, #tpu.memory_space<vmem>>, %arg3: memref<128x128xf32, #tpu.memory_space<vmem>>, %arg4: memref<128xf32, #tpu.memory_space<vmem>>, %arg5: memref<10000x128xf32, #tpu.memory_space<vmem>>) attributes {dimension_semantics = [], scalar_prefetch = 0 : i64, scratch_operands = 0 : i64, tpu.core_type = #tpu.core_type<tc>} {
    %get3A = arith.constant 0 : index
    %get3A_0 = arith.constant 0 : index
    %get3A_1 = arith.constant 0 : index
    %get3A_2 = vector.load %arg0[%get3A, %get3A_0, %get3A_1] : memref<2x10000x128xf32, #tpu.memory_space<vmem>>, vector<1x10000x128xf32>
    %get3A_3 = vector.shape_cast %get3A_2 : vector<1x10000x128xf32> to vector<10000x128xf32>
    %get3A_4 = arith.constant 1 : index
    %get3A_5 = arith.constant 0 : index
    %get3A_6 = arith.constant 0 : index
    %get3A_7 = vector.load %arg0[%get3A_4, %get3A_5, %get3A_6] : memref<2x10000x128xf32, #tpu.memory_space<vmem>>, vector<1x10000x128xf32>
    %get3A_8 = vector.shape_cast %get3A_7 : vector<1x10000x128xf32> to vector<10000x128xf32>
    %add3A = arith.addf %get3A_3, %get3A_8 : vector<10000x128xf32>
    %get3A_9 = arith.constant 0 : index
    %get3A_10 = vector.load %arg1[%get3A_9] : memref<10000xf32, #tpu.memory_space<vmem>>, vector<10000xf32>
    %broadcast_in_dim3A = vector.shape_cast %get3A_10 : vector<10000xf32> to vector<10000x1xf32>
    %mul3A = vector.broadcast %broadcast_in_dim3A : vector<10000x1xf32> to vector<10000x128xf32>
    %mul3A_11 = arith.mulf %add3A, %mul3A : vector<10000x128xf32>
    %get3A_12 = arith.constant 0 : index
    %get3A_13 = arith.constant 0 : index
    %get3A_14 = vector.load %arg3[%get3A_12, %get3A_13] : memref<128x128xf32, #tpu.memory_space<vmem>>, vector<128x128xf32>
    %dot_general3A = arith.constant dense<0.000000e+00> : vector<10000x128xf32>
    %dot_general3A_15 = tpu.matmul %mul3A_11, %get3A_14, %dot_general3A {dimension_numbers = #tpu.dot_dimension_numbers<[1], [0], [0], [1], [0, 0, 1, 1], [], []>, transpose_lhs_hint = false} : vector<10000x128xf32>, vector<128x128xf32>, vector<10000x128xf32> -> vector<10000x128xf32>
    %get3A_16 = arith.constant 0 : index
    %get3A_17 = vector.load %arg4[%get3A_16] : memref<128xf32, #tpu.memory_space<vmem>>, vector<128xf32>
    %broadcast_in_dim3A_18 = vector.shape_cast %get3A_17 : vector<128xf32> to vector<1x128xf32>
    %add3A_19 = vector.broadcast %broadcast_in_dim3A_18 : vector<1x128xf32> to vector<10000x128xf32>
    %add3A_20 = arith.addf %dot_general3A_15, %add3A_19 : vector<10000x128xf32>
    %max3A = arith.constant 0.000000e+00 : f32
    %max3A_21 = vector.broadcast %max3A : f32 to vector<10000x128xf32>
    %max3A_22 = arith.maximumf %add3A_20, %max3A_21 : vector<10000x128xf32>
    %get3A_23 = arith.constant 0 : index
    %get3A_24 = vector.load %arg2[%get3A_23] : memref<10000xf32, #tpu.memory_space<vmem>>, vector<10000xf32>
    %broadcast_in_dim3A_25 = vector.shape_cast %get3A_24 : vector<10000xf32> to vector<10000x1xf32>
    %mul3A_26 = vector.broadcast %broadcast_in_dim3A_25 : vector<10000x1xf32> to vector<10000x128xf32>
    %mul3A_27 = arith.mulf %max3A_22, %mul3A_26 : vector<10000x128xf32>
    %swap3A = arith.constant 0 : index
    %swap3A_28 = arith.constant 0 : index
    %swap3A_29 = vector.load %arg5[%swap3A, %swap3A_28] : memref<10000x128xf32, #tpu.memory_space<vmem>>, vector<10000x128xf32>
    tpu.vector_store %arg5[%swap3A, %swap3A_28], %mul3A_27 {strides = array<i32>} : memref<10000x128xf32, #tpu.memory_space<vmem>>, vector<10000x128xf32>,
    return
  }
}

module attributes {stable_mosaic.version = 14 : i64} {
  func.func @_mid2_body(%arg0: memref<2x10000x128xf32, #tpu.memory_space<vmem>>, %arg1: memref<10000xf32, #tpu.memory_space<vmem>>, %arg2: memref<10000xf32, #tpu.memory_space<vmem>>, %arg3: memref<128x128xf32, #tpu.memory_space<vmem>>, %arg4: memref<128xf32, #tpu.memory_space<vmem>>, %arg5: memref<128x48xf32, #tpu.memory_space<vmem>>, %arg6: memref<10000x48xf32, #tpu.memory_space<vmem>>) attributes {dimension_semantics = [], scalar_prefetch = 0 : i64, scratch_operands = 0 : i64, tpu.core_type = #tpu.core_type<tc>} {
    %get3A = arith.constant 0 : index
    %get3A_0 = arith.constant 0 : index
    %get3A_1 = arith.constant 0 : index
    %get3A_2 = vector.load %arg0[%get3A, %get3A_0, %get3A_1] : memref<2x10000x128xf32, #tpu.memory_space<vmem>>, vector<1x10000x128xf32>
    %get3A_3 = vector.shape_cast %get3A_2 : vector<1x10000x128xf32> to vector<10000x128xf32>
    %get3A_4 = arith.constant 1 : index
    %get3A_5 = arith.constant 0 : index
    %get3A_6 = arith.constant 0 : index
    %get3A_7 = vector.load %arg0[%get3A_4, %get3A_5, %get3A_6] : memref<2x10000x128xf32, #tpu.memory_space<vmem>>, vector<1x10000x128xf32>
    %get3A_8 = vector.shape_cast %get3A_7 : vector<1x10000x128xf32> to vector<10000x128xf32>
    %add3A = arith.addf %get3A_3, %get3A_8 : vector<10000x128xf32>
    %get3A_9 = arith.constant 0 : index
    %get3A_10 = vector.load %arg1[%get3A_9] : memref<10000xf32, #tpu.memory_space<vmem>>, vector<10000xf32>
    %broadcast_in_dim3A = vector.shape_cast %get3A_10 : vector<10000xf32> to vector<10000x1xf32>
    %mul3A = vector.broadcast %broadcast_in_dim3A : vector<10000x1xf32> to vector<10000x128xf32>
    %mul3A_11 = arith.mulf %add3A, %mul3A : vector<10000x128xf32>
    %get3A_12 = arith.constant 0 : index
    %get3A_13 = arith.constant 0 : index
    %get3A_14 = vector.load %arg3[%get3A_12, %get3A_13] : memref<128x128xf32, #tpu.memory_space<vmem>>, vector<128x128xf32>
    %dot_general3A = arith.constant dense<0.000000e+00> : vector<10000x128xf32>
    %dot_general3A_15 = tpu.matmul %mul3A_11, %get3A_14, %dot_general3A {dimension_numbers = #tpu.dot_dimension_numbers<[1], [0], [0], [1], [0, 0, 1, 1], [], []>, transpose_lhs_hint = false} : vector<10000x128xf32>, vector<128x128xf32>, vector<10000x128xf32> -> vector<10000x128xf32>
    %get3A_16 = arith.constant 0 : index
    %get3A_17 = vector.load %arg4[%get3A_16] : memref<128xf32, #tpu.memory_space<vmem>>, vector<128xf32>
    %broadcast_in_dim3A_18 = vector.shape_cast %get3A_17 : vector<128xf32> to vector<1x128xf32>
    %add3A_19 = vector.broadcast %broadcast_in_dim3A_18 : vector<1x128xf32> to vector<10000x128xf32>
    %add3A_20 = arith.addf %dot_general3A_15, %add3A_19 : vector<10000x128xf32>
    %max3A = arith.constant 0.000000e+00 : f32
    %max3A_21 = vector.broadcast %max3A : f32 to vector<10000x128xf32>
    %max3A_22 = arith.maximumf %add3A_20, %max3A_21 : vector<10000x128xf32>
    %get3A_23 = arith.constant 0 : index
    %get3A_24 = vector.load %arg2[%get3A_23] : memref<10000xf32, #tpu.memory_space<vmem>>, vector<10000xf32>
    %broadcast_in_dim3A_25 = vector.shape_cast %get3A_24 : vector<10000xf32> to vector<10000x1xf32>
    %mul3A_26 = vector.broadcast %broadcast_in_dim3A_25 : vector<10000x1xf32> to vector<10000x128xf32>
    %mul3A_27 = arith.mulf %max3A_22, %mul3A_26 : vector<10000x128xf32>
    %get3A_28 = arith.constant 0 : index
    %get3A_29 = arith.constant 0 : index
    %get3A_30 = vector.load %arg5[%get3A_28, %get3A_29] : memref<128x48xf32, #tpu.memory_space<vmem>>, vector<128x48xf32>
    %dot_general3A_31 = arith.constant dense<0.000000e+00> : vector<10000x48xf32>
    %dot_general3A_32 = tpu.matmul %mul3A_27, %get3A_30, %dot_general3A_31 {dimension_numbers = #tpu.dot_dimension_numbers<[1], [0], [0], [1], [0, 0, 1, 1], [], []>, transpose_lhs_hint = false} : vector<10000x128xf32>, vector<128x48xf32>, vector<10000x48xf32> -> vector<10000x48xf32>
    %swap3A = arith.constant 0 : index
    %swap3A_33 = arith.constant 0 : index
    %swap3A_34 = vector.load %arg6[%swap3A, %swap3A_33] : memref<10000x48xf32, #tpu.memory_space<vmem>>, vector<10000x48xf32>
    tpu.vector_store %arg6[%swap3A, %swap3A_33], %dot_general3A_32 {strides = array<i32>} : memref<10000x48xf32, #tpu.memory_space<vmem>>, vector<10000x48xf32>,
    return
  }
}

module attributes {stable_mosaic.version = 14 : i64} {
  func.func @_final_body(%arg0: memref<2x10000x48xf32, #tpu.memory_space<vmem>>, %arg1: memref<10000xf32, #tpu.memory_space<vmem>>, %arg2: memref<40xf32, #tpu.memory_space<vmem>>, %arg3: memref<10000x40xf32, #tpu.memory_space<vmem>>) attributes {dimension_semantics = [], scalar_prefetch = 0 : i64, scratch_operands = 0 : i64, tpu.core_type = #tpu.core_type<tc>} {
    %get3A = arith.constant 0 : index
    %get3A_0 = arith.constant 0 : index
    %get3A_1 = arith.constant 0 : index
    %get3A_2 = vector.load %arg0[%get3A, %get3A_0, %get3A_1] : memref<2x10000x48xf32, #tpu.memory_space<vmem>>, vector<1x10000x48xf32>
    %get3A_3 = vector.shape_cast %get3A_2 : vector<1x10000x48xf32> to vector<10000x48xf32>
    %get3A_4 = arith.constant 1 : index
    %get3A_5 = arith.constant 0 : index
    %get3A_6 = arith.constant 0 : index
    %get3A_7 = vector.load %arg0[%get3A_4, %get3A_5, %get3A_6] : memref<2x10000x48xf32, #tpu.memory_space<vmem>>, vector<1x10000x48xf32>
    %get3A_8 = vector.shape_cast %get3A_7 : vector<1x10000x48xf32> to vector<10000x48xf32>
    %add3A = arith.addf %get3A_3, %get3A_8 : vector<10000x48xf32>
    %get3A_9 = arith.constant 0 : index
    %get3A_10 = vector.load %arg1[%get3A_9] : memref<10000xf32, #tpu.memory_space<vmem>>, vector<10000xf32>
    %broadcast_in_dim3A = vector.shape_cast %get3A_10 : vector<10000xf32> to vector<10000x1xf32>
    %mul3A = vector.broadcast %broadcast_in_dim3A : vector<10000x1xf32> to vector<10000x48xf32>
    %mul3A_11 = arith.mulf %add3A, %mul3A : vector<10000x48xf32>
    %slice3A = vector.extract_strided_slice %mul3A_11 {offsets = [0, 0], sizes = [10000, 40], strides = [1, 1]} : vector<10000x48xf32> to vector<10000x40xf32>
    %get3A_12 = arith.constant 0 : index
    %get3A_13 = vector.load %arg2[%get3A_12] : memref<40xf32, #tpu.memory_space<vmem>>, vector<40xf32>
    %broadcast_in_dim3A_14 = vector.shape_cast %get3A_13 : vector<40xf32> to vector<1x40xf32>
    %add3A_15 = vector.broadcast %broadcast_in_dim3A_14 : vector<1x40xf32> to vector<10000x40xf32>
    %add3A_16 = arith.addf %slice3A, %add3A_15 : vector<10000x40xf32>
    %swap3A = arith.constant 0 : index
    %swap3A_17 = arith.constant 0 : index
    %swap3A_18 = vector.load %arg3[%swap3A, %swap3A_17] : memref<10000x40xf32, #tpu.memory_space<vmem>>, vector<10000x40xf32>
    tpu.vector_store %arg3[%swap3A, %swap3A_17], %add3A_16 {strides = array<i32>} : memref<10000x40xf32, #tpu.memory_space<vmem>>, vector<10000x40xf32>,
    return
  }
}

</mosaic_0001>

<sc_bundles>
// kernel: kernel.10.cloned.1.call-start
scs
__scs_entry_jumppad:
0x0: {  	(pc) =	sbr.rel $0x88, $3  }
0x1: {  	(tag) =	ssettag $0x0;
	lr =	simm.s32 $0x1  }
0x2: {  	[smem:$0x3F99] =	sst lr;
	_ =	strace $0xD0000000  }
0x3: {  	_ = 	snop  }
0x4: {  	_ = 	snop  }
0x5: {  	_ = 	snop  }
0x6: {  	_ = 	snop  }
0x7: {  	_ = 	snop  }
__scs_overlays_trampoline_lowered:
0x8: {  	[smem:$0x3FA8] =	sst s0  }
0x9: {  	[smem:$0x3FA9] =	sst s1  }
0xa: {  	[smem:$0x3FAA] =	sst s2  }
0xb: {  	[smem:$0x3FAB] =	sst s3  }
0xc: {  	[smem:$0x3FAC] =	sst s4  }
0xd: {  	[smem:$0x3FAD] =	sst s5  }
0xe: {  	[smem:$0x3FAE] =	sst s6  }
0xf: {  	[smem:$0x3FAF] =	sst s7  }
0x10: {  	[smem:$0x3FB0] =	sst s8  }
0x11: {  	[smem:$0x3FB1] =	sst s9;
	s0 =	simm.s32 @!p0 $0x0  }
0x12: {  	s1 =	sld [smem:$0x3F97];
	s0 =	simm.s32 @p0 $0x1  }
0x13: {  	[smem:$0x3FB2] =	sst s0;
	s0 =	simm.s32 @!p1 $0x0  }
0x14: {  	s2 =	sld [smem:$0x3F96];
	s0 =	simm.s32 @p1 $0x1  }
0x15: {  	[smem:$0x3FB3] =	sst s0;
	s0 =	simm.s32 @!p2 $0x0  }
0x16: {  	s3 =	sld [smem:$0x3FDB];
	s0 =	simm.s32 @p2 $0x1  }
0x17: {  	s4 =	simm.s32 $0x1BF5;
	[smem:$0x3FB5] =	sst s0  }
0x18: {  	s0 =	sld [smem:$0x3F98];
	_ =	swait.ge [sflag:s4], $0x0  }
0x19: {  	s7 =	sld [smem:$0x3F99]  }
0x1a: {  	s8 =	sadd.s32 $0xFFFFE003, lr  }
0x1b: {  	s9 =	sadd.s32 $0xFFFFFEF7, lr;
	s5 =	simm.s32 $0xFFFFFFFF;
	p2 =	slt.u32 s8, $0xFFFFF086  }
0x1c: {  	p1 =	slt.u32 s9, $0xF7A;
	s5 =	simm.s32 @!p2 $0x0  }
0x1d: {  	s5 =	simm.s32 @p1 $0x1;
	p0 =	seq.s32 s7, s2  }
0x1e: {  	s7 =	smul.u32 @!p0 $0xF7A, s2;
	p2 =	seq.s32 @!p0 s5, $0x0  }
0x1f: {  	s9 =	smul.u32 $0xF7A, s1;
	s8 =	simm.s32 @!p0 $0x1BF5;
	p2 =	por !p2, p0  }
0x20: {  	[sflag:s8] =	ssyncset.s32 @!p0 $0xFFFFF086;
	s6 =	sadd.s32 @!p0 s3, s7;
	s7 =	simm.s32 @!p0 $0x108  }
0x21: {  	s3 =	sadd.s32 s3, s9;
	s6 =	sadd.s32 @!p0 $0x88, s6;
	s7 =	simm.s32 @p2 $0x1082  }
0x22: {  	[simem:s7], [sflag:s8] =	dma.local @!p0 [hbm:s6], $0xF7A  }
0x23: {  	s9 =	sor.u32 $0xD0000000, s2;
	s6 =	simm.s32 $0x108;
	_ =	swait.ge @!p0 [sflag:s8], $0x0  }
0x24: {  	s3 =	sadd.s32 $0x88, s3;
	s6 =	simm.s32 @!p1 $0x1082;
	[sflag:s4] =	ssyncset.s32 $0xFFFFF086  }
0x25: {  	[simem:s6], [sflag:s4] =	dma.local [hbm:s3], $0xF7A  }
0x26: {  	[smem:$0x3F99] =	sst s1;
	(tag) =	ssettag s2;
	_ =	strace s9  }
0x27: {  	s1 =	sld [smem:$0x3FA9]  }
0x28: {  	s2 =	sld [smem:$0x3FAA]  }
0x29: {  	s4 =	sld [smem:$0x3FAC]  }
0x2a: {  	p0 =	seq.s32 s5, $0x0;
	s5 =	sld [smem:$0x3FAD]  }
0x2b: {  	s6 =	sld [smem:$0x3FAE]  }
0x2c: {  	s7 =	sld [smem:$0x3FAF]  }
0x2d: {  	s3 =	simm.s32 $0x108;
	s8 =	sld [smem:$0x3FB0]  }
0x2e: {  	s3 =	simm.s32 @!p0 $0x1082;
	s9 =	sld [smem:$0x3FB1]  }
0x2f: {  	lr =	sadd.s32 s0, s3;
	s0 =	sld [smem:$0x3FA8]  }
0x30: {  	s3 =	sld [smem:$0x3FAB]  }
0x31: {  	[smem:$0x3FB4] =	sst s10  }
0x32: {  	s10 =	sld [smem:$0x3FB2];
	_ =	sdelay $0x3  }
0x33: {  	p0 =	seq.s32 s10, $0x1;
	s10 =	sld [smem:$0x3FB4];
	_ =	sdelay $0x3  }
0x34: {  	[smem:$0x3FB4] =	sst s10  }
0x35: {  	s10 =	sld [smem:$0x3FB3];
	_ =	sdelay $0x3  }
0x36: {  	p1 =	seq.s32 s10, $0x1;
	s10 =	sld [smem:$0x3FB4];
	_ =	sdelay $0x3  }
0x37: {  	[smem:$0x3FB4] =	sst s10  }
0x38: {  	s10 =	sld [smem:$0x3FB5]  }
0x39: {  	_ = 	snop;
	(pc) =	sbr.ind lr, $3  }
0x3a: {  	_ = 	snop  }
0x3b: {  	_ = 	snop  }
0x3c: {  	p2 =	seq.s32 s10, $0x1;
	s10 =	sld [smem:$0x3FB4]  }
0x3d: {  	_ =	shalt  }
0x3e: {  	_ =	shalt  }
0x3f: {  	_ =	shalt  }
0x40: {  	_ =	shalt  }
0x41: {  	_ =	shalt  }
0x42: {  	_ =	shalt  }
0x43: {  	_ =	shalt  }
0x44: {  	_ =	shalt  }
0x45: {  	_ =	shalt  }
0x46: {  	_ =	shalt  }
0x47: {  	_ =	shalt  }
0x48: {  	_ =	shalt  }
0x49: {  	_ =	shalt  }
0x4a: {  	_ =	shalt  }
0x4b: {  	_ =	shalt  }
0x4c: {  	_ =	shalt  }
0x4d: {  	_ =	shalt  }
0x4e: {  	_ =	shalt  }
0x4f: {  	_ =	shalt  }
0x50: {  	_ =	shalt  }
0x51: {  	_ =	shalt  }
0x52: {  	_ =	shalt  }
0x53: {  	_ =	shalt  }
0x54: {  	_ =	shalt  }
0x55: {  	_ =	shalt  }
0x56: {  	_ =	shalt  }
0x57: {  	_ =	shalt  }
0x58: {  	_ =	shalt  }
0x59: {  	_ =	shalt  }
0x5a: {  	_ =	shalt  }
0x5b: {  	_ =	shalt  }
0x5c: {  	_ =	shalt  }
0x5d: {  	_ =	shalt  }
0x5e: {  	_ =	shalt  }
0x5f: {  	_ =	shalt  }
0x60: {  	_ =	shalt  }
0x61: {  	_ =	shalt  }
0x62: {  	_ =	shalt  }
0x63: {  	_ =	shalt  }
0x64: {  	_ =	shalt  }
0x65: {  	_ =	shalt  }
0x66: {  	_ =	shalt  }
0x67: {  	_ =	shalt  }
0x68: {  	_ =	shalt  }
0x69: {  	_ =	shalt  }
0x6a: {  	_ =	shalt  }
0x6b: {  	_ =	shalt  }
0x6c: {  	_ =	shalt  }
0x6d: {  	_ =	shalt  }
0x6e: {  	_ =	shalt  }
0x6f: {  	_ =	shalt  }
0x70: {  	_ =	shalt  }
0x71: {  	_ =	shalt  }
0x72: {  	_ =	shalt  }
0x73: {  	_ =	shalt  }
0x74: {  	_ =	shalt  }
0x75: {  	_ =	shalt  }
0x76: {  	_ =	shalt  }
0x77: {  	_ =	shalt  }
0x78: {  	_ =	shalt  }
0x79: {  	_ =	shalt  }
0x7a: {  	_ =	shalt  }
0x7b: {  	_ =	shalt  }
0x7c: {  	_ =	shalt  }
0x7d: {  	_ =	shalt  }
0x7e: {  	_ =	shalt  }
0x7f: {  	_ =	shalt  }
0x80: {  	_ =	shalt  }
0x81: {  	_ =	shalt  }
0x82: {  	_ =	shalt  }
0x83: {  	_ =	shalt  }
0x84: {  	_ =	shalt  }
0x85: {  	_ =	shalt  }
0x86: {  	_ =	shalt  }
0x87: {  	_ =	shalt  }
.Lfunc_end0:
.L_simem_size_0:
called_computation_lowered:
.L_overlay_start_0:
0x88: {  	s2 =	sld [smem:$0x3FD9]  }
0x89: {  	s3 =	sld [smem:$0x3FFE];
	_ =	sdelay $0x1  }
0x8a: {  	s1 =	srdreg.scid  }
0x8b: {  	s0 =	sand.u32 $0x1, s1  }
0x8c: {  	s16 =	sshll.u32 s0, $0xA;
	s2 =	sadd.s32 s3, s2  }
0x8d: {  	s2 =	sadd.s32 s2, s16  }
0x8e: {  	[smem:$0x3FC0] =	sst s2  }
0x8f: {  	_ = 	snop  }
0x90: {  	(tm) =	ssettm $0x1  }
0x91: {  	s17 =	sld [smem:$0x3FFB];
	_ =	sdelay $0x3  }
0x92: {  	_ =	strace s17  }
0x93: {  	s2 =	sld [smem:$0x3FFC];
	_ =	sdelay $0x3  }
0x94: {  	_ =	strace s2  }
0x95: {  	s2 =	sld [smem:$0x3FFD];
	_ =	sdelay $0x3  }
0x96: {  	_ =	strace s2  }
0x97: {  	_ =	strace $0x8FFFFFFF  }
0x98: {  	s18 =	sld [smem:$0x3FDB];
	_ =	sdelay $0x1  }
0x99: {  	s19 =	simm.s32 $_scs_section_size  }
0x9a: {  	s4 =	simm.s32 $_size__tile_overlayer_lowered;
	s5 =	simm.s32 $_tile_overlayer_lowered  }
0x9b: {  	s22 =	simm.s32 $0x1BFF;
	s21 =	sshll.u32 s5, $0x1;
	s2 =	sadd.s32 s19, s18  }
0x9c: {  	s6 =	simm.s32 $0x0;
	s20 =	sshll.u32 s4, $0x1;
	s4 =	sadd.s32 s21, s2  }
0x9d: {  	[timem:s6], [sflag:s22] =	dma.local [hbm:s4], s20  }
0x9e: {  	_ =	swait.ge [sflag:s22], s20  }
0x9f: {  	s3 =	ssub.s32 $0x0, s20;
	[sflag:s22] =	ssyncset.done $0x0  }
0xa0: {  	[sflag:s22] =	ssyncadd.s32 s3;
	_ =	sdelay $0x1  }
0xa1: {  	s23 =	simm.s32 $0x1B8B  }
0xa2: {  	_ =	swait.ge [sflag:s23], $0x1  }
0xa3: {  	[sflag:s23] =	ssyncset.done $0x0  }
0xa4: {  	s25 =	simm.s32 $0x1B8E;
	s24 =	sld [smem:$0x3FFE];
	[sflag:s23] =	ssyncadd.s32 $0xFFFFFFFF  }
0xa5: {  	s26 =	simm.s32 $execute0_lowered;
	[smem:$0x3FD2] =	sst s25  }
0xa6: {  	s4 =	sshll.u32 s26, $0x1;
	_ =	strace $0x80000046;
	[dreg:$0x1] =	wrdreg $0xFFFFFFFF  }
0xa7: {  	s28 =	simm.s32 $_size_execute0_lowered;
	s2 =	sadd.s32 s2, s4;
	[dreg:$0x0] =	wrdreg $0x0  }
0xa8: {  	s4 =	sshll.u32 s28, $0x1;
	[dreg:$0x2] =	wrdreg s2  }
0xa9: {  	[dreg:$0x3] =	wrdreg s4  }
0xaa: {  	[dreg:$0x4] =	wrdreg $0xC0  }
0xab: {  	_ =	task [dreg:s6], $0x5FFFF  }
0xac: {  	[dreg:$0x1] =	wrdreg $0xFFFFFFFF  }
0xad: {  	[dreg:$0x0] =	wrdreg $0x60  }
0xae: {  	[dreg:$0x2] =	wrdreg s24  }
0xaf: {  	[dreg:$0x3] =	wrdreg $0x84800  }
0xb0: {  	[dreg:$0x4] =	wrdreg $0x86F80  }
0xb1: {  	[dreg:$0x5] =	wrdreg $0x9  }
0xb2: {  	_ =	task.clear_ibuf [dreg:s6], $0x6FFFF;
	_ =	strace $0x90000046  }
0xb3: {  	s29 =	simm.s32 $0x9;
	_ =	strace $0x80000048  }
0xb4: {  	_ =	swait.ge [sflag:s29], $0x1  }
0xb5: {  	[sflag:s29] =	ssyncadd.s32 $0xFFFFFFFF  }
0xb6: {  	_ =	strace $0x90000048  }
0xb7: {  	_ =	sfence  }
0xb8: {  	s30 =	sld [smem:$0x0];
	_ =	sdelay $0x2  }
0xb9: {  	s31 =	sshll.u32 s1, $0xD;
	s1 =	sshrl.u32 s1, $0x2  }
0xba: {  	s3 =	sand.u32 $0x4000, s31;
	s1 =	sadd.s32 s1, s30  }
0xbb: {  	s0 =	sor.u32 s3, s0;
	s1 =	sshll.u32 s1, $0x11  }
0xbc: {  	s0 =	sor.u32 s1, s0  }
0xbd: {  	s0 =	sadd.s32 $0x8F2B, s0  }
0xbe: {  	[sflag:s0] =	ssyncadd.remote.s32 $0x1  }
0xbf: {  	_ =	sfence.sel $0xFFFF  }
0xc0: {  	[dreg:$0x0] =	wrdreg $0xFFFFFFFF;
	(pc) =	sbr.abs _section_cstart, $3  }
0xc1: {  	[dreg:$0x1] =	wrdreg $0xFFFFFFFF  }
0xc2: {  	_ =	task.clear_ibuf [dreg:s6], $0x2FFFF;
	_ =	strace $0x9FFFFFFF  }
0xc3: {  	(tm) =	ssettm $0x7FFFFFFF  }
tec
execute0_lowered:
.L_overlay_start_1:
0x0: {  	(tag) =	ssettag $0x1  }
0x1: {  	s4 =	rddreg [dreg:$0x0]  }
0x2: {  	s1 =	rddreg [dreg:$0x1]  }
0x3: {  	s2 =	rddreg [dreg:$0x2]  }
0x4: {  	s0 =	rddreg [dreg:$0x3];
	s3 =	simm.s32 $0x0  }
0x5: {  	s5 =	srdreg.scid;
	s17 =	stileid.u32;
	s13 =	simm.s32 $0x50  }
0x6: {  	s14 =	simm.s32 $0x8400;
	s15 =	simm.s32 $0x1;
	s16 =	simm.s32 $0x2  }
0x7: {  	[smem:$0x7FF] =	sst s3;
	s5 =	sand.u32 $0x1, s5;
	s7 =	sshll.u32 s17, $0xB  }
0x8: {  	s9 =	smul.u32 $0x3E8, s17;
	p0 =	sgt.u32 s17, $0x9;
	p1 =	sne.s32 s17, $0x0  }
0x9: {  	s6 =	sshll.u32 s5, $0xF;
	s8 =	smul.u32 $0x4F0, s5;
	s5 =	ssub.s32 $0x2, s5  }
0xa: {  	_ =	strace $0x80000047;
	s6 =	sor.u32 s7, s6;
	s31 =	sshrl.u32 s5, $0x1  }
0xb: {  	s10 =	sadd.s32 s6, s4;
	s11 =	sadd.s32 s8, s4;
	s12 =	ssub.s32 s5, s31  }
0xc: {  	s4 =	sadd.s32 s9, s1;
	s5 =	sadd.s32 s9, s2;
	s6 =	sadd.s32 $0xCE00, s10  }
0xd: {  	s7 =	sadd.s32 $0x1CE00, s10;
	s8 =	sadd.s32 $0x2CE00, s11;
	s9 =	sadd.s32 $0x2D800, s11  }
0xe: {  	v0 =	vimm.f32 $0.0e+00;
	v1 =	vimm.f32 $1.000000000e+00;
	s10 =	smax.u32 s12, $0x1;
	s11 =	simm.s32 $0x3;
	s12 =	simm.s32 $0x4000  }
.LBB2_1:
0xf: {  	s17 =	simm.s32 $0x40;
	s18 =	simm.s32 $0x0  }
.LBB2_2:
0x10: {  	p2 =	sne.s32 s17, $0xFC0;
	[tilespmem:s18+$0x8000] =	vst v0;
	s18 =	smov.u32 s17;
	s17 =	sadd.s32 $0x40, s17  }
.Ltmp0:
0x11: {  	(pc) =	sbr.rel @p2 .LBB2_2-.Ltmp0, $2  }
0x12: {  	_ =	sdelay $0x2  }
0x13: {  	s18 =	sshra.s32 s18, $0x2  }
0x14: {  	[tilespmem:s18+$0x8000] =	vst v0  }
0x15: {  	[tilespmem:$0x8400] =	vst v1  }
0x16: {  	[tilespmem:$0x8410] =	vst v1  }
0x17: {  	[tilespmem:$0x8420] =	vst v1  }
0x18: {  	[tilespmem:$0x8430] =	vst v1  }
0x19: {  	s17 =	simm.s32 @!p0 $0x8000;
	s18 =	simm.s32 @!p0 $0x3;
	[tilespmem:$0x8440] =	vst v1  }
0x1a: {  	[spmem:s4] =	stream.linear.scatter @!p0 [tilespmem:s17], [sflag:$0x3], $0x3E8, $0x38;
	[tilespmem:$0x8970] =	vst v63  }
0x1b: {  	_ =	swait.ge @!p0 [sflag:s18], $0x3E8  }
0x1c: {  	[sflag:s18] =	ssyncset.done @!p0 $0x0  }
0x1d: {  	[sflag:s18] =	ssyncadd.s32 @!p0 $0xFFFFFC18  }
0x1e: {  	[spmem:s5] =	stream.linear.scatter @!p0 [tilespmem:s17], [sflag:$0x3], $0x3E8, $0x38;
	[tilespmem:$0x8970] =	vst v63  }
0x1f: {  	_ =	swait.ge @!p0 [sflag:s18], $0x3E8  }
0x20: {  	[sflag:s18] =	ssyncset.done @!p0 $0x0  }
0x21: {  	[sflag:s18] =	ssyncadd.s32 @!p0 $0xFFFFFC18  }
0x22: {  	s30 =	simm.s32 $0x0;
	[bflag:$0x0] =	sbarrier.arrive $0xFFFF  }
0x23: {  	[tilespmem:s30], [sflag:$0x3] =	stream.linear.gather [hbm4b:s6+s30], $0x3E80, $0x38;
	[tilespmem:$0x8970] =	vst v63  }
0x24: {  	_ =	swait.ge [sflag:s11], $0x3E80  }
0x25: {  	[sflag:s11] =	ssyncset.done $0x0  }
0x26: {  	[sflag:s11] =	ssyncadd.s32 $0xFFFFC180  }
0x27: {  	[tilespmem:s12], [sflag:$0x3] =	stream.linear.gather [hbm4b:s7+s30], $0x3E80, $0x38;
	[tilespmem:$0x8970] =	vst v63  }
0x28: {  	_ =	swait.ge [sflag:s11], $0x3E80  }
0x29: {  	s31 =	simm.s32 $0x0;
	[sflag:s11] =	ssyncset.done $0x0  }
0x2a: {  	s17 =	simm.s32 $0x200;
	s18 =	simm.s32 $0x4000;
	[sflag:s11] =	ssyncadd.s32 $0xFFFFC180  }
0x2b: {  	[spmem:s1] =	stream.indirect.scatter.add.f32 [tilespmem:s14], [sflag:$0x1], $0x1, s31, s13, $0xb8;
	[tilespmem:$0x8970] =	vst v63  }
.LBB2_4:
0x2c: {  	[spmem:s2] =	stream.indirect.scatter.add.f32 [tilespmem:s14], [sflag:$0x2], $0x1, s18, s13, $0xb8;
	[tilespmem:$0x8970] =	vst v63  }
0x2d: {  	s18 =	smov.u32 s17;
	p2 =	sne.s32 s17, $0x3000  }
.Ltmp1:
0x2e: {  	s17 =	sadd.s32 $0x200, s17;
	(pc) =	sbr.rel @p2 .LBB2_4-.Ltmp1, $4  }
0x2f: {  	_ = 	snop  }
0x30: {  	s18 =	sshra.s32 s18, $0x2  }
0x31: {  	[spmem:s1] =	stream.indirect.scatter.add.f32 [tilespmem:s14], [sflag:$0x1], $0x1, s18, s13, $0xb8;
	[tilespmem:$0x8970] =	vst v63  }
0x32: {  	s18 =	sadd.s32 $0x4000, s18  }
0x33: {  	[spmem:s2] =	stream.indirect.scatter.add.f32 [tilespmem:s14], [sflag:$0x2], $0x1, s18, s13, $0xb8;
	[tilespmem:$0x8970] =	vst v63  }
0x34: {  	_ =	swait.ge [sflag:s15], $0x50  }
0x35: {  	[sflag:s15] =	ssyncset.done $0x0  }
0x36: {  	[sflag:s15] =	ssyncadd.s32 $0xFFFFFFB0  }
0x37: {  	_ =	swait.ge [sflag:s16], $0x50  }
0x38: {  	s17 =	simm.s32 $0x18;
	[sflag:s16] =	ssyncset.done $0x0  }
.LBB2_6:
0x39: {  	p2 =	sne.s32 s17, $0x1;
	s17 =	sadd.s32 $0xFFFFFFFF, s17;
	[sflag:s16] =	ssyncadd.s32 $0xFFFFFFB0  }
.Ltmp2:
0x3a: {  	_ =	swait.ge [sflag:s15], $0x50;
	(pc) =	sbr.rel @p2 .LBB2_6-.Ltmp2, $4  }
0x3b: {  	[sflag:s15] =	ssyncset.done $0x0  }
0x3c: {  	[sflag:s15] =	ssyncadd.s32 $0xFFFFFFB0  }
0x3d: {  	_ =	swait.ge [sflag:s16], $0x50  }
0x3e: {  	[sflag:s16] =	ssyncset.done $0x0  }
0x3f: {  	[sflag:s16] =	ssyncadd.s32 $0xFFFFFFB0;
	s17 =	simm.s32 $0xC80  }
0x40: {  	[spmem:s1] =	stream.indirect.scatter.add.f32 [tilespmem:s14], [sflag:$0x1], $0x1, s17, s13, $0xb8;
	[tilespmem:$0x8970] =	vst v63  }
0x41: {  	s18 =	simm.s32 $0x4C80;
	s17 =	simm.s32 $0x200  }
.LBB2_8:
0x42: {  	[spmem:s2] =	stream.indirect.scatter.add.f32 [tilespmem:s14], [sflag:$0x2], $0x1, s18, s13, $0xb8;
	[tilespmem:$0x8970] =	vst v63  }
0x43: {  	s18 =	smov.u32 s17;
	p2 =	sne.s32 s17, $0x3000  }
.Ltmp3:
0x44: {  	s17 =	sadd.s32 $0x200, s17;
	(pc) =	sbr.rel @p2 .LBB2_8-.Ltmp3, $4  }
0x45: {  	s18 =	sshra.s32 s18, $0x2  }
0x46: {  	s19 =	sadd.s32 $0xC80, s18  }
0x47: {  	[spmem:s1] =	stream.indirect.scatter.add.f32 [tilespmem:s14], [sflag:$0x1], $0x1, s19, s13, $0xb8;
	[tilespmem:$0x8970] =	vst v63  }
0x48: {  	s18 =	sadd.s32 $0x4C80, s18  }
0x49: {  	[spmem:s2] =	stream.indirect.scatter.add.f32 [tilespmem:s14], [sflag:$0x2], $0x1, s18, s13, $0xb8;
	[tilespmem:$0x8970] =	vst v63  }
0x4a: {  	_ =	swait.ge [sflag:s15], $0x50  }
0x4b: {  	[sflag:s15] =	ssyncset.done $0x0  }
0x4c: {  	[sflag:s15] =	ssyncadd.s32 $0xFFFFFFB0  }
0x4d: {  	_ =	swait.ge [sflag:s16], $0x50  }
0x4e: {  	s17 =	simm.s32 $0x18;
	[sflag:s16] =	ssyncset.done $0x0  }
.LBB2_10:
0x4f: {  	p2 =	sne.s32 s17, $0x1;
	s17 =	sadd.s32 $0xFFFFFFFF, s17;
	[sflag:s16] =	ssyncadd.s32 $0xFFFFFFB0  }
.Ltmp4:
0x50: {  	_ =	swait.ge [sflag:s15], $0x50;
	(pc) =	sbr.rel @p2 .LBB2_10-.Ltmp4, $4  }
0x51: {  	[sflag:s15] =	ssyncset.done $0x0  }
0x52: {  	[sflag:s15] =	ssyncadd.s32 $0xFFFFFFB0  }
0x53: {  	_ =	swait.ge [sflag:s16], $0x50  }
0x54: {  	[sflag:s16] =	ssyncset.done $0x0  }
0x55: {  	[sflag:s16] =	ssyncadd.s32 $0xFFFFFFB0;
	s17 =	simm.s32 $0x1900  }
0x56: {  	[spmem:s1] =	stream.indirect.scatter.add.f32 [tilespmem:s14], [sflag:$0x1], $0x1, s17, s13, $0xb8;
	[tilespmem:$0x8970] =	vst v63  }
0x57: {  	s18 =	simm.s32 $0x5900;
	s17 =	simm.s32 $0x200  }
.LBB2_12:
0x58: {  	[spmem:s2] =	stream.indirect.scatter.add.f32 [tilespmem:s14], [sflag:$0x2], $0x1, s18, s13, $0xb8;
	[tilespmem:$0x8970] =	vst v63  }
0x59: {  	s18 =	smov.u32 s17;
	p2 =	sne.s32 s17, $0x3000  }
.Ltmp5:
0x5a: {  	s17 =	sadd.s32 $0x200, s17;
	(pc) =	sbr.rel @p2 .LBB2_12-.Ltmp5, $4  }
0x5b: {  	s18 =	sshra.s32 s18, $0x2  }
0x5c: {  	s19 =	sadd.s32 $0x1900, s18  }
0x5d: {  	[spmem:s1] =	stream.indirect.scatter.add.f32 [tilespmem:s14], [sflag:$0x1], $0x1, s19, s13, $0xb8;
	[tilespmem:$0x8970] =	vst v63  }
0x5e: {  	s18 =	sadd.s32 $0x5900, s18  }
0x5f: {  	[spmem:s2] =	stream.indirect.scatter.add.f32 [tilespmem:s14], [sflag:$0x2], $0x1, s18, s13, $0xb8;
	[tilespmem:$0x8970] =	vst v63  }
0x60: {  	_ =	swait.ge [sflag:s15], $0x50  }
0x61: {  	[sflag:s15] =	ssyncset.done $0x0  }
0x62: {  	[sflag:s15] =	ssyncadd.s32 $0xFFFFFFB0  }
0x63: {  	_ =	swait.ge [sflag:s16], $0x50  }
0x64: {  	s17 =	simm.s32 $0x18;
	[sflag:s16] =	ssyncset.done $0x0  }
.LBB2_14:
0x65: {  	p2 =	sne.s32 s17, $0x1;
	s17 =	sadd.s32 $0xFFFFFFFF, s17;
	[sflag:s16] =	ssyncadd.s32 $0xFFFFFFB0  }
.Ltmp6:
0x66: {  	_ =	swait.ge [sflag:s15], $0x50;
	(pc) =	sbr.rel @p2 .LBB2_14-.Ltmp6, $4  }
0x67: {  	[sflag:s15] =	ssyncset.done $0x0  }
0x68: {  	[sflag:s15] =	ssyncadd.s32 $0xFFFFFFB0  }
0x69: {  	_ =	swait.ge [sflag:s16], $0x50  }
0x6a: {  	[sflag:s16] =	ssyncset.done $0x0  }
0x6b: {  	[sflag:s16] =	ssyncadd.s32 $0xFFFFFFB0;
	s17 =	simm.s32 $0x2580  }
0x6c: {  	[spmem:s1] =	stream.indirect.scatter.add.f32 [tilespmem:s14], [sflag:$0x1], $0x1, s17, s13, $0xb8;
	[tilespmem:$0x8970] =	vst v63  }
0x6d: {  	s18 =	simm.s32 $0x6580;
	s17 =	simm.s32 $0x200  }
.LBB2_16:
0x6e: {  	[spmem:s2] =	stream.indirect.scatter.add.f32 [tilespmem:s14], [sflag:$0x2], $0x1, s18, s13, $0xb8;
	[tilespmem:$0x8970] =	vst v63  }
0x6f: {  	s18 =	smov.u32 s17;
	p2 =	sne.s32 s17, $0x3000  }
.Ltmp7:
0x70: {  	s17 =	sadd.s32 $0x200, s17;
	(pc) =	sbr.rel @p2 .LBB2_16-.Ltmp7, $4  }
0x71: {  	s18 =	sshra.s32 s18, $0x2  }
0x72: {  	s19 =	sadd.s32 $0x2580, s18  }
0x73: {  	[spmem:s1] =	stream.indirect.scatter.add.f32 [tilespmem:s14], [sflag:$0x1], $0x1, s19, s13, $0xb8;
	[tilespmem:$0x8970] =	vst v63  }
0x74: {  	s18 =	sadd.s32 $0x6580, s18  }
0x75: {  	[spmem:s2] =	stream.indirect.scatter.add.f32 [tilespmem:s14], [sflag:$0x2], $0x1, s18, s13, $0xb8;
	[tilespmem:$0x8970] =	vst v63  }
0x76: {  	_ =	swait.ge [sflag:s15], $0x50  }
0x77: {  	[sflag:s15] =	ssyncset.done $0x0  }
0x78: {  	[sflag:s15] =	ssyncadd.s32 $0xFFFFFFB0  }
0x79: {  	_ =	swait.ge [sflag:s16], $0x50  }
0x7a: {  	s17 =	simm.s32 $0x18;
	[sflag:s16] =	ssyncset.done $0x0  }
.LBB2_18:
0x7b: {  	p2 =	sne.s32 s17, $0x1;
	s17 =	sadd.s32 $0xFFFFFFFF, s17;
	[sflag:s16] =	ssyncadd.s32 $0xFFFFFFB0  }
.Ltmp8:
0x7c: {  	_ =	swait.ge [sflag:s15], $0x50;
	(pc) =	sbr.rel @p2 .LBB2_18-.Ltmp8, $4  }
0x7d: {  	[sflag:s15] =	ssyncset.done $0x0  }
0x7e: {  	[sflag:s15] =	ssyncadd.s32 $0xFFFFFFB0  }
0x7f: {  	_ =	swait.ge [sflag:s16], $0x50  }
0x80: {  	[sflag:s16] =	ssyncset.done $0x0  }
0x81: {  	[sflag:s16] =	ssyncadd.s32 $0xFFFFFFB0;
	s17 =	simm.s32 $0x3200  }
0x82: {  	[spmem:s1] =	stream.indirect.scatter.add.f32 [tilespmem:s14], [sflag:$0x1], $0x1, s17, s13, $0xb8;
	[tilespmem:$0x8970] =	vst v63  }
0x83: {  	s18 =	simm.s32 $0x7200;
	s17 =	simm.s32 $0x200  }
.LBB2_20:
0x84: {  	[spmem:s2] =	stream.indirect.scatter.add.f32 [tilespmem:s14], [sflag:$0x2], $0x1, s18, s13, $0xb8;
	[tilespmem:$0x8970] =	vst v63  }
0x85: {  	s18 =	smov.u32 s17;
	p2 =	sne.s32 s17, $0x3000  }
.Ltmp9:
0x86: {  	s17 =	sadd.s32 $0x200, s17;
	(pc) =	sbr.rel @p2 .LBB2_20-.Ltmp9, $4  }
0x87: {  	s18 =	sshra.s32 s18, $0x2  }
0x88: {  	s19 =	sadd.s32 $0x3200, s18  }
0x89: {  	[spmem:s1] =	stream.indirect.scatter.add.f32 [tilespmem:s14], [sflag:$0x1], $0x1, s19, s13, $0xb8;
	[tilespmem:$0x8970] =	vst v63  }
0x8a: {  	s18 =	sadd.s32 $0x7200, s18  }
0x8b: {  	[spmem:s2] =	stream.indirect.scatter.add.f32 [tilespmem:s14], [sflag:$0x2], $0x1, s18, s13, $0xb8;
	[tilespmem:$0x8970] =	vst v63  }
0x8c: {  	_ =	swait.ge [sflag:s15], $0x50  }
0x8d: {  	[sflag:s15] =	ssyncset.done $0x0  }
0x8e: {  	[sflag:s15] =	ssyncadd.s32 $0xFFFFFFB0  }
0x8f: {  	_ =	swait.ge [sflag:s16], $0x50  }
0x90: {  	s17 =	simm.s32 $0x18;
	[sflag:s16] =	ssyncset.done $0x0  }
.LBB2_22:
0x91: {  	p2 =	sne.s32 s17, $0x1;
	s17 =	sadd.s32 $0xFFFFFFFF, s17;
	[sflag:s16] =	ssyncadd.s32 $0xFFFFFFB0  }
.Ltmp10:
0x92: {  	_ =	swait.ge [sflag:s15], $0x50;
	(pc) =	sbr.rel @p2 .LBB2_22-.Ltmp10, $4  }
0x93: {  	[sflag:s15] =	ssyncset.done $0x0  }
0x94: {  	[sflag:s15] =	ssyncadd.s32 $0xFFFFFFB0  }
0x95: {  	_ =	swait.ge [sflag:s16], $0x50  }
0x96: {  	[sflag:s16] =	ssyncset.done $0x0  }
0x97: {  	[sflag:s16] =	ssyncadd.s32 $0xFFFFFFB0  }
0x98: {  	s17 =	sshrl.u32 @!p1 s1, $0x3;
	s18 =	simm.s32 @!p1 $0x1C03;
	[bflag:$0x0] =	sbarrier.arrive $0xFFFF  }
0x99: {  	[hbm:s8], [sflag:s18] =	dma.local @!p1 [spmem:s17], $0x4F0  }
0x9a: {  	s17 =	simm.s32 @!p1 $0x3  }
0x9b: {  	s3 =	sadd.s32 $0x1, s3;
	_ =	swait.ge @!p1 [sflag:s17], $0x4F0  }
0x9c: {  	p2 =	sne.s32 s3, s10;
	[sflag:s17] =	ssyncset.done @!p1 $0x0  }
.Ltmp11:
0x9d: {  	s19 =	sshrl.u32 @!p1 s2, $0x3;
	[sflag:s17] =	ssyncadd.s32 @!p1 $0xFFFFFB10;
	(pc) =	sbr.rel @p2 .LBB2_1-.Ltmp11, $4  }
0x9e: {  	[hbm:s9], [sflag:s18] =	dma.local @!p1 [spmem:s19], $0x4F0  }
0x9f: {  	_ =	swait.ge @!p1 [sflag:s17], $0x4F0  }
0xa0: {  	[sflag:s17] =	ssyncset.done @!p1 $0x0  }
0xa1: {  	[sflag:s17] =	ssyncadd.s32 @!p1 $0xFFFFFB10  }
0xa2: {  	_ =	sfence.sel $0x180000  }
0xa3: {  	[bflag:$0x0] =	sbarrier.arrive $0xFFFF  }
0xa4: {  	_ =	strace $0x90000047  }
0xa5: {  	s0 =	sadd.s32 @!p1 $0x100000, s0;
	[bflag:$0x2] =	sbarrier.arrive $0xFFFF  }
0xa6: {  	[sflag:s0] =	ssyncadd.tile.s32 @!p1 $0x1;
	_ =	shalt  }
.Lfunc_end2:
_tile_overlayer_lowered:
.L_overlay_start_2:
0xa7: {  	(tag) =	ssettag $0x2  }
0xa8: {  	s0 =	rddreg [dreg:$0x0];
	s2 =	stileid.u32  }
0xa9: {  	s1 =	rddreg [dreg:$0x1];
	p0 =	sne.s32 s2, $0x0  }
0xaa: {  	s3 =	rddreg [dreg:$0x2];
	[bflag:$0x3] =	sbarrier.arrive $0xFFFF;
	s2 =	simm.s32 @!p0 $0x1C03  }
0xab: {  	[timem:s3], [sflag:s2] =	dma.local @!p0 [hbm:s0], s1  }
0xac: {  	s0 =	simm.s32 @!p0 $0x3  }
0xad: {  	_ =	swait.ge @!p0 [sflag:s0], s1  }
0xae: {  	s1 =	ssub.s32 @!p0 $0x0, s1;
	[sflag:s0] =	ssyncset.done @!p0 $0x0  }
0xaf: {  	[sflag:s0] =	ssyncadd.s32 @!p0 s1  }
0xb0: {  	[bflag:$0x3] =	sbarrier.arrive $0xFFFF  }
0xb1: {  	_ =	shalt  }

// kernel: kernel.13.cloned.1.call-start
scs
__scs_entry_jumppad:
0x0: {  	(pc) =	sbr.rel $0x88, $3  }
0x1: {  	(tag) =	ssettag $0x0;
	lr =	simm.s32 $0x1  }
0x2: {  	[smem:$0x3F99] =	sst lr;
	_ =	strace $0xD0000000  }
0x3: {  	_ = 	snop  }
0x4: {  	_ = 	snop  }
0x5: {  	_ = 	snop  }
0x6: {  	_ = 	snop  }
0x7: {  	_ = 	snop  }
__scs_overlays_trampoline_lowered:
0x8: {  	[smem:$0x3FA8] =	sst s0  }
0x9: {  	[smem:$0x3FA9] =	sst s1  }
0xa: {  	[smem:$0x3FAA] =	sst s2  }
0xb: {  	[smem:$0x3FAB] =	sst s3  }
0xc: {  	[smem:$0x3FAC] =	sst s4  }
0xd: {  	[smem:$0x3FAD] =	sst s5  }
0xe: {  	[smem:$0x3FAE] =	sst s6  }
0xf: {  	[smem:$0x3FAF] =	sst s7  }
0x10: {  	[smem:$0x3FB0] =	sst s8  }
0x11: {  	[smem:$0x3FB1] =	sst s9;
	s0 =	simm.s32 @!p0 $0x0  }
0x12: {  	s1 =	sld [smem:$0x3F97];
	s0 =	simm.s32 @p0 $0x1  }
0x13: {  	[smem:$0x3FB2] =	sst s0;
	s0 =	simm.s32 @!p1 $0x0  }
0x14: {  	s2 =	sld [smem:$0x3F96];
	s0 =	simm.s32 @p1 $0x1  }
0x15: {  	[smem:$0x3FB3] =	sst s0;
	s0 =	simm.s32 @!p2 $0x0  }
0x16: {  	s3 =	sld [smem:$0x3FDB];
	s0 =	simm.s32 @p2 $0x1  }
0x17: {  	s4 =	simm.s32 $0x1BF5;
	[smem:$0x3FB5] =	sst s0  }
0x18: {  	s0 =	sld [smem:$0x3F98];
	_ =	swait.ge [sflag:s4], $0x0  }
0x19: {  	s7 =	sld [smem:$0x3F99]  }
0x1a: {  	s8 =	sadd.s32 $0xFFFFE003, lr  }
0x1b: {  	s9 =	sadd.s32 $0xFFFFFEF7, lr;
	s5 =	simm.s32 $0xFFFFFFFF;
	p2 =	slt.u32 s8, $0xFFFFF086  }
0x1c: {  	p1 =	slt.u32 s9, $0xF7A;
	s5 =	simm.s32 @!p2 $0x0  }
0x1d: {  	s5 =	simm.s32 @p1 $0x1;
	p0 =	seq.s32 s7, s2  }
0x1e: {  	s7 =	smul.u32 @!p0 $0xF7A, s2;
	p2 =	seq.s32 @!p0 s5, $0x0  }
0x1f: {  	s9 =	smul.u32 $0xF7A, s1;
	s8 =	simm.s32 @!p0 $0x1BF5;
	p2 =	por !p2, p0  }
0x20: {  	[sflag:s8] =	ssyncset.s32 @!p0 $0xFFFFF086;
	s6 =	sadd.s32 @!p0 s3, s7;
	s7 =	simm.s32 @!p0 $0x108  }
0x21: {  	s3 =	sadd.s32 s3, s9;
	s6 =	sadd.s32 @!p0 $0x88, s6;
	s7 =	simm.s32 @p2 $0x1082  }
0x22: {  	[simem:s7], [sflag:s8] =	dma.local @!p0 [hbm:s6], $0xF7A  }
0x23: {  	s9 =	sor.u32 $0xD0000000, s2;
	s6 =	simm.s32 $0x108;
	_ =	swait.ge @!p0 [sflag:s8], $0x0  }
0x24: {  	s3 =	sadd.s32 $0x88, s3;
	s6 =	simm.s32 @!p1 $0x1082;
	[sflag:s4] =	ssyncset.s32 $0xFFFFF086  }
0x25: {  	[simem:s6], [sflag:s4] =	dma.local [hbm:s3], $0xF7A  }
0x26: {  	[smem:$0x3F99] =	sst s1;
	(tag) =	ssettag s2;
	_ =	strace s9  }
0x27: {  	s1 =	sld [smem:$0x3FA9]  }
0x28: {  	s2 =	sld [smem:$0x3FAA]  }
0x29: {  	s4 =	sld [smem:$0x3FAC]  }
0x2a: {  	p0 =	seq.s32 s5, $0x0;
	s5 =	sld [smem:$0x3FAD]  }
0x2b: {  	s6 =	sld [smem:$0x3FAE]  }
0x2c: {  	s7 =	sld [smem:$0x3FAF]  }
0x2d: {  	s3 =	simm.s32 $0x108;
	s8 =	sld [smem:$0x3FB0]  }
0x2e: {  	s3 =	simm.s32 @!p0 $0x1082;
	s9 =	sld [smem:$0x3FB1]  }
0x2f: {  	lr =	sadd.s32 s0, s3;
	s0 =	sld [smem:$0x3FA8]  }
0x30: {  	s3 =	sld [smem:$0x3FAB]  }
0x31: {  	[smem:$0x3FB4] =	sst s10  }
0x32: {  	s10 =	sld [smem:$0x3FB2];
	_ =	sdelay $0x3  }
0x33: {  	p0 =	seq.s32 s10, $0x1;
	s10 =	sld [smem:$0x3FB4];
	_ =	sdelay $0x3  }
0x34: {  	[smem:$0x3FB4] =	sst s10  }
0x35: {  	s10 =	sld [smem:$0x3FB3];
	_ =	sdelay $0x3  }
0x36: {  	p1 =	seq.s32 s10, $0x1;
	s10 =	sld [smem:$0x3FB4];
	_ =	sdelay $0x3  }
0x37: {  	[smem:$0x3FB4] =	sst s10  }
0x38: {  	s10 =	sld [smem:$0x3FB5]  }
0x39: {  	_ = 	snop;
	(pc) =	sbr.ind lr, $3  }
0x3a: {  	_ = 	snop  }
0x3b: {  	_ = 	snop  }
0x3c: {  	p2 =	seq.s32 s10, $0x1;
	s10 =	sld [smem:$0x3FB4]  }
0x3d: {  	_ =	shalt  }
0x3e: {  	_ =	shalt  }
0x3f: {  	_ =	shalt  }
0x40: {  	_ =	shalt  }
0x41: {  	_ =	shalt  }
0x42: {  	_ =	shalt  }
0x43: {  	_ =	shalt  }
0x44: {  	_ =	shalt  }
0x45: {  	_ =	shalt  }
0x46: {  	_ =	shalt  }
0x47: {  	_ =	shalt  }
0x48: {  	_ =	shalt  }
0x49: {  	_ =	shalt  }
0x4a: {  	_ =	shalt  }
0x4b: {  	_ =	shalt  }
0x4c: {  	_ =	shalt  }
0x4d: {  	_ =	shalt  }
0x4e: {  	_ =	shalt  }
0x4f: {  	_ =	shalt  }
0x50: {  	_ =	shalt  }
0x51: {  	_ =	shalt  }
0x52: {  	_ =	shalt  }
0x53: {  	_ =	shalt  }
0x54: {  	_ =	shalt  }
0x55: {  	_ =	shalt  }
0x56: {  	_ =	shalt  }
0x57: {  	_ =	shalt  }
0x58: {  	_ =	shalt  }
0x59: {  	_ =	shalt  }
0x5a: {  	_ =	shalt  }
0x5b: {  	_ =	shalt  }
0x5c: {  	_ =	shalt  }
0x5d: {  	_ =	shalt  }
0x5e: {  	_ =	shalt  }
0x5f: {  	_ =	shalt  }
0x60: {  	_ =	shalt  }
0x61: {  	_ =	shalt  }
0x62: {  	_ =	shalt  }
0x63: {  	_ =	shalt  }
0x64: {  	_ =	shalt  }
0x65: {  	_ =	shalt  }
0x66: {  	_ =	shalt  }
0x67: {  	_ =	shalt  }
0x68: {  	_ =	shalt  }
0x69: {  	_ =	shalt  }
0x6a: {  	_ =	shalt  }
0x6b: {  	_ =	shalt  }
0x6c: {  	_ =	shalt  }
0x6d: {  	_ =	shalt  }
0x6e: {  	_ =	shalt  }
0x6f: {  	_ =	shalt  }
0x70: {  	_ =	shalt  }
0x71: {  	_ =	shalt  }
0x72: {  	_ =	shalt  }
0x73: {  	_ =	shalt  }
0x74: {  	_ =	shalt  }
0x75: {  	_ =	shalt  }
0x76: {  	_ =	shalt  }
0x77: {  	_ =	shalt  }
0x78: {  	_ =	shalt  }
0x79: {  	_ =	shalt  }
0x7a: {  	_ =	shalt  }
0x7b: {  	_ =	shalt  }
0x7c: {  	_ =	shalt  }
0x7d: {  	_ =	shalt  }
0x7e: {  	_ =	shalt  }
0x7f: {  	_ =	shalt  }
0x80: {  	_ =	shalt  }
0x81: {  	_ =	shalt  }
0x82: {  	_ =	shalt  }
0x83: {  	_ =	shalt  }
0x84: {  	_ =	shalt  }
0x85: {  	_ =	shalt  }
0x86: {  	_ =	shalt  }
0x87: {  	_ =	shalt  }
.Lfunc_end0:
.L_simem_size_0:
called_computation.1_lowered:
.L_overlay_start_0:
0x88: {  	s2 =	sld [smem:$0x3FD9]  }
0x89: {  	s3 =	sld [smem:$0x3FFE];
	_ =	sdelay $0x1  }
0x8a: {  	s1 =	srdreg.scid  }
0x8b: {  	s0 =	sand.u32 $0x1, s1  }
0x8c: {  	s17 =	sshll.u32 s0, $0xA;
	s2 =	sadd.s32 s3, s2  }
0x8d: {  	s2 =	sadd.s32 s2, s17  }
0x8e: {  	[smem:$0x3FC0] =	sst s2  }
0x8f: {  	_ = 	snop  }
0x90: {  	s2 =	sld [smem:$0x3FD0];
	(tm) =	ssettm $0x1  }
0x91: {  	s18 =	sld [smem:$0x3FFB];
	_ =	sdelay $0x3  }
0x92: {  	_ =	strace s18  }
0x93: {  	s3 =	sld [smem:$0x3FFC];
	_ =	sdelay $0x3  }
0x94: {  	_ =	strace s3  }
0x95: {  	s3 =	sld [smem:$0x3FFD];
	_ =	sdelay $0x3  }
0x96: {  	_ =	strace s3  }
0x97: {  	_ =	strace $0x8FFFFFFF  }
0x98: {  	s19 =	sld [smem:$0x3FDB];
	_ =	sdelay $0x1  }
0x99: {  	s4 =	simm.s32 $_scs_section_size  }
0x9a: {  	s5 =	simm.s32 $_size__tile_overlayer_lowered;
	s6 =	simm.s32 $_tile_overlayer_lowered  }
0x9b: {  	s22 =	simm.s32 $0x1BFF;
	s21 =	sshll.u32 s6, $0x1;
	s3 =	sadd.s32 s4, s19  }
0x9c: {  	s7 =	simm.s32 $0x0;
	s20 =	sshll.u32 s5, $0x1;
	s5 =	sadd.s32 s21, s3  }
0x9d: {  	[timem:s7], [sflag:s22] =	dma.local [hbm:s5], s20  }
0x9e: {  	_ =	swait.ge [sflag:s22], s20  }
0x9f: {  	s4 =	ssub.s32 $0x0, s20;
	[sflag:s22] =	ssyncset.done $0x0  }
0xa0: {  	[sflag:s22] =	ssyncadd.s32 s4;
	_ =	sdelay $0x1  }
0xa1: {  	s23 =	simm.s32 $0x1B8B  }
0xa2: {  	_ =	swait.ge [sflag:s23], $0x1  }
0xa3: {  	[sflag:s23] =	ssyncset.done $0x0  }
0xa4: {  	s25 =	simm.s32 $0x1B8E;
	s24 =	sld [smem:$0x3FFE];
	[sflag:s23] =	ssyncadd.s32 $0xFFFFFFFF  }
0xa5: {  	s26 =	simm.s32 $execute0_lowered;
	[smem:$0x3FD2] =	sst s25  }
0xa6: {  	s5 =	sshll.u32 s26, $0x1;
	_ =	strace $0x80000049;
	[dreg:$0x1] =	wrdreg $0xFFFFFFFF  }
0xa7: {  	s28 =	simm.s32 $_size_execute0_lowered;
	s3 =	sadd.s32 s3, s5;
	[dreg:$0x0] =	wrdreg $0x0  }
0xa8: {  	s5 =	sshll.u32 s28, $0x1;
	[dreg:$0x2] =	wrdreg s3  }
0xa9: {  	[dreg:$0x3] =	wrdreg s5  }
0xaa: {  	[dreg:$0x4] =	wrdreg $0xC0  }
0xab: {  	_ =	task [dreg:s7], $0x5FFFF  }
0xac: {  	[dreg:$0x1] =	wrdreg $0xFFFFFFFF  }
0xad: {  	[dreg:$0x0] =	wrdreg $0x60  }
0xae: {  	[dreg:$0x2] =	wrdreg s24  }
0xaf: {  	[dreg:$0x3] =	wrdreg s2  }
0xb0: {  	[dreg:$0x4] =	wrdreg $0xB7800  }
0xb1: {  	[dreg:$0x5] =	wrdreg $0x9  }
0xb2: {  	_ =	task.clear_ibuf [dreg:s7], $0x6FFFF;
	_ =	strace $0x90000049  }
0xb3: {  	s29 =	simm.s32 $0x9;
	_ =	strace $0x8000004B  }
0xb4: {  	_ =	swait.ge [sflag:s29], $0x1  }
0xb5: {  	[sflag:s29] =	ssyncadd.s32 $0xFFFFFFFF  }
0xb6: {  	_ =	strace $0x9000004B  }
0xb7: {  	_ =	sfence  }
0xb8: {  	s30 =	sld [smem:$0x0];
	_ =	sdelay $0x2  }
0xb9: {  	s31 =	sshll.u32 s1, $0xD;
	s1 =	sshrl.u32 s1, $0x2  }
0xba: {  	s3 =	sand.u32 $0x4000, s31;
	s1 =	sadd.s32 s1, s30  }
0xbb: {  	s0 =	sor.u32 s3, s0;
	s1 =	sshll.u32 s1, $0x11  }
0xbc: {  	s0 =	sor.u32 s1, s0  }
0xbd: {  	s0 =	sadd.s32 $0x8F2B, s0  }
0xbe: {  	[sflag:s0] =	ssyncadd.remote.s32 $0x1  }
0xbf: {  	_ =	sfence.sel $0xFFFF  }
0xc0: {  	[dreg:$0x0] =	wrdreg $0xFFFFFFFF;
	(pc) =	sbr.abs _section_cstart, $3  }
0xc1: {  	[dreg:$0x1] =	wrdreg $0xFFFFFFFF  }
0xc2: {  	_ =	task.clear_ibuf [dreg:s7], $0x2FFFF;
	_ =	strace $0x9FFFFFFF  }
0xc3: {  	(tm) =	ssettm $0x7FFFFFFF  }
tec
execute0_lowered:
.L_overlay_start_1:
0x0: {  	(tag) =	ssettag $0x1  }
0x1: {  	s0 =	rddreg [dreg:$0x0]  }
0x2: {  	s15 =	rddreg [dreg:$0x1]  }
0x3: {  	s1 =	rddreg [dreg:$0x2];
	s2 =	srdreg.scid;
	s3 =	simm.s32 $0x0  }
0x4: {  	s26 =	stileid.u32;
	s25 =	simm.s32 $0x1;
	s28 =	simm.s32 $0x6580  }
0x5: {  	s29 =	simm.s32 $0x0;
	s13 =	sand.u32 $0x1, s2;
	s5 =	smul.u32 $0x50000, s26  }
0x6: {  	[smem:$0x7FF] =	sst s3;
	s20 =	sadd.s32 $0x12E800, s1;
	s21 =	smul.u32 $0x14000, s26  }
0x7: {  	s14 =	sadd.s32 $0x12C000, s1;
	s22 =	sadd.s32 $0x131000, s1;
	s23 =	sadd.s32 $0x133800, s1  }
0x8: {  	s24 =	sadd.s32 $0x136000, s1;
	p0 =	seq.s32 s26, $0xF;
	s4 =	sshll.u32 s13, $0x4  }
0x9: {  	_ =	strace $0x8000004A;
	s7 =	ssub.s32 $0x2, s13;
	s18 =	smul.u32 $0x138800, s13  }
0xa: {  	s11 =	sor.u32 s26, s4;
	s4 =	sadd.s32 $0x2CE00, s0;
	s30 =	sshrl.u32 s7, $0x1  }
0xb: {  	s5 =	sshrl.u32 s5, $0x2;
	s26 =	simm.s32 $0x2;
	s6 =	sshll.u32 s11, $0xB  }
0xc: {  	s19 =	ssub.s32 s7, s30;
	s5 =	sadd.s32 s5, s1;
	s17 =	smul.u32 $0x4E2, s11  }
0xd: {  	s31 =	sadd.s32 s21, s18;
	s21 =	sadd.s32 $0x138800, s1;
	s18 =	sshrl.u32 s18, $0x3  }
0xe: {  	s16 =	sadd.s32 s6, s0;
	s0 =	sadd.s32 $0x54000, s0;
	s6 =	sadd.s32 $0x2800, s5  }
0xf: {  	s7 =	sadd.s32 $0x5000, s5;
	s8 =	sadd.s32 $0x7800, s5;
	s9 =	sadd.s32 $0xA000, s5  }
0x10: {  	s10 =	sadd.s32 $0xC800, s5;
	s11 =	sadd.s32 $0xF000, s5;
	s12 =	sadd.s32 $0x11800, s5  }
0x11: {  	s13 =	sadd.s32 $0x14000, s5;
	s19 =	smax.u32 s19, $0x1;
	s15 =	sadd.s32 s15, s17  }
0x12: {  	s16 =	sadd.s32 $0x1CE00, s16;
	s17 =	sshrl.u32 s31, $0x3;
	s8 =	smov.u32 @p0 s14  }
0x13: {  	s9 =	smov.u32 @p0 s20;
	s10 =	smov.u32 @p0 s22;
	s11 =	smov.u32 @p0 s23  }
0x14: {  	s12 =	smov.u32 @p0 s24;
	s13 =	smov.u32 @p0 s21;
	s20 =	simm.s32 $0x6780  }
0x15: {  	s21 =	simm.s32 $0x3;
	s17 =	sadd.s32 s0, s17;
	s0 =	sadd.s32 s0, s18  }
0x16: {  	v0 =	vimm.f32 $0.0e+00;
	s23 =	simm.s32 $0x50;
	s24 =	simm.s32 $0x8F80;
	s18 =	sadd.s32 $0x25800, s0  }
.LBB2_1:
0x17: {  	s0 =	sand.u32 $0xFE00, s3  }
0x18: {  	s30 =	sand.u32 $0x70, s3;
	s31 =	sshrl.u32 s0, $0x2  }
0x19: {  	s0 =	simm.s32 $0x40;
	s31 =	sor.u32 s30, s31;
	s30 =	simm.s32 $0x0  }
.LBB2_2:
0x1a: {  	p1 =	sne.s32 s0, $0x9FC0  }
0x1b: {  	[tilespmem:s31+$0x6780] =	vst v0;
	s30 =	sadd.s32 $0x10, s30;
	s31 =	smov.u32 s0;
	s0 =	sadd.s32 $0x40, s0  }
.Ltmp0:
0x1c: {  	(pc) =	sbr.rel @p1 .LBB2_2-.Ltmp0, $4  }
0x1d: {  	_ = 	snop  }
0x1e: {  	s31 =	sand.u32 $0xFE00, s31  }
0x1f: {  	s2 =	sand.u32 $0x70, s30;
	s31 =	sshrl.u32 s31, $0x2  }
0x20: {  	s31 =	sor.u32 s2, s31  }
0x21: {  	[tilespmem:s31+$0x6780] =	vst v0;
	s0 =	simm.s32 @!p0 $0x6780;
	s2 =	simm.s32 @!p0 $0x3  }
0x22: {  	[spmem:s5] =	stream.linear.scatter @!p0 [tilespmem:s0], [sflag:$0x3], $0x2800, $0x38;
	[tilespmem:$0x1F400] =	vst v63  }
0x23: {  	_ =	swait.ge @!p0 [sflag:s2], $0x2800  }
0x24: {  	[sflag:s2] =	ssyncset.done @!p0 $0x0  }
0x25: {  	[sflag:s2] =	ssyncadd.s32 @!p0 $0xFFFFD800  }
0x26: {  	[spmem:s6] =	stream.linear.scatter @!p0 [tilespmem:s0], [sflag:$0x3], $0x2800, $0x38;
	[tilespmem:$0x1F400] =	vst v63  }
0x27: {  	_ =	swait.ge @!p0 [sflag:s2], $0x2800  }
0x28: {  	[sflag:s2] =	ssyncset.done @!p0 $0x0  }
0x29: {  	[sflag:s2] =	ssyncadd.s32 @!p0 $0xFFFFD800  }
0x2a: {  	[spmem:s7] =	stream.linear.scatter @!p0 [tilespmem:s0], [sflag:$0x3], $0x2800, $0x38;
	[tilespmem:$0x1F400] =	vst v63  }
0x2b: {  	_ =	swait.ge @!p0 [sflag:s2], $0x2800  }
0x2c: {  	[sflag:s2] =	ssyncset.done @!p0 $0x0  }
0x2d: {  	[sflag:s2] =	ssyncadd.s32 @!p0 $0xFFFFD800  }
0x2e: {  	[spmem:s8] =	stream.linear.scatter [tilespmem:s20], [sflag:$0x3], $0x2800, $0x38;
	[tilespmem:$0x1F400] =	vst v63  }
0x2f: {  	_ =	swait.ge [sflag:s21], $0x2800  }
0x30: {  	[sflag:s21] =	ssyncset.done $0x0  }
0x31: {  	[sflag:s21] =	ssyncadd.s32 $0xFFFFD800  }
0x32: {  	[spmem:s9] =	stream.linear.scatter [tilespmem:s20], [sflag:$0x3], $0x2800, $0x38;
	[tilespmem:$0x1F400] =	vst v63  }
0x33: {  	_ =	swait.ge [sflag:s21], $0x2800  }
0x34: {  	[sflag:s21] =	ssyncset.done $0x0  }
0x35: {  	[sflag:s21] =	ssyncadd.s32 $0xFFFFD800  }
0x36: {  	[spmem:s10] =	stream.linear.scatter [tilespmem:s20], [sflag:$0x3], $0x2800, $0x38;
	[tilespmem:$0x1F400] =	vst v63  }
0x37: {  	_ =	swait.ge [sflag:s21], $0x2800  }
0x38: {  	[sflag:s21] =	ssyncset.done $0x0  }
0x39: {  	[sflag:s21] =	ssyncadd.s32 $0xFFFFD800  }
0x3a: {  	[spmem:s11] =	stream.linear.scatter [tilespmem:s20], [sflag:$0x3], $0x2800, $0x38;
	[tilespmem:$0x1F400] =	vst v63  }
0x3b: {  	_ =	swait.ge [sflag:s21], $0x2800  }
0x3c: {  	[sflag:s21] =	ssyncset.done $0x0  }
0x3d: {  	[sflag:s21] =	ssyncadd.s32 $0xFFFFD800  }
0x3e: {  	[spmem:s12] =	stream.linear.scatter [tilespmem:s20], [sflag:$0x3], $0x2800, $0x38;
	[tilespmem:$0x1F400] =	vst v63  }
0x3f: {  	_ =	swait.ge [sflag:s21], $0x2800  }
0x40: {  	[sflag:s21] =	ssyncset.done $0x0  }
0x41: {  	[sflag:s21] =	ssyncadd.s32 $0xFFFFD800  }
0x42: {  	[spmem:s13] =	stream.linear.scatter [tilespmem:s20], [sflag:$0x3], $0x0, $0x38;
	[tilespmem:$0x1F400] =	vst v63  }
0x43: {  	_ =	swait.ge [sflag:s21], $0x0  }
0x44: {  	[sflag:s21] =	ssyncset.done $0x0  }
0x45: {  	s0 =	simm.s32 $0x0;
	[bflag:$0x0] =	sbarrier.arrive $0xFFFF  }
0x46: {  	[tilespmem:s0], [sflag:$0x3] =	stream.linear.gather [hbm4b:s15+s0], $0x2710, $0x38;
	[tilespmem:$0x1F400] =	vst v63  }
0x47: {  	_ =	swait.ge [sflag:s21], $0x2710  }
0x48: {  	[sflag:s21] =	ssyncset.done $0x0  }
0x49: {  	s22 =	simm.s32 $0x2780;
	[sflag:s21] =	ssyncadd.s32 $0xFFFFD8F0  }
0x4a: {  	[tilespmem:s22], [sflag:$0x3] =	stream.linear.gather [hbm4b:s16+s0], $0x3E80, $0x38;
	[tilespmem:$0x1F400] =	vst v63  }
0x4b: {  	_ =	swait.ge [sflag:s21], $0x3E80  }
0x4c: {  	[sflag:s21] =	ssyncset.done $0x0  }
0x4d: {  	[sflag:s21] =	ssyncadd.s32 $0xFFFFC180  }
0x4e: {  	[tilespmem:s20], [sflag:$0x1] =	stream.indirect.gather [hbm4b:s4+s23], $0x80, s0, s23, $0xb8;
	[tilespmem:$0x1F400] =	vst v63  }
0x4f: {  	s2 =	simm.s32 $0x50  }
0x50: {  	[tilespmem:s24], [sflag:$0x2] =	stream.indirect.gather [hbm4b:s4+s23], $0x80, s2, s23, $0xb8;
	[tilespmem:$0x1F400] =	vst v63  }
0x51: {  	_ =	swait.ge [sflag:s25], $0x2800  }
0x52: {  	[sflag:s25] =	ssyncset.done $0x0  }
0x53: {  	s22 =	simm.s32 $0x2780;
	[sflag:s25] =	ssyncadd.s32 $0xFFFFD800  }
0x54: {  	[spmem:s1] =	stream.indirect.scatter.add.f32 [tilespmem:s20], [sflag:$0x3], $0x80, s22, s23, $0xb8;
	[tilespmem:$0x1F400] =	vst v63  }
0x55: {  	_ =	swait.ge [sflag:s21], $0x2800  }
0x56: {  	[sflag:s21] =	ssyncset.done $0x0  }
0x57: {  	s2 =	simm.s32 $0xA0;
	[sflag:s21] =	ssyncadd.s32 $0xFFFFD800  }
0x58: {  	[tilespmem:s20], [sflag:$0x1] =	stream.indirect.gather [hbm4b:s4+s23], $0x80, s2, s23, $0xb8;
	[tilespmem:$0x1F400] =	vst v63  }
0x59: {  	_ =	swait.ge [sflag:s26], $0x2800  }
0x5a: {  	[sflag:s26] =	ssyncset.done $0x0  }
0x5b: {  	s22 =	simm.s32 $0x2800;
	[sflag:s26] =	ssyncadd.s32 $0xFFFFD800  }
0x5c: {  	[spmem:s1] =	stream.indirect.scatter.add.f32 [tilespmem:s24], [sflag:$0x3], $0x80, s22, s23, $0xb8;
	[tilespmem:$0x1F400] =	vst v63  }
0x5d: {  	s31 =	simm.s32 $0x400;
	_ =	swait.ge [sflag:s21], $0x2800  }
0x5e: {  	s30 =	simm.s32 $0x140;
	s0 =	simm.s32 $0x800;
	[sflag:s21] =	ssyncset.done $0x0  }
.LBB2_4:
0x5f: {  	p1 =	sne.s32 s0, $0xF400;
	s2 =	sadd.s32 $0xFFFFFFB0, s30;
	[sflag:s21] =	ssyncadd.s32 $0xFFFFD800  }
0x60: {  	[tilespmem:s24], [sflag:$0x2] =	stream.indirect.gather [hbm4b:s4+s23], $0x80, s2, s23, $0xb8;
	[tilespmem:$0x1F400] =	vst v63  }
0x61: {  	s2 =	smov.u32 s0;
	s0 =	sadd.s32 $0x400, s0;
	_ =	swait.ge [sflag:s25], $0x2800  }
0x62: {  	s22 =	sshra.s32 s31, $0x2;
	s31 =	smov.u32 s2;
	[sflag:s25] =	ssyncset.done $0x0  }
0x63: {  	s2 =	sadd.s32 $0x2780, s22;
	[sflag:s25] =	ssyncadd.s32 $0xFFFFD800  }
0x64: {  	[spmem:s1] =	stream.indirect.scatter.add.f32 [tilespmem:s20], [sflag:$0x3], $0x80, s2, s23, $0xb8;
	[tilespmem:$0x1F400] =	vst v63  }
0x65: {  	_ =	swait.ge [sflag:s21], $0x2800  }
0x66: {  	[sflag:s21] =	ssyncset.done $0x0  }
0x67: {  	[sflag:s21] =	ssyncadd.s32 $0xFFFFD800  }
0x68: {  	[tilespmem:s20], [sflag:$0x1] =	stream.indirect.gather [hbm4b:s4+s23], $0x80, s30, s23, $0xb8;
	[tilespmem:$0x1F400] =	vst v63  }
0x69: {  	_ =	swait.ge [sflag:s26], $0x2800  }
.Ltmp1:
0x6a: {  	[sflag:s26] =	ssyncset.done $0x0;
	(pc) =	sbr.rel @p1 .LBB2_4-.Ltmp1, $4  }
0x6b: {  	s2 =	sadd.s32 $0x2800, s22;
	[sflag:s26] =	ssyncadd.s32 $0xFFFFD800  }
0x6c: {  	[spmem:s1] =	stream.indirect.scatter.add.f32 [tilespmem:s24], [sflag:$0x3], $0x80, s2, s23, $0xb8;
	[tilespmem:$0x1F400] =	vst v63  }
0x6d: {  	_ =	swait.ge [sflag:s21], $0x2800  }
0x6e: {  	s30 =	sadd.s32 $0xA0, s30;
	[sflag:s21] =	ssyncset.done $0x0  }
0x6f: {  	s0 =	sadd.s32 $0xFFFFFFB0, s30;
	[sflag:s21] =	ssyncadd.s32 $0xFFFFD800  }
0x70: {  	[tilespmem:s24], [sflag:$0x2] =	stream.indirect.gather [hbm4b:s4+s23], $0x80, s0, s23, $0xb8;
	[tilespmem:$0x1F400] =	vst v63  }
0x71: {  	_ =	swait.ge [sflag:s25], $0x2800  }
0x72: {  	s31 =	sshra.s32 s31, $0x2;
	[sflag:s25] =	ssyncset.done $0x0  }
0x73: {  	s2 =	sadd.s32 $0x2780, s31;
	[sflag:s25] =	ssyncadd.s32 $0xFFFFD800  }
0x74: {  	[spmem:s1] =	stream.indirect.scatter.add.f32 [tilespmem:s20], [sflag:$0x3], $0x80, s2, s23, $0xb8;
	[tilespmem:$0x1F400] =	vst v63  }
0x75: {  	_ =	swait.ge [sflag:s21], $0x2800  }
0x76: {  	[sflag:s21] =	ssyncset.done $0x0  }
0x77: {  	[sflag:s21] =	ssyncadd.s32 $0xFFFFD800  }
0x78: {  	[tilespmem:s20], [sflag:$0x1] =	stream.indirect.gather [hbm4b:s4+s23], $0x80, s30, s23, $0xb8;
	[tilespmem:$0x1F400] =	vst v63  }
0x79: {  	_ =	swait.ge [sflag:s26], $0x2800  }
0x7a: {  	[sflag:s26] =	ssyncset.done $0x0  }
0x7b: {  	s0 =	sadd.s32 $0x2800, s31;
	[sflag:s26] =	ssyncadd.s32 $0xFFFFD800  }
0x7c: {  	[spmem:s1] =	stream.indirect.scatter.add.f32 [tilespmem:s24], [sflag:$0x3], $0x80, s0, s23, $0xb8;
	[tilespmem:$0x1F400] =	vst v63  }
0x7d: {  	_ =	swait.ge [sflag:s21], $0x2800  }
0x7e: {  	[sflag:s21] =	ssyncset.done $0x0  }
0x7f: {  	[sflag:s21] =	ssyncadd.s32 $0xFFFFD800  }
0x80: {  	_ =	swait.ge [sflag:s25], $0x2800  }
0x81: {  	[sflag:s25] =	ssyncset.done $0x0  }
0x82: {  	[sflag:s25] =	ssyncadd.s32 $0xFFFFD800  }
0x83: {  	[spmem:s1] =	stream.indirect.scatter.add.f32 [tilespmem:s20], [sflag:$0x3], $0x80, s28, s23, $0xb8;
	[tilespmem:$0x1F400] =	vst v63  }
0x84: {  	_ =	swait.ge [sflag:s21], $0x2800  }
0x85: {  	[sflag:s21] =	ssyncset.done $0x0  }
0x86: {  	[sflag:s21] =	ssyncadd.s32 $0xFFFFD800  }
0x87: {  	s2 =	simm.s32 @p0 $0x1FC3;
	s0 =	sshrl.u32 @p0 s14, $0x3;
	[bflag:$0x0] =	sbarrier.arrive $0xFFFF  }
0x88: {  	[hbm:s18], [sflag:s2] =	dma.local @p0 [spmem:s0], $0x1900  }
0x89: {  	s0 =	simm.s32 @p0 $0x3  }
0x8a: {  	s29 =	sadd.s32 $0x1, s29;
	s2 =	stileid.u32;
	_ =	swait.ge @p0 [sflag:s0], $0x1900  }
0x8b: {  	p1 =	sne.s32 s29, s19;
	s2 =	sshll.u32 @!p0 s2, $0x6;
	[sflag:s0] =	ssyncset.done @p0 $0x0  }
0x8c: {  	[sflag:s0] =	ssyncadd.s32 @p0 $0xFFFFE700;
	s0 =	sor.u32 @!p0 $0x1C03, s2;
	s2 =	sshrl.u32 @!p0 s5, $0x3  }
0x8d: {  	[hbm:s17], [sflag:s0] =	dma.local @!p0 [spmem:s2], $0x2800  }
.Ltmp2:
0x8e: {  	_ = 	snop;
	(pc) =	sbr.rel @p1 .LBB2_1-.Ltmp2, $4  }
0x8f: {  	s0 =	simm.s32 @!p0 $0x3  }
0x90: {  	_ =	swait.ge @!p0 [sflag:s0], $0x2800  }
0x91: {  	[sflag:s0] =	ssyncset.done @!p0 $0x0  }
0x92: {  	[sflag:s0] =	ssyncadd.s32 @!p0 $0xFFFFD800  }
0x93: {  	_ =	sfence.sel $0x180000  }
0x94: {  	[bflag:$0x0] =	sbarrier.arrive $0xFFFF  }
0x95: {  	_ =	strace $0x9000004A  }
0x96: {  	s0 =	stileid.u32;
	[bflag:$0x2] =	sbarrier.arrive $0xFFFF  }
0x97: {  	p0 =	sne.s32 s0, $0x0;
	s0 =	rddreg [dreg:$0x3]  }
0x98: {  	s0 =	sadd.s32 @!p0 $0x100000, s0  }
0x99: {  	[sflag:s0] =	ssyncadd.tile.s32 @!p0 $0x1;
	_ =	shalt  }
.Lfunc_end2:
_tile_overlayer_lowered:
.L_overlay_start_2:
0x9a: {  	(tag) =	ssettag $0x2  }
0x9b: {  	s0 =	rddreg [dreg:$0x0];
	s2 =	stileid.u32  }
0x9c: {  	s1 =	rddreg [dreg:$0x1];
	p0 =	sne.s32 s2, $0x0  }
0x9d: {  	s3 =	rddreg [dreg:$0x2];
	[bflag:$0x3] =	sbarrier.arrive $0xFFFF;
	s2 =	simm.s32 @!p0 $0x1C03  }
0x9e: {  	[timem:s3], [sflag:s2] =	dma.local @!p0 [hbm:s0], s1  }
0x9f: {  	s0 =	simm.s32 @!p0 $0x3  }
0xa0: {  	_ =	swait.ge @!p0 [sflag:s0], s1  }
0xa1: {  	s1 =	ssub.s32 @!p0 $0x0, s1;
	[sflag:s0] =	ssyncset.done @!p0 $0x0  }
0xa2: {  	[sflag:s0] =	ssyncadd.s32 @!p0 s1  }
0xa3: {  	[bflag:$0x3] =	sbarrier.arrive $0xFFFF  }
0xa4: {  	_ =	shalt  }

// kernel: kernel.16.cloned.1.call-start
scs
__scs_entry_jumppad:
0x0: {  	(pc) =	sbr.rel $0x88, $3  }
0x1: {  	(tag) =	ssettag $0x0;
	lr =	simm.s32 $0x1  }
0x2: {  	[smem:$0x3F99] =	sst lr;
	_ =	strace $0xD0000000  }
0x3: {  	_ = 	snop  }
0x4: {  	_ = 	snop  }
0x5: {  	_ = 	snop  }
0x6: {  	_ = 	snop  }
0x7: {  	_ = 	snop  }
__scs_overlays_trampoline_lowered:
0x8: {  	[smem:$0x3FA8] =	sst s0  }
0x9: {  	[smem:$0x3FA9] =	sst s1  }
0xa: {  	[smem:$0x3FAA] =	sst s2  }
0xb: {  	[smem:$0x3FAB] =	sst s3  }
0xc: {  	[smem:$0x3FAC] =	sst s4  }
0xd: {  	[smem:$0x3FAD] =	sst s5  }
0xe: {  	[smem:$0x3FAE] =	sst s6  }
0xf: {  	[smem:$0x3FAF] =	sst s7  }
0x10: {  	[smem:$0x3FB0] =	sst s8  }
0x11: {  	[smem:$0x3FB1] =	sst s9;
	s0 =	simm.s32 @!p0 $0x0  }
0x12: {  	s1 =	sld [smem:$0x3F97];
	s0 =	simm.s32 @p0 $0x1  }
0x13: {  	[smem:$0x3FB2] =	sst s0;
	s0 =	simm.s32 @!p1 $0x0  }
0x14: {  	s2 =	sld [smem:$0x3F96];
	s0 =	simm.s32 @p1 $0x1  }
0x15: {  	[smem:$0x3FB3] =	sst s0;
	s0 =	simm.s32 @!p2 $0x0  }
0x16: {  	s3 =	sld [smem:$0x3FDB];
	s0 =	simm.s32 @p2 $0x1  }
0x17: {  	s4 =	simm.s32 $0x1BF5;
	[smem:$0x3FB5] =	sst s0  }
0x18: {  	s0 =	sld [smem:$0x3F98];
	_ =	swait.ge [sflag:s4], $0x0  }
0x19: {  	s7 =	sld [smem:$0x3F99]  }
0x1a: {  	s8 =	sadd.s32 $0xFFFFE003, lr  }
0x1b: {  	s9 =	sadd.s32 $0xFFFFFEF7, lr;
	s5 =	simm.s32 $0xFFFFFFFF;
	p2 =	slt.u32 s8, $0xFFFFF086  }
0x1c: {  	p1 =	slt.u32 s9, $0xF7A;
	s5 =	simm.s32 @!p2 $0x0  }
0x1d: {  	s5 =	simm.s32 @p1 $0x1;
	p0 =	seq.s32 s7, s2  }
0x1e: {  	s7 =	smul.u32 @!p0 $0xF7A, s2;
	p2 =	seq.s32 @!p0 s5, $0x0  }
0x1f: {  	s9 =	smul.u32 $0xF7A, s1;
	s8 =	simm.s32 @!p0 $0x1BF5;
	p2 =	por !p2, p0  }
0x20: {  	[sflag:s8] =	ssyncset.s32 @!p0 $0xFFFFF086;
	s6 =	sadd.s32 @!p0 s3, s7;
	s7 =	simm.s32 @!p0 $0x108  }
0x21: {  	s3 =	sadd.s32 s3, s9;
	s6 =	sadd.s32 @!p0 $0x88, s6;
	s7 =	simm.s32 @p2 $0x1082  }
0x22: {  	[simem:s7], [sflag:s8] =	dma.local @!p0 [hbm:s6], $0xF7A  }
0x23: {  	s9 =	sor.u32 $0xD0000000, s2;
	s6 =	simm.s32 $0x108;
	_ =	swait.ge @!p0 [sflag:s8], $0x0  }
0x24: {  	s3 =	sadd.s32 $0x88, s3;
	s6 =	simm.s32 @!p1 $0x1082;
	[sflag:s4] =	ssyncset.s32 $0xFFFFF086  }
0x25: {  	[simem:s6], [sflag:s4] =	dma.local [hbm:s3], $0xF7A  }
0x26: {  	[smem:$0x3F99] =	sst s1;
	(tag) =	ssettag s2;
	_ =	strace s9  }
0x27: {  	s1 =	sld [smem:$0x3FA9]  }
0x28: {  	s2 =	sld [smem:$0x3FAA]  }
0x29: {  	s4 =	sld [smem:$0x3FAC]  }
0x2a: {  	p0 =	seq.s32 s5, $0x0;
	s5 =	sld [smem:$0x3FAD]  }
0x2b: {  	s6 =	sld [smem:$0x3FAE]  }
0x2c: {  	s7 =	sld [smem:$0x3FAF]  }
0x2d: {  	s3 =	simm.s32 $0x108;
	s8 =	sld [smem:$0x3FB0]  }
0x2e: {  	s3 =	simm.s32 @!p0 $0x1082;
	s9 =	sld [smem:$0x3FB1]  }
0x2f: {  	lr =	sadd.s32 s0, s3;
	s0 =	sld [smem:$0x3FA8]  }
0x30: {  	s3 =	sld [smem:$0x3FAB]  }
0x31: {  	[smem:$0x3FB4] =	sst s10  }
0x32: {  	s10 =	sld [smem:$0x3FB2];
	_ =	sdelay $0x3  }
0x33: {  	p0 =	seq.s32 s10, $0x1;
	s10 =	sld [smem:$0x3FB4];
	_ =	sdelay $0x3  }
0x34: {  	[smem:$0x3FB4] =	sst s10  }
0x35: {  	s10 =	sld [smem:$0x3FB3];
	_ =	sdelay $0x3  }
0x36: {  	p1 =	seq.s32 s10, $0x1;
	s10 =	sld [smem:$0x3FB4];
	_ =	sdelay $0x3  }
0x37: {  	[smem:$0x3FB4] =	sst s10  }
0x38: {  	s10 =	sld [smem:$0x3FB5]  }
0x39: {  	_ = 	snop;
	(pc) =	sbr.ind lr, $3  }
0x3a: {  	_ = 	snop  }
0x3b: {  	_ = 	snop  }
0x3c: {  	p2 =	seq.s32 s10, $0x1;
	s10 =	sld [smem:$0x3FB4]  }
0x3d: {  	_ =	shalt  }
0x3e: {  	_ =	shalt  }
0x3f: {  	_ =	shalt  }
0x40: {  	_ =	shalt  }
0x41: {  	_ =	shalt  }
0x42: {  	_ =	shalt  }
0x43: {  	_ =	shalt  }
0x44: {  	_ =	shalt  }
0x45: {  	_ =	shalt  }
0x46: {  	_ =	shalt  }
0x47: {  	_ =	shalt  }
0x48: {  	_ =	shalt  }
0x49: {  	_ =	shalt  }
0x4a: {  	_ =	shalt  }
0x4b: {  	_ =	shalt  }
0x4c: {  	_ =	shalt  }
0x4d: {  	_ =	shalt  }
0x4e: {  	_ =	shalt  }
0x4f: {  	_ =	shalt  }
0x50: {  	_ =	shalt  }
0x51: {  	_ =	shalt  }
0x52: {  	_ =	shalt  }
0x53: {  	_ =	shalt  }
0x54: {  	_ =	shalt  }
0x55: {  	_ =	shalt  }
0x56: {  	_ =	shalt  }
0x57: {  	_ =	shalt  }
0x58: {  	_ =	shalt  }
0x59: {  	_ =	shalt  }
0x5a: {  	_ =	shalt  }
0x5b: {  	_ =	shalt  }
0x5c: {  	_ =	shalt  }
0x5d: {  	_ =	shalt  }
0x5e: {  	_ =	shalt  }
0x5f: {  	_ =	shalt  }
0x60: {  	_ =	shalt  }
0x61: {  	_ =	shalt  }
0x62: {  	_ =	shalt  }
0x63: {  	_ =	shalt  }
0x64: {  	_ =	shalt  }
0x65: {  	_ =	shalt  }
0x66: {  	_ =	shalt  }
0x67: {  	_ =	shalt  }
0x68: {  	_ =	shalt  }
0x69: {  	_ =	shalt  }
0x6a: {  	_ =	shalt  }
0x6b: {  	_ =	shalt  }
0x6c: {  	_ =	shalt  }
0x6d: {  	_ =	shalt  }
0x6e: {  	_ =	shalt  }
0x6f: {  	_ =	shalt  }
0x70: {  	_ =	shalt  }
0x71: {  	_ =	shalt  }
0x72: {  	_ =	shalt  }
0x73: {  	_ =	shalt  }
0x74: {  	_ =	shalt  }
0x75: {  	_ =	shalt  }
0x76: {  	_ =	shalt  }
0x77: {  	_ =	shalt  }
0x78: {  	_ =	shalt  }
0x79: {  	_ =	shalt  }
0x7a: {  	_ =	shalt  }
0x7b: {  	_ =	shalt  }
0x7c: {  	_ =	shalt  }
0x7d: {  	_ =	shalt  }
0x7e: {  	_ =	shalt  }
0x7f: {  	_ =	shalt  }
0x80: {  	_ =	shalt  }
0x81: {  	_ =	shalt  }
0x82: {  	_ =	shalt  }
0x83: {  	_ =	shalt  }
0x84: {  	_ =	shalt  }
0x85: {  	_ =	shalt  }
0x86: {  	_ =	shalt  }
0x87: {  	_ =	shalt  }
.Lfunc_end0:
.L_simem_size_0:
called_computation.2_lowered:
.L_overlay_start_0:
0x88: {  	s2 =	sld [smem:$0x3FD9]  }
0x89: {  	s3 =	sld [smem:$0x3FFE];
	_ =	sdelay $0x1  }
0x8a: {  	s1 =	srdreg.scid  }
0x8b: {  	s0 =	sand.u32 $0x1, s1  }
0x8c: {  	s17 =	sshll.u32 s0, $0xA;
	s2 =	sadd.s32 s3, s2  }
0x8d: {  	s2 =	sadd.s32 s2, s17  }
0x8e: {  	[smem:$0x3FC0] =	sst s2  }
0x8f: {  	_ = 	snop  }
0x90: {  	s2 =	sld [smem:$0x3FD0];
	(tm) =	ssettm $0x1  }
0x91: {  	s18 =	sld [smem:$0x3FFB];
	_ =	sdelay $0x3  }
0x92: {  	_ =	strace s18  }
0x93: {  	s3 =	sld [smem:$0x3FFC];
	_ =	sdelay $0x3  }
0x94: {  	_ =	strace s3  }
0x95: {  	s3 =	sld [smem:$0x3FFD];
	_ =	sdelay $0x3  }
0x96: {  	_ =	strace s3  }
0x97: {  	_ =	strace $0x8FFFFFFF  }
0x98: {  	s19 =	sld [smem:$0x3FDB];
	_ =	sdelay $0x1  }
0x99: {  	s4 =	simm.s32 $_scs_section_size  }
0x9a: {  	s5 =	simm.s32 $_size__tile_overlayer_lowered;
	s6 =	simm.s32 $_tile_overlayer_lowered  }
0x9b: {  	s22 =	simm.s32 $0x1BFF;
	s21 =	sshll.u32 s6, $0x1;
	s3 =	sadd.s32 s4, s19  }
0x9c: {  	s7 =	simm.s32 $0x0;
	s20 =	sshll.u32 s5, $0x1;
	s5 =	sadd.s32 s21, s3  }
0x9d: {  	[timem:s7], [sflag:s22] =	dma.local [hbm:s5], s20  }
0x9e: {  	_ =	swait.ge [sflag:s22], s20  }
0x9f: {  	s4 =	ssub.s32 $0x0, s20;
	[sflag:s22] =	ssyncset.done $0x0  }
0xa0: {  	[sflag:s22] =	ssyncadd.s32 s4;
	_ =	sdelay $0x1  }
0xa1: {  	s23 =	simm.s32 $0x1B8B  }
0xa2: {  	_ =	swait.ge [sflag:s23], $0x1  }
0xa3: {  	[sflag:s23] =	ssyncset.done $0x0  }
0xa4: {  	s25 =	simm.s32 $0x1B8E;
	s24 =	sld [smem:$0x3FFE];
	[sflag:s23] =	ssyncadd.s32 $0xFFFFFFFF  }
0xa5: {  	s26 =	simm.s32 $execute0_lowered;
	[smem:$0x3FD2] =	sst s25  }
0xa6: {  	s5 =	sshll.u32 s26, $0x1;
	_ =	strace $0x8000004C;
	[dreg:$0x1] =	wrdreg $0xFFFFFFFF  }
0xa7: {  	s28 =	simm.s32 $_size_execute0_lowered;
	s3 =	sadd.s32 s3, s5;
	[dreg:$0x0] =	wrdreg $0x0  }
0xa8: {  	s5 =	sshll.u32 s28, $0x1;
	[dreg:$0x2] =	wrdreg s3  }
0xa9: {  	[dreg:$0x3] =	wrdreg s5  }
0xaa: {  	[dreg:$0x4] =	wrdreg $0xC0  }
0xab: {  	_ =	task [dreg:s7], $0x5FFFF  }
0xac: {  	[dreg:$0x1] =	wrdreg $0xFFFFFFFF  }
0xad: {  	[dreg:$0x0] =	wrdreg $0x60  }
0xae: {  	[dreg:$0x2] =	wrdreg s24  }
0xaf: {  	[dreg:$0x3] =	wrdreg s2  }
0xb0: {  	[dreg:$0x4] =	wrdreg $0xB7800  }
0xb1: {  	[dreg:$0x5] =	wrdreg $0x9  }
0xb2: {  	_ =	task.clear_ibuf [dreg:s7], $0x6FFFF;
	_ =	strace $0x9000004C  }
0xb3: {  	s29 =	simm.s32 $0x9;
	_ =	strace $0x8000004E  }
0xb4: {  	_ =	swait.ge [sflag:s29], $0x1  }
0xb5: {  	[sflag:s29] =	ssyncadd.s32 $0xFFFFFFFF  }
0xb6: {  	_ =	strace $0x9000004E  }
0xb7: {  	_ =	sfence  }
0xb8: {  	s30 =	sld [smem:$0x0];
	_ =	sdelay $0x2  }
0xb9: {  	s31 =	sshll.u32 s1, $0xD;
	s1 =	sshrl.u32 s1, $0x2  }
0xba: {  	s3 =	sand.u32 $0x4000, s31;
	s1 =	sadd.s32 s1, s30  }
0xbb: {  	s0 =	sor.u32 s3, s0;
	s1 =	sshll.u32 s1, $0x11  }
0xbc: {  	s0 =	sor.u32 s1, s0  }
0xbd: {  	s0 =	sadd.s32 $0x8F2B, s0  }
0xbe: {  	[sflag:s0] =	ssyncadd.remote.s32 $0x1  }
0xbf: {  	_ =	sfence.sel $0xFFFF  }
0xc0: {  	[dreg:$0x0] =	wrdreg $0xFFFFFFFF;
	(pc) =	sbr.abs _section_cstart, $3  }
0xc1: {  	[dreg:$0x1] =	wrdreg $0xFFFFFFFF  }
0xc2: {  	_ =	task.clear_ibuf [dreg:s7], $0x2FFFF;
	_ =	strace $0x9FFFFFFF  }
0xc3: {  	(tm) =	ssettm $0x7FFFFFFF  }
tec
execute0_lowered:
.L_overlay_start_1:
0x0: {  	(tag) =	ssettag $0x1  }
0x1: {  	s0 =	rddreg [dreg:$0x0]  }
0x2: {  	s15 =	rddreg [dreg:$0x1]  }
0x3: {  	s1 =	rddreg [dreg:$0x2];
	s2 =	srdreg.scid;
	s3 =	simm.s32 $0x0  }
0x4: {  	s26 =	stileid.u32;
	s25 =	simm.s32 $0x1;
	s28 =	simm.s32 $0x6580  }
0x5: {  	s29 =	simm.s32 $0x0;
	s13 =	sand.u32 $0x1, s2;
	s5 =	smul.u32 $0x50000, s26  }
0x6: {  	[smem:$0x7FF] =	sst s3;
	s20 =	sadd.s32 $0x12E800, s1;
	s21 =	smul.u32 $0x14000, s26  }
0x7: {  	s14 =	sadd.s32 $0x12C000, s1;
	s22 =	sadd.s32 $0x131000, s1;
	s23 =	sadd.s32 $0x133800, s1  }
0x8: {  	s24 =	sadd.s32 $0x136000, s1;
	p0 =	seq.s32 s26, $0xF;
	s4 =	sshll.u32 s13, $0x4  }
0x9: {  	_ =	strace $0x8000004D;
	s7 =	ssub.s32 $0x2, s13;
	s18 =	smul.u32 $0x138800, s13  }
0xa: {  	s11 =	sor.u32 s26, s4;
	s4 =	sadd.s32 $0x2CE00, s0;
	s30 =	sshrl.u32 s7, $0x1  }
0xb: {  	s5 =	sshrl.u32 s5, $0x2;
	s26 =	simm.s32 $0x2;
	s6 =	sshll.u32 s11, $0xB  }
0xc: {  	s19 =	ssub.s32 s7, s30;
	s5 =	sadd.s32 s5, s1;
	s17 =	smul.u32 $0x4E2, s11  }
0xd: {  	s31 =	sadd.s32 s21, s18;
	s21 =	sadd.s32 $0x138800, s1;
	s18 =	sshrl.u32 s18, $0x3  }
0xe: {  	s16 =	sadd.s32 s6, s0;
	s0 =	sadd.s32 $0x54000, s0;
	s6 =	sadd.s32 $0x2800, s5  }
0xf: {  	s7 =	sadd.s32 $0x5000, s5;
	s8 =	sadd.s32 $0x7800, s5;
	s9 =	sadd.s32 $0xA000, s5  }
0x10: {  	s10 =	sadd.s32 $0xC800, s5;
	s11 =	sadd.s32 $0xF000, s5;
	s12 =	sadd.s32 $0x11800, s5  }
0x11: {  	s13 =	sadd.s32 $0x14000, s5;
	s19 =	smax.u32 s19, $0x1;
	s15 =	sadd.s32 s15, s17  }
0x12: {  	s16 =	sadd.s32 $0x1CE00, s16;
	s17 =	sshrl.u32 s31, $0x3;
	s8 =	smov.u32 @p0 s14  }
0x13: {  	s9 =	smov.u32 @p0 s20;
	s10 =	smov.u32 @p0 s22;
	s11 =	smov.u32 @p0 s23  }
0x14: {  	s12 =	smov.u32 @p0 s24;
	s13 =	smov.u32 @p0 s21;
	s20 =	simm.s32 $0x6780  }
0x15: {  	s21 =	simm.s32 $0x3;
	s17 =	sadd.s32 s0, s17;
	s0 =	sadd.s32 s0, s18  }
0x16: {  	v0 =	vimm.f32 $0.0e+00;
	s23 =	simm.s32 $0x50;
	s24 =	simm.s32 $0x8F80;
	s18 =	sadd.s32 $0x25800, s0  }
.LBB2_1:
0x17: {  	s0 =	sand.u32 $0xFE00, s3  }
0x18: {  	s30 =	sand.u32 $0x70, s3;
	s31 =	sshrl.u32 s0, $0x2  }
0x19: {  	s0 =	simm.s32 $0x40;
	s31 =	sor.u32 s30, s31;
	s30 =	simm.s32 $0x0  }
.LBB2_2:
0x1a: {  	p1 =	sne.s32 s0, $0x9FC0  }
0x1b: {  	[tilespmem:s31+$0x6780] =	vst v0;
	s30 =	sadd.s32 $0x10, s30;
	s31 =	smov.u32 s0;
	s0 =	sadd.s32 $0x40, s0  }
.Ltmp0:
0x1c: {  	(pc) =	sbr.rel @p1 .LBB2_2-.Ltmp0, $4  }
0x1d: {  	_ = 	snop  }
0x1e: {  	s31 =	sand.u32 $0xFE00, s31  }
0x1f: {  	s2 =	sand.u32 $0x70, s30;
	s31 =	sshrl.u32 s31, $0x2  }
0x20: {  	s31 =	sor.u32 s2, s31  }
0x21: {  	[tilespmem:s31+$0x6780] =	vst v0;
	s0 =	simm.s32 @!p0 $0x6780;
	s2 =	simm.s32 @!p0 $0x3  }
0x22: {  	[spmem:s5] =	stream.linear.scatter @!p0 [tilespmem:s0], [sflag:$0x3], $0x2800, $0x38;
	[tilespmem:$0x1F400] =	vst v63  }
0x23: {  	_ =	swait.ge @!p0 [sflag:s2], $0x2800  }
0x24: {  	[sflag:s2] =	ssyncset.done @!p0 $0x0  }
0x25: {  	[sflag:s2] =	ssyncadd.s32 @!p0 $0xFFFFD800  }
0x26: {  	[spmem:s6] =	stream.linear.scatter @!p0 [tilespmem:s0], [sflag:$0x3], $0x2800, $0x38;
	[tilespmem:$0x1F400] =	vst v63  }
0x27: {  	_ =	swait.ge @!p0 [sflag:s2], $0x2800  }
0x28: {  	[sflag:s2] =	ssyncset.done @!p0 $0x0  }
0x29: {  	[sflag:s2] =	ssyncadd.s32 @!p0 $0xFFFFD800  }
0x2a: {  	[spmem:s7] =	stream.linear.scatter @!p0 [tilespmem:s0], [sflag:$0x3], $0x2800, $0x38;
	[tilespmem:$0x1F400] =	vst v63  }
0x2b: {  	_ =	swait.ge @!p0 [sflag:s2], $0x2800  }
0x2c: {  	[sflag:s2] =	ssyncset.done @!p0 $0x0  }
0x2d: {  	[sflag:s2] =	ssyncadd.s32 @!p0 $0xFFFFD800  }
0x2e: {  	[spmem:s8] =	stream.linear.scatter [tilespmem:s20], [sflag:$0x3], $0x2800, $0x38;
	[tilespmem:$0x1F400] =	vst v63  }
0x2f: {  	_ =	swait.ge [sflag:s21], $0x2800  }
0x30: {  	[sflag:s21] =	ssyncset.done $0x0  }
0x31: {  	[sflag:s21] =	ssyncadd.s32 $0xFFFFD800  }
0x32: {  	[spmem:s9] =	stream.linear.scatter [tilespmem:s20], [sflag:$0x3], $0x2800, $0x38;
	[tilespmem:$0x1F400] =	vst v63  }
0x33: {  	_ =	swait.ge [sflag:s21], $0x2800  }
0x34: {  	[sflag:s21] =	ssyncset.done $0x0  }
0x35: {  	[sflag:s21] =	ssyncadd.s32 $0xFFFFD800  }
0x36: {  	[spmem:s10] =	stream.linear.scatter [tilespmem:s20], [sflag:$0x3], $0x2800, $0x38;
	[tilespmem:$0x1F400] =	vst v63  }
0x37: {  	_ =	swait.ge [sflag:s21], $0x2800  }
0x38: {  	[sflag:s21] =	ssyncset.done $0x0  }
0x39: {  	[sflag:s21] =	ssyncadd.s32 $0xFFFFD800  }
0x3a: {  	[spmem:s11] =	stream.linear.scatter [tilespmem:s20], [sflag:$0x3], $0x2800, $0x38;
	[tilespmem:$0x1F400] =	vst v63  }
0x3b: {  	_ =	swait.ge [sflag:s21], $0x2800  }
0x3c: {  	[sflag:s21] =	ssyncset.done $0x0  }
0x3d: {  	[sflag:s21] =	ssyncadd.s32 $0xFFFFD800  }
0x3e: {  	[spmem:s12] =	stream.linear.scatter [tilespmem:s20], [sflag:$0x3], $0x2800, $0x38;
	[tilespmem:$0x1F400] =	vst v63  }
0x3f: {  	_ =	swait.ge [sflag:s21], $0x2800  }
0x40: {  	[sflag:s21] =	ssyncset.done $0x0  }
0x41: {  	[sflag:s21] =	ssyncadd.s32 $0xFFFFD800  }
0x42: {  	[spmem:s13] =	stream.linear.scatter [tilespmem:s20], [sflag:$0x3], $0x0, $0x38;
	[tilespmem:$0x1F400] =	vst v63  }
0x43: {  	_ =	swait.ge [sflag:s21], $0x0  }
0x44: {  	[sflag:s21] =	ssyncset.done $0x0  }
0x45: {  	s0 =	simm.s32 $0x0;
	[bflag:$0x0] =	sbarrier.arrive $0xFFFF  }
0x46: {  	[tilespmem:s0], [sflag:$0x3] =	stream.linear.gather [hbm4b:s15+s0], $0x2710, $0x38;
	[tilespmem:$0x1F400] =	vst v63  }
0x47: {  	_ =	swait.ge [sflag:s21], $0x2710  }
0x48: {  	[sflag:s21] =	ssyncset.done $0x0  }
0x49: {  	s22 =	simm.s32 $0x2780;
	[sflag:s21] =	ssyncadd.s32 $0xFFFFD8F0  }
0x4a: {  	[tilespmem:s22], [sflag:$0x3] =	stream.linear.gather [hbm4b:s16+s0], $0x3E80, $0x38;
	[tilespmem:$0x1F400] =	vst v63  }
0x4b: {  	_ =	swait.ge [sflag:s21], $0x3E80  }
0x4c: {  	[sflag:s21] =	ssyncset.done $0x0  }
0x4d: {  	[sflag:s21] =	ssyncadd.s32 $0xFFFFC180  }
0x4e: {  	[tilespmem:s20], [sflag:$0x1] =	stream.indirect.gather [hbm4b:s4+s23], $0x80, s0, s23, $0xb8;
	[tilespmem:$0x1F400] =	vst v63  }
0x4f: {  	s2 =	simm.s32 $0x50  }
0x50: {  	[tilespmem:s24], [sflag:$0x2] =	stream.indirect.gather [hbm4b:s4+s23], $0x80, s2, s23, $0xb8;
	[tilespmem:$0x1F400] =	vst v63  }
0x51: {  	_ =	swait.ge [sflag:s25], $0x2800  }
0x52: {  	[sflag:s25] =	ssyncset.done $0x0  }
0x53: {  	s22 =	simm.s32 $0x2780;
	[sflag:s25] =	ssyncadd.s32 $0xFFFFD800  }
0x54: {  	[spmem:s1] =	stream.indirect.scatter.add.f32 [tilespmem:s20], [sflag:$0x3], $0x80, s22, s23, $0xb8;
	[tilespmem:$0x1F400] =	vst v63  }
0x55: {  	_ =	swait.ge [sflag:s21], $0x2800  }
0x56: {  	[sflag:s21] =	ssyncset.done $0x0  }
0x57: {  	s2 =	simm.s32 $0xA0;
	[sflag:s21] =	ssyncadd.s32 $0xFFFFD800  }
0x58: {  	[tilespmem:s20], [sflag:$0x1] =	stream.indirect.gather [hbm4b:s4+s23], $0x80, s2, s23, $0xb8;
	[tilespmem:$0x1F400] =	vst v63  }
0x59: {  	_ =	swait.ge [sflag:s26], $0x2800  }
0x5a: {  	[sflag:s26] =	ssyncset.done $0x0  }
0x5b: {  	s22 =	simm.s32 $0x2800;
	[sflag:s26] =	ssyncadd.s32 $0xFFFFD800  }
0x5c: {  	[spmem:s1] =	stream.indirect.scatter.add.f32 [tilespmem:s24], [sflag:$0x3], $0x80, s22, s23, $0xb8;
	[tilespmem:$0x1F400] =	vst v63  }
0x5d: {  	s31 =	simm.s32 $0x400;
	_ =	swait.ge [sflag:s21], $0x2800  }
0x5e: {  	s30 =	simm.s32 $0x140;
	s0 =	simm.s32 $0x800;
	[sflag:s21] =	ssyncset.done $0x0  }
.LBB2_4:
0x5f: {  	p1 =	sne.s32 s0, $0xF400;
	s2 =	sadd.s32 $0xFFFFFFB0, s30;
	[sflag:s21] =	ssyncadd.s32 $0xFFFFD800  }
0x60: {  	[tilespmem:s24], [sflag:$0x2] =	stream.indirect.gather [hbm4b:s4+s23], $0x80, s2, s23, $0xb8;
	[tilespmem:$0x1F400] =	vst v63  }
0x61: {  	s2 =	smov.u32 s0;
	s0 =	sadd.s32 $0x400, s0;
	_ =	swait.ge [sflag:s25], $0x2800  }
0x62: {  	s22 =	sshra.s32 s31, $0x2;
	s31 =	smov.u32 s2;
	[sflag:s25] =	ssyncset.done $0x0  }
0x63: {  	s2 =	sadd.s32 $0x2780, s22;
	[sflag:s25] =	ssyncadd.s32 $0xFFFFD800  }
0x64: {  	[spmem:s1] =	stream.indirect.scatter.add.f32 [tilespmem:s20], [sflag:$0x3], $0x80, s2, s23, $0xb8;
	[tilespmem:$0x1F400] =	vst v63  }
0x65: {  	_ =	swait.ge [sflag:s21], $0x2800  }
0x66: {  	[sflag:s21] =	ssyncset.done $0x0  }
0x67: {  	[sflag:s21] =	ssyncadd.s32 $0xFFFFD800  }
0x68: {  	[tilespmem:s20], [sflag:$0x1] =	stream.indirect.gather [hbm4b:s4+s23], $0x80, s30, s23, $0xb8;
	[tilespmem:$0x1F400] =	vst v63  }
0x69: {  	_ =	swait.ge [sflag:s26], $0x2800  }
.Ltmp1:
0x6a: {  	[sflag:s26] =	ssyncset.done $0x0;
	(pc) =	sbr.rel @p1 .LBB2_4-.Ltmp1, $4  }
0x6b: {  	s2 =	sadd.s32 $0x2800, s22;
	[sflag:s26] =	ssyncadd.s32 $0xFFFFD800  }
0x6c: {  	[spmem:s1] =	stream.indirect.scatter.add.f32 [tilespmem:s24], [sflag:$0x3], $0x80, s2, s23, $0xb8;
	[tilespmem:$0x1F400] =	vst v63  }
0x6d: {  	_ =	swait.ge [sflag:s21], $0x2800  }
0x6e: {  	s30 =	sadd.s32 $0xA0, s30;
	[sflag:s21] =	ssyncset.done $0x0  }
0x6f: {  	s0 =	sadd.s32 $0xFFFFFFB0, s30;
	[sflag:s21] =	ssyncadd.s32 $0xFFFFD800  }
0x70: {  	[tilespmem:s24], [sflag:$0x2] =	stream.indirect.gather [hbm4b:s4+s23], $0x80, s0, s23, $0xb8;
	[tilespmem:$0x1F400] =	vst v63  }
0x71: {  	_ =	swait.ge [sflag:s25], $0x2800  }
0x72: {  	s31 =	sshra.s32 s31, $0x2;
	[sflag:s25] =	ssyncset.done $0x0  }
0x73: {  	s2 =	sadd.s32 $0x2780, s31;
	[sflag:s25] =	ssyncadd.s32 $0xFFFFD800  }
0x74: {  	[spmem:s1] =	stream.indirect.scatter.add.f32 [tilespmem:s20], [sflag:$0x3], $0x80, s2, s23, $0xb8;
	[tilespmem:$0x1F400] =	vst v63  }
0x75: {  	_ =	swait.ge [sflag:s21], $0x2800  }
0x76: {  	[sflag:s21] =	ssyncset.done $0x0  }
0x77: {  	[sflag:s21] =	ssyncadd.s32 $0xFFFFD800  }
0x78: {  	[tilespmem:s20], [sflag:$0x1] =	stream.indirect.gather [hbm4b:s4+s23], $0x80, s30, s23, $0xb8;
	[tilespmem:$0x1F400] =	vst v63  }
0x79: {  	_ =	swait.ge [sflag:s26], $0x2800  }
0x7a: {  	[sflag:s26] =	ssyncset.done $0x0  }
0x7b: {  	s0 =	sadd.s32 $0x2800, s31;
	[sflag:s26] =	ssyncadd.s32 $0xFFFFD800  }
0x7c: {  	[spmem:s1] =	stream.indirect.scatter.add.f32 [tilespmem:s24], [sflag:$0x3], $0x80, s0, s23, $0xb8;
	[tilespmem:$0x1F400] =	vst v63  }
0x7d: {  	_ =	swait.ge [sflag:s21], $0x2800  }
0x7e: {  	[sflag:s21] =	ssyncset.done $0x0  }
0x7f: {  	[sflag:s21] =	ssyncadd.s32 $0xFFFFD800  }
0x80: {  	_ =	swait.ge [sflag:s25], $0x2800  }
0x81: {  	[sflag:s25] =	ssyncset.done $0x0  }
0x82: {  	[sflag:s25] =	ssyncadd.s32 $0xFFFFD800  }
0x83: {  	[spmem:s1] =	stream.indirect.scatter.add.f32 [tilespmem:s20], [sflag:$0x3], $0x80, s28, s23, $0xb8;
	[tilespmem:$0x1F400] =	vst v63  }
0x84: {  	_ =	swait.ge [sflag:s21], $0x2800  }
0x85: {  	[sflag:s21] =	ssyncset.done $0x0  }
0x86: {  	[sflag:s21] =	ssyncadd.s32 $0xFFFFD800  }
0x87: {  	s2 =	simm.s32 @p0 $0x1FC3;
	s0 =	sshrl.u32 @p0 s14, $0x3;
	[bflag:$0x0] =	sbarrier.arrive $0xFFFF  }
0x88: {  	[hbm:s18], [sflag:s2] =	dma.local @p0 [spmem:s0], $0x1900  }
0x89: {  	s0 =	simm.s32 @p0 $0x3  }
0x8a: {  	s29 =	sadd.s32 $0x1, s29;
	s2 =	stileid.u32;
	_ =	swait.ge @p0 [sflag:s0], $0x1900  }
0x8b: {  	p1 =	sne.s32 s29, s19;
	s2 =	sshll.u32 @!p0 s2, $0x6;
	[sflag:s0] =	ssyncset.done @p0 $0x0  }
0x8c: {  	[sflag:s0] =	ssyncadd.s32 @p0 $0xFFFFE700;
	s0 =	sor.u32 @!p0 $0x1C03, s2;
	s2 =	sshrl.u32 @!p0 s5, $0x3  }
0x8d: {  	[hbm:s17], [sflag:s0] =	dma.local @!p0 [spmem:s2], $0x2800  }
.Ltmp2:
0x8e: {  	_ = 	snop;
	(pc) =	sbr.rel @p1 .LBB2_1-.Ltmp2, $4  }
0x8f: {  	s0 =	simm.s32 @!p0 $0x3  }
0x90: {  	_ =	swait.ge @!p0 [sflag:s0], $0x2800  }
0x91: {  	[sflag:s0] =	ssyncset.done @!p0 $0x0  }
0x92: {  	[sflag:s0] =	ssyncadd.s32 @!p0 $0xFFFFD800  }
0x93: {  	_ =	sfence.sel $0x180000  }
0x94: {  	[bflag:$0x0] =	sbarrier.arrive $0xFFFF  }
0x95: {  	_ =	strace $0x9000004D  }
0x96: {  	s0 =	stileid.u32;
	[bflag:$0x2] =	sbarrier.arrive $0xFFFF  }
0x97: {  	p0 =	sne.s32 s0, $0x0;
	s0 =	rddreg [dreg:$0x3]  }
0x98: {  	s0 =	sadd.s32 @!p0 $0x100000, s0  }
0x99: {  	[sflag:s0] =	ssyncadd.tile.s32 @!p0 $0x1;
	_ =	shalt  }
.Lfunc_end2:
_tile_overlayer_lowered:
.L_overlay_start_2:
0x9a: {  	(tag) =	ssettag $0x2  }
0x9b: {  	s0 =	rddreg [dreg:$0x0];
	s2 =	stileid.u32  }
0x9c: {  	s1 =	rddreg [dreg:$0x1];
	p0 =	sne.s32 s2, $0x0  }
0x9d: {  	s3 =	rddreg [dreg:$0x2];
	[bflag:$0x3] =	sbarrier.arrive $0xFFFF;
	s2 =	simm.s32 @!p0 $0x1C03  }
0x9e: {  	[timem:s3], [sflag:s2] =	dma.local @!p0 [hbm:s0], s1  }
0x9f: {  	s0 =	simm.s32 @!p0 $0x3  }
0xa0: {  	_ =	swait.ge @!p0 [sflag:s0], s1  }
0xa1: {  	s1 =	ssub.s32 @!p0 $0x0, s1;
	[sflag:s0] =	ssyncset.done @!p0 $0x0  }
0xa2: {  	[sflag:s0] =	ssyncadd.s32 @!p0 s1  }
0xa3: {  	[bflag:$0x3] =	sbarrier.arrive $0xFFFF  }
0xa4: {  	_ =	shalt  }

// kernel: kernel.19.cloned.1.call-start
scs
__scs_entry_jumppad:
0x0: {  	(pc) =	sbr.rel $0x88, $3  }
0x1: {  	(tag) =	ssettag $0x0;
	lr =	simm.s32 $0x1  }
0x2: {  	[smem:$0x3F99] =	sst lr;
	_ =	strace $0xD0000000  }
0x3: {  	_ = 	snop  }
0x4: {  	_ = 	snop  }
0x5: {  	_ = 	snop  }
0x6: {  	_ = 	snop  }
0x7: {  	_ = 	snop  }
__scs_overlays_trampoline_lowered:
0x8: {  	[smem:$0x3FA8] =	sst s0  }
0x9: {  	[smem:$0x3FA9] =	sst s1  }
0xa: {  	[smem:$0x3FAA] =	sst s2  }
0xb: {  	[smem:$0x3FAB] =	sst s3  }
0xc: {  	[smem:$0x3FAC] =	sst s4  }
0xd: {  	[smem:$0x3FAD] =	sst s5  }
0xe: {  	[smem:$0x3FAE] =	sst s6  }
0xf: {  	[smem:$0x3FAF] =	sst s7  }
0x10: {  	[smem:$0x3FB0] =	sst s8  }
0x11: {  	[smem:$0x3FB1] =	sst s9;
	s0 =	simm.s32 @!p0 $0x0  }
0x12: {  	s1 =	sld [smem:$0x3F97];
	s0 =	simm.s32 @p0 $0x1  }
0x13: {  	[smem:$0x3FB2] =	sst s0;
	s0 =	simm.s32 @!p1 $0x0  }
0x14: {  	s2 =	sld [smem:$0x3F96];
	s0 =	simm.s32 @p1 $0x1  }
0x15: {  	[smem:$0x3FB3] =	sst s0;
	s0 =	simm.s32 @!p2 $0x0  }
0x16: {  	s3 =	sld [smem:$0x3FDB];
	s0 =	simm.s32 @p2 $0x1  }
0x17: {  	s4 =	simm.s32 $0x1BF5;
	[smem:$0x3FB5] =	sst s0  }
0x18: {  	s0 =	sld [smem:$0x3F98];
	_ =	swait.ge [sflag:s4], $0x0  }
0x19: {  	s7 =	sld [smem:$0x3F99]  }
0x1a: {  	s8 =	sadd.s32 $0xFFFFE003, lr  }
0x1b: {  	s9 =	sadd.s32 $0xFFFFFEF7, lr;
	s5 =	simm.s32 $0xFFFFFFFF;
	p2 =	slt.u32 s8, $0xFFFFF086  }
0x1c: {  	p1 =	slt.u32 s9, $0xF7A;
	s5 =	simm.s32 @!p2 $0x0  }
0x1d: {  	s5 =	simm.s32 @p1 $0x1;
	p0 =	seq.s32 s7, s2  }
0x1e: {  	s7 =	smul.u32 @!p0 $0xF7A, s2;
	p2 =	seq.s32 @!p0 s5, $0x0  }
0x1f: {  	s9 =	smul.u32 $0xF7A, s1;
	s8 =	simm.s32 @!p0 $0x1BF5;
	p2 =	por !p2, p0  }
0x20: {  	[sflag:s8] =	ssyncset.s32 @!p0 $0xFFFFF086;
	s6 =	sadd.s32 @!p0 s3, s7;
	s7 =	simm.s32 @!p0 $0x108  }
0x21: {  	s3 =	sadd.s32 s3, s9;
	s6 =	sadd.s32 @!p0 $0x88, s6;
	s7 =	simm.s32 @p2 $0x1082  }
0x22: {  	[simem:s7], [sflag:s8] =	dma.local @!p0 [hbm:s6], $0xF7A  }
0x23: {  	s9 =	sor.u32 $0xD0000000, s2;
	s6 =	simm.s32 $0x108;
	_ =	swait.ge @!p0 [sflag:s8], $0x0  }
0x24: {  	s3 =	sadd.s32 $0x88, s3;
	s6 =	simm.s32 @!p1 $0x1082;
	[sflag:s4] =	ssyncset.s32 $0xFFFFF086  }
0x25: {  	[simem:s6], [sflag:s4] =	dma.local [hbm:s3], $0xF7A  }
0x26: {  	[smem:$0x3F99] =	sst s1;
	(tag) =	ssettag s2;
	_ =	strace s9  }
0x27: {  	s1 =	sld [smem:$0x3FA9]  }
0x28: {  	s2 =	sld [smem:$0x3FAA]  }
0x29: {  	s4 =	sld [smem:$0x3FAC]  }
0x2a: {  	p0 =	seq.s32 s5, $0x0;
	s5 =	sld [smem:$0x3FAD]  }
0x2b: {  	s6 =	sld [smem:$0x3FAE]  }
0x2c: {  	s7 =	sld [smem:$0x3FAF]  }
0x2d: {  	s3 =	simm.s32 $0x108;
	s8 =	sld [smem:$0x3FB0]  }
0x2e: {  	s3 =	simm.s32 @!p0 $0x1082;
	s9 =	sld [smem:$0x3FB1]  }
0x2f: {  	lr =	sadd.s32 s0, s3;
	s0 =	sld [smem:$0x3FA8]  }
0x30: {  	s3 =	sld [smem:$0x3FAB]  }
0x31: {  	[smem:$0x3FB4] =	sst s10  }
0x32: {  	s10 =	sld [smem:$0x3FB2];
	_ =	sdelay $0x3  }
0x33: {  	p0 =	seq.s32 s10, $0x1;
	s10 =	sld [smem:$0x3FB4];
	_ =	sdelay $0x3  }
0x34: {  	[smem:$0x3FB4] =	sst s10  }
0x35: {  	s10 =	sld [smem:$0x3FB3];
	_ =	sdelay $0x3  }
0x36: {  	p1 =	seq.s32 s10, $0x1;
	s10 =	sld [smem:$0x3FB4];
	_ =	sdelay $0x3  }
0x37: {  	[smem:$0x3FB4] =	sst s10  }
0x38: {  	s10 =	sld [smem:$0x3FB5]  }
0x39: {  	_ = 	snop;
	(pc) =	sbr.ind lr, $3  }
0x3a: {  	_ = 	snop  }
0x3b: {  	_ = 	snop  }
0x3c: {  	p2 =	seq.s32 s10, $0x1;
	s10 =	sld [smem:$0x3FB4]  }
0x3d: {  	_ =	shalt  }
0x3e: {  	_ =	shalt  }
0x3f: {  	_ =	shalt  }
0x40: {  	_ =	shalt  }
0x41: {  	_ =	shalt  }
0x42: {  	_ =	shalt  }
0x43: {  	_ =	shalt  }
0x44: {  	_ =	shalt  }
0x45: {  	_ =	shalt  }
0x46: {  	_ =	shalt  }
0x47: {  	_ =	shalt  }
0x48: {  	_ =	shalt  }
0x49: {  	_ =	shalt  }
0x4a: {  	_ =	shalt  }
0x4b: {  	_ =	shalt  }
0x4c: {  	_ =	shalt  }
0x4d: {  	_ =	shalt  }
0x4e: {  	_ =	shalt  }
0x4f: {  	_ =	shalt  }
0x50: {  	_ =	shalt  }
0x51: {  	_ =	shalt  }
0x52: {  	_ =	shalt  }
0x53: {  	_ =	shalt  }
0x54: {  	_ =	shalt  }
0x55: {  	_ =	shalt  }
0x56: {  	_ =	shalt  }
0x57: {  	_ =	shalt  }
0x58: {  	_ =	shalt  }
0x59: {  	_ =	shalt  }
0x5a: {  	_ =	shalt  }
0x5b: {  	_ =	shalt  }
0x5c: {  	_ =	shalt  }
0x5d: {  	_ =	shalt  }
0x5e: {  	_ =	shalt  }
0x5f: {  	_ =	shalt  }
0x60: {  	_ =	shalt  }
0x61: {  	_ =	shalt  }
0x62: {  	_ =	shalt  }
0x63: {  	_ =	shalt  }
0x64: {  	_ =	shalt  }
0x65: {  	_ =	shalt  }
0x66: {  	_ =	shalt  }
0x67: {  	_ =	shalt  }
0x68: {  	_ =	shalt  }
0x69: {  	_ =	shalt  }
0x6a: {  	_ =	shalt  }
0x6b: {  	_ =	shalt  }
0x6c: {  	_ =	shalt  }
0x6d: {  	_ =	shalt  }
0x6e: {  	_ =	shalt  }
0x6f: {  	_ =	shalt  }
0x70: {  	_ =	shalt  }
0x71: {  	_ =	shalt  }
0x72: {  	_ =	shalt  }
0x73: {  	_ =	shalt  }
0x74: {  	_ =	shalt  }
0x75: {  	_ =	shalt  }
0x76: {  	_ =	shalt  }
0x77: {  	_ =	shalt  }
0x78: {  	_ =	shalt  }
0x79: {  	_ =	shalt  }
0x7a: {  	_ =	shalt  }
0x7b: {  	_ =	shalt  }
0x7c: {  	_ =	shalt  }
0x7d: {  	_ =	shalt  }
0x7e: {  	_ =	shalt  }
0x7f: {  	_ =	shalt  }
0x80: {  	_ =	shalt  }
0x81: {  	_ =	shalt  }
0x82: {  	_ =	shalt  }
0x83: {  	_ =	shalt  }
0x84: {  	_ =	shalt  }
0x85: {  	_ =	shalt  }
0x86: {  	_ =	shalt  }
0x87: {  	_ =	shalt  }
.Lfunc_end0:
.L_simem_size_0:
called_computation.3_lowered:
.L_overlay_start_0:
0x88: {  	s2 =	sld [smem:$0x3FD9]  }
0x89: {  	s3 =	sld [smem:$0x3FFE];
	_ =	sdelay $0x1  }
0x8a: {  	s1 =	srdreg.scid  }
0x8b: {  	s0 =	sand.u32 $0x1, s1  }
0x8c: {  	s17 =	sshll.u32 s0, $0xA;
	s2 =	sadd.s32 s3, s2  }
0x8d: {  	s2 =	sadd.s32 s2, s17  }
0x8e: {  	[smem:$0x3FC0] =	sst s2  }
0x8f: {  	_ = 	snop  }
0x90: {  	s2 =	sld [smem:$0x3FD0];
	(tm) =	ssettm $0x1  }
0x91: {  	s18 =	sld [smem:$0x3FFB];
	_ =	sdelay $0x3  }
0x92: {  	_ =	strace s18  }
0x93: {  	s3 =	sld [smem:$0x3FFC];
	_ =	sdelay $0x3  }
0x94: {  	_ =	strace s3  }
0x95: {  	s3 =	sld [smem:$0x3FFD];
	_ =	sdelay $0x3  }
0x96: {  	_ =	strace s3  }
0x97: {  	_ =	strace $0x8FFFFFFF  }
0x98: {  	s19 =	sld [smem:$0x3FDB];
	_ =	sdelay $0x1  }
0x99: {  	s4 =	simm.s32 $_scs_section_size  }
0x9a: {  	s5 =	simm.s32 $_size__tile_overlayer_lowered;
	s6 =	simm.s32 $_tile_overlayer_lowered  }
0x9b: {  	s22 =	simm.s32 $0x1BFF;
	s21 =	sshll.u32 s6, $0x1;
	s3 =	sadd.s32 s4, s19  }
0x9c: {  	s7 =	simm.s32 $0x0;
	s20 =	sshll.u32 s5, $0x1;
	s5 =	sadd.s32 s21, s3  }
0x9d: {  	[timem:s7], [sflag:s22] =	dma.local [hbm:s5], s20  }
0x9e: {  	_ =	swait.ge [sflag:s22], s20  }
0x9f: {  	s4 =	ssub.s32 $0x0, s20;
	[sflag:s22] =	ssyncset.done $0x0  }
0xa0: {  	[sflag:s22] =	ssyncadd.s32 s4;
	_ =	sdelay $0x1  }
0xa1: {  	s23 =	simm.s32 $0x1B8B  }
0xa2: {  	_ =	swait.ge [sflag:s23], $0x1  }
0xa3: {  	[sflag:s23] =	ssyncset.done $0x0  }
0xa4: {  	s25 =	simm.s32 $0x1B8E;
	s24 =	sld [smem:$0x3FFE];
	[sflag:s23] =	ssyncadd.s32 $0xFFFFFFFF  }
0xa5: {  	s26 =	simm.s32 $execute0_lowered;
	[smem:$0x3FD2] =	sst s25  }
0xa6: {  	s5 =	sshll.u32 s26, $0x1;
	_ =	strace $0x8000004F;
	[dreg:$0x1] =	wrdreg $0xFFFFFFFF  }
0xa7: {  	s28 =	simm.s32 $_size_execute0_lowered;
	s3 =	sadd.s32 s3, s5;
	[dreg:$0x0] =	wrdreg $0x0  }
0xa8: {  	s5 =	sshll.u32 s28, $0x1;
	[dreg:$0x2] =	wrdreg s3  }
0xa9: {  	[dreg:$0x3] =	wrdreg s5  }
0xaa: {  	[dreg:$0x4] =	wrdreg $0xC0  }
0xab: {  	_ =	task [dreg:s7], $0x5FFFF  }
0xac: {  	[dreg:$0x1] =	wrdreg $0xFFFFFFFF  }
0xad: {  	[dreg:$0x0] =	wrdreg $0x60  }
0xae: {  	[dreg:$0x2] =	wrdreg s24  }
0xaf: {  	[dreg:$0x3] =	wrdreg s2  }
0xb0: {  	[dreg:$0x4] =	wrdreg $0xE2D00  }
0xb1: {  	[dreg:$0x5] =	wrdreg $0x6C200  }
0xb2: {  	[dreg:$0x6] =	wrdreg $0x9  }
0xb3: {  	_ =	task.clear_ibuf [dreg:s7], $0x7FFFF;
	_ =	strace $0x9000004F  }
0xb4: {  	s29 =	simm.s32 $0x9;
	_ =	strace $0x80000051  }
0xb5: {  	_ =	swait.ge [sflag:s29], $0x1  }
0xb6: {  	[sflag:s29] =	ssyncadd.s32 $0xFFFFFFFF  }
0xb7: {  	_ =	strace $0x90000051  }
0xb8: {  	_ =	sfence  }
0xb9: {  	s30 =	sld [smem:$0x0];
	_ =	sdelay $0x2  }
0xba: {  	s31 =	sshll.u32 s1, $0xD;
	s1 =	sshrl.u32 s1, $0x2  }
0xbb: {  	s3 =	sand.u32 $0x4000, s31;
	s1 =	sadd.s32 s1, s30  }
0xbc: {  	s0 =	sor.u32 s3, s0;
	s1 =	sshll.u32 s1, $0x11  }
0xbd: {  	s0 =	sor.u32 s1, s0  }
0xbe: {  	s0 =	sadd.s32 $0x8F2B, s0  }
0xbf: {  	[sflag:s0] =	ssyncadd.remote.s32 $0x1  }
0xc0: {  	_ =	sfence.sel $0xFFFF  }
0xc1: {  	[dreg:$0x0] =	wrdreg $0xFFFFFFFF;
	(pc) =	sbr.abs _section_cstart, $3  }
0xc2: {  	[dreg:$0x1] =	wrdreg $0xFFFFFFFF  }
0xc3: {  	_ =	task.clear_ibuf [dreg:s7], $0x2FFFF;
	_ =	strace $0x9FFFFFFF  }
0xc4: {  	(tm) =	ssettm $0x7FFFFFFF  }
0xc5: {  	_ =	shalt  }
tec
execute0_lowered:
.L_overlay_start_1:
0x0: {  	(tag) =	ssettag $0x1  }
0x1: {  	s0 =	rddreg [dreg:$0x0]  }
0x2: {  	s1 =	srdreg.scid;
	s4 =	rddreg [dreg:$0x1]  }
0x3: {  	s2 =	rddreg [dreg:$0x2];
	s15 =	stileid.u32  }
0x4: {  	s3 =	rddreg [dreg:$0x3];
	s8 =	simm.s32 $0x0;
	s29 =	simm.s32 $0x50  }
0x5: {  	s30 =	simm.s32 $0x5D20;
	s31 =	simm.s32 $0x1;
	s6 =	smul.u32 $0x7800, s15  }
0x6: {  	s1 =	sand.u32 $0x1, s1;
	[smem:$0x7FF] =	sst s8;
	s22 =	smul.u32 $0x1E000, s15  }
0x7: {  	s18 =	sadd.s32 $0x1BA00, s0;
	p0 =	seq.s32 s15, $0xF;
	s5 =	sshll.u32 s1, $0x4  }
0x8: {  	_ =	strace $0x80000050;
	s23 =	ssub.s32 $0x2, s1;
	s1 =	smul.u32 $0x75300, s1  }
0x9: {  	s5 =	sor.u32 s15, s5;
	s21 =	sshrl.u32 s6, $0x3;
	s10 =	sshrl.u32 s23, $0x1  }
0xa: {  	s8 =	sshrl.u32 s22, $0x2;
	s22 =	sadd.s32 $0x70800, s2;
	s7 =	smul.u32 $0x4E2, s5  }
0xb: {  	s9 =	sadd.s32 s21, s0;
	s21 =	ssub.s32 s23, s10;
	s5 =	sadd.s32 s8, s3  }
0xc: {  	s8 =	sadd.s32 s6, s2;
	s26 =	sadd.s32 s6, s1;
	s1 =	sshrl.u32 s1, $0x3  }
0xd: {  	s22 =	sshrl.u32 @p0 s22, $0x3;
	s9 =	sadd.s32 $0xCE00, s9;
	s24 =	sadd.s32 $0xF00, s5  }
0xe: {  	s25 =	sadd.s32 $0x1E00, s5;
	s10 =	sadd.s32 $0x3C00, s5;
	s11 =	sadd.s32 $0x4B00, s5  }
0xf: {  	s12 =	sadd.s32 $0x5A00, s5;
	s13 =	sadd.s32 $0x6900, s5;
	s14 =	sadd.s32 $0x7800, s5  }
0x10: {  	s28 =	sadd.s32 s18, s1;
	s1 =	sadd.s32 $0x72600, s3;
	[dreg:$0x5] =	wrdreg s9  }
0x11: {  	s21 =	smax.u32 s21, $0x1;
	s23 =	sshrl.u32 @!p0 s8, $0x3;
	[dreg:$0x6] =	wrdreg s24  }
0x12: {  	s19 =	sadd.s32 s7, s0;
	[dreg:$0x7] =	wrdreg s25;
	s9 =	sadd.s32 $0x2D00, s5  }
0x13: {  	s0 =	sadd.s32 $0x1AF00, s0;
	s16 =	sadd.s32 s4, s7;
	s4 =	sadd.s32 $0x71700, s3  }
0x14: {  	s11 =	smov.u32 @p0 s1;
	s1 =	sadd.s32 $0x74400, s3;
	s20 =	sadd.s32 $0xE100, s28  }
0x15: {  	s24 =	simm.s32 $0x4E20;
	[dreg:$0x8] =	wrdreg s0;
	s0 =	sshrl.u32 s26, $0x3  }
0x16: {  	s10 =	smov.u32 @p0 s4;
	s4 =	sadd.s32 $0x73500, s3;
	s13 =	smov.u32 @p0 s1  }
0x17: {  	s1 =	sadd.s32 $0x75300, s3;
	s19 =	sadd.s32 $0x3000, s19;
	s26 =	simm.s32 $0x3  }
0x18: {  	s17 =	sadd.s32 s18, s0;
	s12 =	smov.u32 @p0 s4;
	s18 =	sadd.s32 $0x70800, s3  }
0x19: {  	s4 =	sadd.s32 s6, s3;
	s14 =	smov.u32 @p0 s1;
	s1 =	simm.s32 $0x2  }
0x1a: {  	v0 =	vimm.f32 $0.0e+00;
	s0 =	simm.s32 $0x0;
	s9 =	smov.u32 @p0 s18;
	s25 =	sshrl.u32 @!p0 s4, $0x3  }
.LBB2_1:
0x1b: {  	s4 =	simm.s32 $0x0  }
0x1c: {  	s4 =	smul.u32 $0xAB, s4;
	_ =	sdelay $0x1  }
0x1d: {  	s4 =	sshrl.u32 s4, $0x9  }
0x1e: {  	s6 =	sand.u32 $0x7F, s4  }
0x1f: {  	s4 =	simm.s32 $0x1;
	s7 =	smul.u32 $0x3, s6  }
0x20: {  	s8 =	smul.u32 $0xAB, s4  }
0x21: {  	s6 =	smul.u32 $0xC0, s6;
	s7 =	ssub.s32 $0x0, s7  }
0x22: {  	s28 =	simm.s32 $0x2;
	s7 =	sand.u32 $0xFF, s7  }
0x23: {  	s8 =	sshrl.u32 s8, $0x9;
	s6 =	sshrl.u32 s6, $0x2;
	s7 =	sshll.u32 s7, $0x4  }
.LBB2_2:
0x24: {  	s15 =	smul.u32 $0xAB, s28;
	s8 =	sand.u32 $0x7F, s8  }
0x25: {  	s6 =	sadd.s32 s7, s6;
	p1 =	sne.s32 s28, $0xEF;
	s7 =	smul.u32 $0x3, s8  }
.Ltmp0:
0x26: {  	[tilespmem:s6+$0x4E20] =	vst v0;
	(pc) =	sbr.rel @p1 .LBB2_2-.Ltmp0, $4  }
0x27: {  	s6 =	smul.u32 $0xC0, s8;
	s8 =	smov.u32 s28  }
0x28: {  	s28 =	sadd.s32 $0x1, s28;
	s4 =	ssub.s32 s4, s7  }
0x29: {  	s7 =	sand.u32 $0xFF, s4;
	s4 =	smov.u32 s8  }
0x2a: {  	s6 =	sshrl.u32 s6, $0x2;
	s8 =	sshrl.u32 s15, $0x9;
	s7 =	sshll.u32 s7, $0x4  }
0x2b: {  	s8 =	sand.u32 $0x7F, s8  }
0x2c: {  	s15 =	smul.u32 $0x3, s8;
	_ =	sdelay $0x1  }
0x2d: {  	s8 =	smul.u32 $0xC0, s8;
	s4 =	ssub.s32 s4, s15  }
0x2e: {  	s4 =	sand.u32 $0xFF, s4  }
0x2f: {  	s6 =	sadd.s32 s7, s6;
	s15 =	sshrl.u32 s8, $0x2;
	s4 =	sshll.u32 s4, $0x4  }
0x30: {  	[tilespmem:s6+$0x4E20] =	vst v0;
	s4 =	sadd.s32 s4, s15  }
0x31: {  	s6 =	rddreg [dreg:$0x8];
	[tilespmem:s4+$0x4E20] =	vst v0;
	s4 =	simm.s32 @p0 $0x1FC3  }
0x32: {  	[spmem:s22], [sflag:s4] =	dma.local @p0 [hbm:s6], $0x960  }
0x33: {  	s4 =	simm.s32 @p0 $0x3  }
0x34: {  	s6 =	stileid.u32;
	_ =	swait.ge @p0 [sflag:s4], $0x960  }
0x35: {  	s6 =	sshll.u32 @!p0 s6, $0x6;
	[sflag:s4] =	ssyncset.done @p0 $0x0  }
0x36: {  	s28 =	sor.u32 @!p0 $0x1C03, s6;
	[sflag:s4] =	ssyncadd.s32 @p0 $0xFFFFF6A0;
	s4 =	rddreg [dreg:$0x5]  }
0x37: {  	[spmem:s23], [sflag:s28] =	dma.local @!p0 [hbm:s4], $0xF00  }
0x38: {  	s4 =	simm.s32 @!p0 $0x3  }
0x39: {  	_ =	swait.ge @!p0 [sflag:s4], $0xF00  }
0x3a: {  	[sflag:s4] =	ssyncset.done @!p0 $0x0  }
0x3b: {  	s6 =	simm.s32 @!p0 $0x4E20;
	[sflag:s4] =	ssyncadd.s32 @!p0 $0xFFFFF100  }
0x3c: {  	[spmem:s5] =	stream.linear.scatter @!p0 [tilespmem:s6], [sflag:$0x3], $0xF00, $0x38;
	[tilespmem:$0x15800] =	vst v63  }
0x3d: {  	_ =	swait.ge @!p0 [sflag:s4], $0xF00  }
0x3e: {  	[sflag:s4] =	ssyncset.done @!p0 $0x0  }
0x3f: {  	s7 =	rddreg [dreg:$0x6];
	[sflag:s4] =	ssyncadd.s32 @!p0 $0xFFFFF100  }
0x40: {  	[spmem:s7] =	stream.linear.scatter @!p0 [tilespmem:s6], [sflag:$0x3], $0xF00, $0x38;
	[tilespmem:$0x15800] =	vst v63  }
0x41: {  	_ =	swait.ge @!p0 [sflag:s4], $0xF00  }
0x42: {  	[sflag:s4] =	ssyncset.done @!p0 $0x0  }
0x43: {  	s7 =	rddreg [dreg:$0x7];
	[sflag:s4] =	ssyncadd.s32 @!p0 $0xFFFFF100  }
0x44: {  	[spmem:s7] =	stream.linear.scatter @!p0 [tilespmem:s6], [sflag:$0x3], $0xF00, $0x38;
	[tilespmem:$0x15800] =	vst v63  }
0x45: {  	_ =	swait.ge @!p0 [sflag:s4], $0xF00  }
0x46: {  	[sflag:s4] =	ssyncset.done @!p0 $0x0  }
0x47: {  	[sflag:s4] =	ssyncadd.s32 @!p0 $0xFFFFF100  }
0x48: {  	[spmem:s9] =	stream.linear.scatter [tilespmem:s24], [sflag:$0x3], $0xF00, $0x38;
	[tilespmem:$0x15800] =	vst v63  }
0x49: {  	_ =	swait.ge [sflag:s26], $0xF00  }
0x4a: {  	[sflag:s26] =	ssyncset.done $0x0  }
0x4b: {  	[sflag:s26] =	ssyncadd.s32 $0xFFFFF100  }
0x4c: {  	[spmem:s10] =	stream.linear.scatter [tilespmem:s24], [sflag:$0x3], $0xF00, $0x38;
	[tilespmem:$0x15800] =	vst v63  }
0x4d: {  	_ =	swait.ge [sflag:s26], $0xF00  }
0x4e: {  	[sflag:s26] =	ssyncset.done $0x0  }
0x4f: {  	[sflag:s26] =	ssyncadd.s32 $0xFFFFF100  }
0x50: {  	[spmem:s11] =	stream.linear.scatter [tilespmem:s24], [sflag:$0x3], $0xF00, $0x38;
	[tilespmem:$0x15800] =	vst v63  }
0x51: {  	_ =	swait.ge [sflag:s26], $0xF00  }
0x52: {  	[sflag:s26] =	ssyncset.done $0x0  }
0x53: {  	[sflag:s26] =	ssyncadd.s32 $0xFFFFF100  }
0x54: {  	[spmem:s12] =	stream.linear.scatter [tilespmem:s24], [sflag:$0x3], $0xF00, $0x38;
	[tilespmem:$0x15800] =	vst v63  }
0x55: {  	_ =	swait.ge [sflag:s26], $0xF00  }
0x56: {  	[sflag:s26] =	ssyncset.done $0x0  }
0x57: {  	[sflag:s26] =	ssyncadd.s32 $0xFFFFF100  }
0x58: {  	[spmem:s13] =	stream.linear.scatter [tilespmem:s24], [sflag:$0x3], $0xF00, $0x38;
	[tilespmem:$0x15800] =	vst v63  }
0x59: {  	_ =	swait.ge [sflag:s26], $0xF00  }
0x5a: {  	[sflag:s26] =	ssyncset.done $0x0  }
0x5b: {  	[sflag:s26] =	ssyncadd.s32 $0xFFFFF100  }
0x5c: {  	[spmem:s14] =	stream.linear.scatter [tilespmem:s24], [sflag:$0x3], $0x0, $0x38;
	[tilespmem:$0x15800] =	vst v63  }
0x5d: {  	_ =	swait.ge [sflag:s26], $0x0  }
0x5e: {  	[sflag:s26] =	ssyncset.done $0x0  }
0x5f: {  	s8 =	simm.s32 $0x0;
	[bflag:$0x0] =	sbarrier.arrive $0xFFFF  }
0x60: {  	[tilespmem:s8], [sflag:$0x3] =	stream.linear.gather [hbm4b:s16+s8], $0x2710, $0x38;
	[tilespmem:$0x15800] =	vst v63  }
0x61: {  	_ =	swait.ge [sflag:s26], $0x2710  }
0x62: {  	[sflag:s26] =	ssyncset.done $0x0  }
0x63: {  	s15 =	simm.s32 $0x2710;
	[sflag:s26] =	ssyncadd.s32 $0xFFFFD8F0  }
0x64: {  	[tilespmem:s15], [sflag:$0x3] =	stream.linear.gather [hbm4b:s19+s8], $0x2710, $0x38;
	[tilespmem:$0x15800] =	vst v63  }
0x65: {  	_ =	swait.ge [sflag:s26], $0x2710  }
0x66: {  	[sflag:s26] =	ssyncset.done $0x0  }
0x67: {  	[sflag:s26] =	ssyncadd.s32 $0xFFFFD8F0  }
0x68: {  	[tilespmem:s24], [sflag:$0x1] =	stream.indirect.gather [spmem:s2], $0x30, s8, s29, $0xb8;
	[tilespmem:$0x15800] =	vst v63  }
0x69: {  	s6 =	simm.s32 $0x50  }
0x6a: {  	[tilespmem:s30], [sflag:$0x2] =	stream.indirect.gather [spmem:s2], $0x30, s6, s29, $0xb8;
	[tilespmem:$0x15800] =	vst v63  }
0x6b: {  	_ =	swait.ge [sflag:s31], $0xF00  }
0x6c: {  	[sflag:s31] =	ssyncset.done $0x0  }
0x6d: {  	s7 =	simm.s32 $0x2710;
	[sflag:s31] =	ssyncadd.s32 $0xFFFFF100  }
0x6e: {  	[spmem:s3] =	stream.indirect.scatter.add.f32 [tilespmem:s24], [sflag:$0x3], $0x30, s7, s29, $0xb8;
	[tilespmem:$0x15800] =	vst v63  }
0x6f: {  	_ =	swait.ge [sflag:s26], $0xF00  }
0x70: {  	[sflag:s26] =	ssyncset.done $0x0  }
0x71: {  	s8 =	simm.s32 $0xA0;
	[sflag:s26] =	ssyncadd.s32 $0xFFFFF100  }
0x72: {  	[tilespmem:s24], [sflag:$0x1] =	stream.indirect.gather [spmem:s2], $0x30, s8, s29, $0xb8;
	[tilespmem:$0x15800] =	vst v63  }
0x73: {  	_ =	swait.ge [sflag:s1], $0xF00  }
0x74: {  	[sflag:s1] =	ssyncset.done $0x0  }
0x75: {  	s15 =	simm.s32 $0x2760;
	[sflag:s1] =	ssyncadd.s32 $0xFFFFF100  }
0x76: {  	[spmem:s3] =	stream.indirect.scatter.add.f32 [tilespmem:s30], [sflag:$0x3], $0x30, s15, s29, $0xb8;
	[tilespmem:$0x15800] =	vst v63  }
0x77: {  	_ =	swait.ge [sflag:s26], $0xF00  }
0x78: {  	s4 =	simm.s32 $0xA0;
	s6 =	simm.s32 $0x500;
	[sflag:s26] =	ssyncset.done $0x0  }
.LBB2_4:
0x79: {  	s7 =	sadd.s32 $0x50, s4  }
0x7a: {  	[sflag:s26] =	ssyncadd.s32 $0xFFFFF100;
	s8 =	smov.u32 s6;
	s15 =	sadd.s32 $0x280, s6  }
0x7b: {  	[tilespmem:s30], [sflag:$0x2] =	stream.indirect.gather [spmem:s2], $0x30, s7, s29, $0xb8;
	[tilespmem:$0x15800] =	vst v63  }
0x7c: {  	p1 =	sne.s32 s6, $0x9880;
	_ =	swait.ge [sflag:s31], $0xF00  }
0x7d: {  	[sflag:s31] =	ssyncset.done $0x0  }
0x7e: {  	s6 =	sadd.s32 $0x2710, s4;
	[sflag:s31] =	ssyncadd.s32 $0xFFFFF100  }
0x7f: {  	[spmem:s3] =	stream.indirect.scatter.add.f32 [tilespmem:s24], [sflag:$0x3], $0x30, s6, s29, $0xb8;
	[tilespmem:$0x15800] =	vst v63  }
0x80: {  	_ =	swait.ge [sflag:s26], $0xF00  }
0x81: {  	[sflag:s26] =	ssyncset.done $0x0  }
0x82: {  	s6 =	sadd.s32 $0xA0, s4;
	[sflag:s26] =	ssyncadd.s32 $0xFFFFF100  }
0x83: {  	[tilespmem:s24], [sflag:$0x1] =	stream.indirect.gather [spmem:s2], $0x30, s6, s29, $0xb8;
	[tilespmem:$0x15800] =	vst v63  }
0x84: {  	_ =	swait.ge [sflag:s1], $0xF00  }
.Ltmp1:
0x85: {  	[sflag:s1] =	ssyncset.done $0x0;
	(pc) =	sbr.rel @p1 .LBB2_4-.Ltmp1, $4  }
0x86: {  	s4 =	sadd.s32 $0x2760, s4;
	[sflag:s1] =	ssyncadd.s32 $0xFFFFF100  }
0x87: {  	[spmem:s3] =	stream.indirect.scatter.add.f32 [tilespmem:s30], [sflag:$0x3], $0x30, s4, s29, $0xb8;
	[tilespmem:$0x15800] =	vst v63  }
0x88: {  	_ =	swait.ge [sflag:s26], $0xF00  }
0x89: {  	s6 =	smov.u32 s15;
	s4 =	sshra.s32 s8, $0x2;
	[sflag:s26] =	ssyncset.done $0x0  }
0x8a: {  	s6 =	sadd.s32 $0x50, s4;
	[sflag:s26] =	ssyncadd.s32 $0xFFFFF100  }
0x8b: {  	[tilespmem:s30], [sflag:$0x2] =	stream.indirect.gather [spmem:s2], $0x30, s6, s29, $0xb8;
	[tilespmem:$0x15800] =	vst v63  }
0x8c: {  	_ =	swait.ge [sflag:s31], $0xF00  }
0x8d: {  	[sflag:s31] =	ssyncset.done $0x0  }
0x8e: {  	s15 =	sadd.s32 $0x2710, s4;
	[sflag:s31] =	ssyncadd.s32 $0xFFFFF100  }
0x8f: {  	[spmem:s3] =	stream.indirect.scatter.add.f32 [tilespmem:s24], [sflag:$0x3], $0x30, s15, s29, $0xb8;
	[tilespmem:$0x15800] =	vst v63  }
0x90: {  	_ =	swait.ge [sflag:s26], $0xF00  }
0x91: {  	[sflag:s26] =	ssyncset.done $0x0  }
0x92: {  	s7 =	sadd.s32 $0xA0, s4;
	[sflag:s26] =	ssyncadd.s32 $0xFFFFF100  }
0x93: {  	[tilespmem:s24], [sflag:$0x1] =	stream.indirect.gather [spmem:s2], $0x30, s7, s29, $0xb8;
	[tilespmem:$0x15800] =	vst v63  }
0x94: {  	_ =	swait.ge [sflag:s1], $0xF00  }
0x95: {  	[sflag:s1] =	ssyncset.done $0x0  }
0x96: {  	s8 =	sadd.s32 $0x2760, s4;
	[sflag:s1] =	ssyncadd.s32 $0xFFFFF100  }
0x97: {  	[spmem:s3] =	stream.indirect.scatter.add.f32 [tilespmem:s30], [sflag:$0x3], $0x30, s8, s29, $0xb8;
	[tilespmem:$0x15800] =	vst v63  }
0x98: {  	_ =	swait.ge [sflag:s26], $0xF00  }
0x99: {  	[sflag:s26] =	ssyncset.done $0x0  }
0x9a: {  	[sflag:s26] =	ssyncadd.s32 $0xFFFFF100  }
0x9b: {  	_ =	swait.ge [sflag:s31], $0xF00  }
0x9c: {  	[sflag:s31] =	ssyncset.done $0x0  }
0x9d: {  	s15 =	simm.s32 $0x4DD0;
	[sflag:s31] =	ssyncadd.s32 $0xFFFFF100  }
0x9e: {  	[spmem:s3] =	stream.indirect.scatter.add.f32 [tilespmem:s24], [sflag:$0x3], $0x30, s15, s29, $0xb8;
	[tilespmem:$0x15800] =	vst v63  }
0x9f: {  	_ =	swait.ge [sflag:s26], $0xF00  }
0xa0: {  	[sflag:s26] =	ssyncset.done $0x0  }
0xa1: {  	[sflag:s26] =	ssyncadd.s32 $0xFFFFF100  }
0xa2: {  	s4 =	sshrl.u32 @p0 s18, $0x3;
	s6 =	simm.s32 @p0 $0x1FC3;
	[bflag:$0x0] =	sbarrier.arrive $0xFFFF  }
0xa3: {  	[hbm:s20], [sflag:s6] =	dma.local @p0 [spmem:s4], $0x960  }
0xa4: {  	s4 =	simm.s32 @p0 $0x3  }
0xa5: {  	s0 =	sadd.s32 $0x1, s0;
	_ =	swait.ge @p0 [sflag:s4], $0x960  }
0xa6: {  	p1 =	sne.s32 s0, s21;
	[sflag:s4] =	ssyncset.done @p0 $0x0  }
.Ltmp2:
0xa7: {  	[sflag:s4] =	ssyncadd.s32 @p0 $0xFFFFF6A0;
	s4 =	simm.s32 @!p0 $0x3;
	(pc) =	sbr.rel @p1 .LBB2_1-.Ltmp2, $4  }
0xa8: {  	[hbm:s17], [sflag:s28] =	dma.local @!p0 [spmem:s25], $0xF00  }
0xa9: {  	_ =	swait.ge @!p0 [sflag:s4], $0xF00  }
0xaa: {  	[sflag:s4] =	ssyncset.done @!p0 $0x0  }
0xab: {  	[sflag:s4] =	ssyncadd.s32 @!p0 $0xFFFFF100  }
0xac: {  	_ =	sfence.sel $0x180000  }
0xad: {  	[bflag:$0x0] =	sbarrier.arrive $0xFFFF  }
0xae: {  	_ =	strace $0x90000050  }
0xaf: {  	s0 =	stileid.u32;
	[bflag:$0x2] =	sbarrier.arrive $0xFFFF  }
0xb0: {  	p0 =	sne.s32 s0, $0x0;
	s0 =	rddreg [dreg:$0x4]  }
0xb1: {  	s0 =	sadd.s32 @!p0 $0x100000, s0  }
0xb2: {  	[sflag:s0] =	ssyncadd.tile.s32 @!p0 $0x1;
	_ =	shalt  }
.Lfunc_end2:
_tile_overlayer_lowered:
.L_overlay_start_2:
0xb3: {  	(tag) =	ssettag $0x2  }
0xb4: {  	s0 =	rddreg [dreg:$0x0];
	s2 =	stileid.u32  }
0xb5: {  	s1 =	rddreg [dreg:$0x1];
	p0 =	sne.s32 s2, $0x0  }
0xb6: {  	s3 =	rddreg [dreg:$0x2];
	[bflag:$0x3] =	sbarrier.arrive $0xFFFF;
	s2 =	simm.s32 @!p0 $0x1C03  }
0xb7: {  	[timem:s3], [sflag:s2] =	dma.local @!p0 [hbm:s0], s1  }
0xb8: {  	s0 =	simm.s32 @!p0 $0x3  }
0xb9: {  	_ =	swait.ge @!p0 [sflag:s0], s1  }
0xba: {  	s1 =	ssub.s32 @!p0 $0x0, s1;
	[sflag:s0] =	ssyncset.done @!p0 $0x0  }
0xbb: {  	[sflag:s0] =	ssyncadd.s32 @!p0 s1  }
0xbc: {  	[bflag:$0x3] =	sbarrier.arrive $0xFFFF  }
0xbd: {  	_ =	shalt  }

</sc_bundles>
